<compile_context>
chip_gen: v7x
topology: tpu7x:2x2x1
jax: 0.10.2.dev20260603
libtpu: 0.0.44.dev20260713+nightly
codegen_flags: <defaults>
</compile_context>

<pallas_src>
import functools

import jax
import jax.numpy as jnp
from jax import lax
from jax.experimental import pallas as pl
from jax.experimental.pallas import tpu as pltpu
from jax.experimental.pallas import tpu_sc as plsc

_N = 10000
_E = 320000
_D = 128
_HD = 64
_H = 128
_A = 10
_G = 8

_NC = 2
_NS = 16
_CHUNK = 200
_EPT = _E // _NS
_CPT = _EPT // _CHUNK
_NP = 10240
_RPT = _NP // _NS
_CW = 16


@functools.lru_cache(maxsize=None)
def _make_seg_sum(with_cnt):
  mesh = plsc.VectorSubcoreMesh(core_axis_name="c", subcore_axis_name="s")
  out_type = [jax.ShapeDtypeStruct((_NC, _NP, _HD), jnp.float32)]
  scratch = [
      pltpu.VMEM((_CPT, _CHUNK), jnp.int32),
      pltpu.VMEM((_CPT, _CHUNK), jnp.int32),
      pltpu.VMEM((2, _CHUNK, _HD), jnp.float32),
      pltpu.VMEM_SHARED((_NP, _HD), jnp.float32),
      pltpu.SemaphoreType.DMA,
      pltpu.SemaphoreType.DMA,
  ]
  if with_cnt:
    out_type.append(jax.ShapeDtypeStruct((_NP, _CW), jnp.float32))
    scratch += [
        pltpu.VMEM((_CHUNK, _CW), jnp.float32),
        pltpu.VMEM_SHARED((_NP, _CW), jnp.float32),
    ]

  def body(*refs):
    if with_cnt:
      (hh, srcA, srcB, dstr, zrow, zcnt, agg_out, cnt_out,
       src_v, dst_v, rows, agg_sh, sem0, sem1, ones_v, cnt_sh) = refs
    else:
      (hh, srcA, srcB, dstr, zrow, agg_out,
       src_v, dst_v, rows, agg_sh, sem0, sem1) = refs

    cid = lax.axis_index("c")
    sid = lax.axis_index("s")

    pltpu.sync_copy(zrow, agg_sh.at[pl.ds(sid * _RPT, _RPT)])
    if with_cnt:
      pltpu.sync_copy(zcnt, cnt_sh.at[pl.ds(sid * _RPT, _RPT)])

      def initones(i, c):
        ones_v[i] = jnp.ones((_CW,), jnp.float32)
        return c
      lax.fori_loop(0, _CHUNK, initones, 0)

    @pl.when(cid == 0)
    def _():
      pltpu.sync_copy(srcA.at[sid], src_v)

    @pl.when(cid == 1)
    def _():
      pltpu.sync_copy(srcB.at[sid], src_v)

    pltpu.sync_copy(dstr.at[sid], dst_v)
    plsc.subcore_barrier()

    def scat(i, buf):
      pltpu.sync_copy(rows.at[buf], agg_sh.at[dst_v.at[i]], add=True)
      if with_cnt:
        @pl.when(cid == 0)
        def _():
          pltpu.sync_copy(ones_v, cnt_sh.at[dst_v.at[i]], add=True)

    pltpu.async_copy(hh.at[src_v.at[0]], rows.at[0], sem0)

    def body2(j, c):
      i0 = 2 * j
      pltpu.async_copy(hh.at[src_v.at[i0 + 1]], rows.at[1], sem1)
      pltpu.make_async_copy(hh.at[src_v.at[i0]], rows.at[0], sem0).wait()
      scat(i0, 0)

      @pl.when(j < _CPT // 2 - 1)
      def _():
        pltpu.async_copy(hh.at[src_v.at[i0 + 2]], rows.at[0], sem0)

      pltpu.make_async_copy(hh.at[src_v.at[i0 + 1]], rows.at[1], sem1).wait()
      scat(i0 + 1, 1)
      return c
    lax.fori_loop(0, _CPT // 2, body2, 0)

    plsc.subcore_barrier()

    pltpu.sync_copy(agg_sh.at[pl.ds(sid * _RPT, _RPT)],
                    agg_out.at[cid, pl.ds(sid * _RPT, _RPT)])
    if with_cnt:
      @pl.when(cid == 0)
      def _():
        pltpu.sync_copy(cnt_sh.at[pl.ds(sid * _RPT, _RPT)],
                        cnt_out.at[pl.ds(sid * _RPT, _RPT)])

  return pl.kernel(body, mesh=mesh,
                   out_type=out_type if with_cnt else out_type[0],
                   scratch_types=scratch,
                   compiler_params=pltpu.CompilerParams(
                       use_tc_tiling_on_sc=False))


_R = 5000


def _layer_body(alo, ahi, c0, h, wl, bl, wr, o, *, relu):
  cnt = jnp.maximum(c0[...], 1.0)
  mean = jnp.concatenate([alo[...], ahi[...]], axis=1) / cnt
  acc = jnp.dot(mean, wl[...], preferred_element_type=jnp.float32)
  acc = acc + bl[...] + jnp.dot(h[...], wr[...],
                                preferred_element_type=jnp.float32)
  if relu:
    acc = jnp.maximum(acc, 0.0)
  o[...] = acc


def _layer_tc(alo, ahi, c0, h, Wl, bl2, Wr, relu):
  return pl.pallas_call(
      functools.partial(_layer_body, relu=relu),
      grid=(_N // _R,),
      in_specs=[
          pl.BlockSpec((_R, _HD), lambda i: (i, 0)),
          pl.BlockSpec((_R, _HD), lambda i: (i, 0)),
          pl.BlockSpec((_R, 1), lambda i: (i, 0)),
          pl.BlockSpec((_R, _D), lambda i: (i, 0)),
          pl.BlockSpec((_D, _H), lambda i: (0, 0)),
          pl.BlockSpec((1, _H), lambda i: (0, 0)),
          pl.BlockSpec((_D, _H), lambda i: (0, 0)),
      ],
      out_specs=pl.BlockSpec((_R, _H), lambda i: (i, 0)),
      out_shape=jax.ShapeDtypeStruct((_N, _H), jnp.float32),
  )(alo, ahi, c0, h, Wl, bl2, Wr)


def _pool_body(h, b, wh, bh, o, acc, accn):
  i = pl.program_id(0)

  @pl.when(i == 0)
  def _init():
    acc[...] = jnp.zeros_like(acc)
    accn[...] = jnp.zeros_like(accn)

  m = (b[...] == lax.broadcasted_iota(jnp.int32, (_R, _G), 1)
       ).astype(jnp.float32)
  acc[...] += lax.dot_general(m, h[...], (((0,), (0,)), ((), ())),
                              preferred_element_type=jnp.float32)
  accn[...] += lax.dot_general(m, jnp.ones((_R, 1), jnp.float32),
                               (((0,), (0,)), ((), ())),
                               preferred_element_type=jnp.float32)

  @pl.when(i == _N // _R - 1)
  def _fin():
    pooled = acc[...] / jnp.maximum(accn[...], 1.0)
    o[...] = jnp.dot(pooled, wh[...],
                     preferred_element_type=jnp.float32) + bh[...]


def _pool(h, b2, Wh, bh2):
  return pl.pallas_call(
      _pool_body,
      grid=(_N // _R,),
      in_specs=[
          pl.BlockSpec((_R, _H), lambda i: (i, 0)),
          pl.BlockSpec((_R, 1), lambda i: (i, 0)),
          pl.BlockSpec((_H, _A), lambda i: (0, 0)),
          pl.BlockSpec((1, _A), lambda i: (0, 0)),
      ],
      out_specs=pl.BlockSpec((_G, _A), lambda i: (0, 0)),
      out_shape=jax.ShapeDtypeStruct((_G, _A), jnp.float32),
      scratch_shapes=[
          pltpu.VMEM((_G, _H), jnp.float32),
          pltpu.VMEM((_G, 1), jnp.float32),
      ],
  )(h, b2, Wh, bh2)


def kernel(x, edge_index, batch, Wl1, bl1, Wr1, Wl2, bl2, Wr2,
           Wl3, bl3, Wr3, Wl4, bl4, Wr4, Wh, bh):
  src = edge_index[0].astype(jnp.int32)
  dst = edge_index[1].astype(jnp.int32)
  srcA = (2 * src).reshape(_NS, _CPT, _CHUNK)
  srcB = (2 * src + 1).reshape(_NS, _CPT, _CHUNK)
  dstr = dst.reshape(_NS, _CPT, _CHUNK)
  zrow = jnp.zeros((_RPT, _HD), jnp.float32)
  zcnt = jnp.zeros((_RPT, _CW), jnp.float32)

  hh = x.reshape(2 * _N, _HD)
  agg, cnt = _make_seg_sum(True)(hh, srcA, srcB, dstr, zrow, zcnt)
  c0 = cnt[:_N, 0:1]

  h = _layer_tc(agg[0, :_N], agg[1, :_N], c0, x,
                Wl1, bl1.reshape(1, _H), Wr1, True)
  for (Wl, bl, Wr, relu) in ((Wl2, bl2, Wr2, True), (Wl3, bl3, Wr3, True),
                             (Wl4, bl4, Wr4, False)):
    agg = _make_seg_sum(False)(h.reshape(2 * _N, _HD), srcA, srcB, dstr, zrow)
    h = _layer_tc(agg[0, :_N], agg[1, :_N], c0, h,
                  Wl, bl.reshape(1, _H), Wr, relu)

  return _pool(h, batch.astype(jnp.int32).reshape(_N, 1),
               Wh, bh.reshape(1, _A))

# --- scband reference (transcript-rebuilt; emitter-appended) ---
"""Pipeline reference for scband-sagepolicy-network-17214228923075 (READ-ONLY COPY).

The authoritative reference and input builder live on the scoring server;
editing this copy changes nothing except your own understanding.
"""

import jax, jax.numpy as jnp
import numpy as np

N = 10000
E = 320000
D = 128
H = 128
A = 10
G = 8


def setup_inputs(seed: int = 0) -> dict:
    key = jax.random.key(seed)
    ks = jax.random.split(key, 24)
    inp = {}
    inp['x'] = jax.random.normal(ks[0], (N, D), dtype=jnp.float32)
    inp['edge_index'] = jax.random.randint(ks[1], (2, E), 0, N)
    inp['batch'] = jnp.sort(jax.random.randint(ks[2], (N,), 0, G))
    dims = [D, H, H, H]
    for i in range(4):
        din = dims[i]
        inp[f'Wl{i+1}'] = jax.random.normal(ks[3 + 3 * i], (din, H), dtype=jnp.float32) * (1.0 / np.sqrt(din))
        inp[f'bl{i+1}'] = jnp.zeros((H,), dtype=jnp.float32)
        inp[f'Wr{i+1}'] = jax.random.normal(ks[4 + 3 * i], (din, H), dtype=jnp.float32) * (1.0 / np.sqrt(din))
    inp['Wh'] = jax.random.normal(ks[20], (H, A), dtype=jnp.float32) * 0.01
    inp['bh'] = jnp.zeros((A,), dtype=jnp.float32)
    return inp


def _sage_conv(h, src, dst, Wl, bl, Wr):
    # PyG SAGEConv (aggr='mean', root_weight=True):
    # out = lin_l(mean_{j in N(i)} x_j) + lin_r(x_i)
    agg = jax.ops.segment_sum(h[src], dst, num_segments=N)
    cnt = jax.ops.segment_sum(jnp.ones((src.shape[0],), h.dtype), dst, num_segments=N)
    mean = agg / jnp.maximum(cnt, 1.0)[:, None]
    return mean @ Wl + bl + h @ Wr


def reference(x, edge_index, batch, Wl1, bl1, Wr1, Wl2, bl2, Wr2, Wl3, bl3, Wr3, Wl4, bl4, Wr4, Wh, bh):
    src = edge_index[0]
    dst = edge_index[1]
    params = [(Wl1, bl1, Wr1), (Wl2, bl2, Wr2), (Wl3, bl3, Wr3), (Wl4, bl4, Wr4)]
    h = x
    for i, (Wl, bl, Wr) in enumerate(params):
        h = _sage_conv(h, src, dst, Wl, bl, Wr)
        if i < 3:  # BasicGNN: no activation after last layer when out_channels set
            h = jax.nn.relu(h)
    gsum = jax.ops.segment_sum(h, batch, num_segments=G)
    gcnt = jax.ops.segment_sum(jnp.ones((N,), h.dtype), batch, num_segments=G)
    pooled = gsum / jnp.maximum(gcnt, 1.0)[:, None]
    return pooled @ Wh + bh

if __name__ == "__main__":
    import jax
    _d = setup_inputs()
    print(jax.jit(kernel)(*tuple(_d.values())))

</pallas_src>

<mosaic_0001>
#map = affine_map<(d0, d1) -> (0, 0)>
#map1 = affine_map<(d0, d1) -> (0, 0, 0)>
module attributes {stable_mosaic.version = 14 : i64} {
  func.func @body(%arg0: i32, %arg1: i32, %arg2: memref<20000x64xf32, #tpu.memory_space<hbm>>, %arg3: memref<16x100x200xi32, #tpu.memory_space<hbm>>, %arg4: memref<16x100x200xi32, #tpu.memory_space<hbm>>, %arg5: memref<16x100x200xi32, #tpu.memory_space<hbm>>, %arg6: memref<640x64xf32, #tpu.memory_space<hbm>>, %arg7: memref<2x10240x64xf32, #tpu.memory_space<hbm>>, %arg8: memref<100x200xi32, #tpu.memory_space<vmem>>, %arg9: memref<100x200xi32, #tpu.memory_space<vmem>>, %arg10: memref<2x200x64xf32, #tpu.memory_space<vmem>>, %arg11: memref<10240x64xf32, #tpu.memory_space<vmem_shared>>, %arg12: memref<!tpu.dma_semaphore, #tpu.memory_space<semaphore_mem>>, %arg13: memref<!tpu.dma_semaphore, #tpu.memory_space<semaphore_mem>>) attributes {dimension_semantics = [#tpu.dimension_semantics<core_parallel>, #tpu.dimension_semantics<subcore_parallel>], iteration_bounds = array<i64: 2, 16>, scalar_prefetch = 0 : i64, scratch_operands = 6 : i64, tpu.core_type = #tpu.core_type<sc_vector_subcore>, window_params = [{transform_indices = #map}, {transform_indices = #map1}, {transform_indices = #map1}, {transform_indices = #map1}, {transform_indices = #map}, {transform_indices = #map1}]} {
    %mul3A = arith.constant 640 : i32
    %mul3A_0 = arith.muli %arg1, %mul3A : i32
    "tpu.region"() ({
      %run_scoped3A = tpu.sem_alloc : memref<!tpu.dma_semaphore, #tpu.memory_space<semaphore_mem>>
      %dma_start3A_29 = arith.constant 0 : i32
      %dma_start3A_30 = tpu.memref_slice %arg11[%mul3A_0, %dma_start3A_29] : memref<10240x64xf32, #tpu.memory_space<vmem_shared>> -> memref<640x64xf32, #tpu.memory_space<vmem_shared>>
      tpu.enqueue_dma source(%arg6 : memref<640x64xf32, #tpu.memory_space<hbm>>) target(%dma_start3A_30 : memref<640x64xf32, #tpu.memory_space<vmem_shared>>) target_semaphore(%run_scoped3A : memref<!tpu.dma_semaphore, #tpu.memory_space<semaphore_mem>>)
      %dma_wait3A = arith.constant 0 : i32
      %dma_wait3A_31 = tpu.memref_slice %arg11[%mul3A_0, %dma_wait3A] : memref<10240x64xf32, #tpu.memory_space<vmem_shared>> -> memref<640x64xf32, #tpu.memory_space<vmem_shared>>
      tpu.wait_dma2 semaphore(%run_scoped3A : memref<!tpu.dma_semaphore, #tpu.memory_space<semaphore_mem>>) src(%arg6 : memref<640x64xf32, #tpu.memory_space<hbm>>) dst(%dma_wait3A_31 : memref<640x64xf32, #tpu.memory_space<vmem_shared>>)
      tpu.yield
    }) : () -> ()
    %eq3A = arith.constant 0 : i32
    %eq3A_1 = arith.cmpi eq, %arg0, %eq3A : i32
    %convert_element_type3A = arith.extui %eq3A_1 : i1 to i32
    %cond3A = arith.constant 0 : i32
    %cond3A_2 = arith.cmpi ne, %convert_element_type3A, %cond3A : i32
    scf.if %cond3A_2 {
      "tpu.region"() ({
        %run_scoped3A = tpu.sem_alloc : memref<!tpu.dma_semaphore, #tpu.memory_space<semaphore_mem>>
        %dma_start3A_29 = arith.constant 0 : i32
        %dma_start3A_30 = arith.constant 0 : i32
        %dma_start3A_31 = tpu.memref_slice %arg3[%arg1, %dma_start3A_29, %dma_start3A_30] : memref<16x100x200xi32, #tpu.memory_space<hbm>> -> memref<1x100x200xi32, #tpu.memory_space<hbm>>
        %dma_start3A_32 = tpu.memref_squeeze %dma_start3A_31 : memref<1x100x200xi32, #tpu.memory_space<hbm>> -> memref<100x200xi32, #tpu.memory_space<hbm>>
        %dma_start3A_33 = arith.constant 0 : i32
        %dma_start3A_34 = arith.constant 0 : i32
        %dma_start3A_35 = tpu.memref_slice %arg3[%arg1, %dma_start3A_33, %dma_start3A_34] : memref<16x100x200xi32, #tpu.memory_space<hbm>> -> memref<1x100x200xi32, #tpu.memory_space<hbm>>
        %dma_start3A_36 = tpu.memref_squeeze %dma_start3A_35 : memref<1x100x200xi32, #tpu.memory_space<hbm>> -> memref<100x200xi32, #tpu.memory_space<hbm>>
        tpu.enqueue_dma source(%dma_start3A_36 : memref<100x200xi32, #tpu.memory_space<hbm>>) target(%arg8 : memref<100x200xi32, #tpu.memory_space<vmem>>) target_semaphore(%run_scoped3A : memref<!tpu.dma_semaphore, #tpu.memory_space<semaphore_mem>>)
        %dma_wait3A = arith.constant 0 : i32
        %dma_wait3A_37 = arith.constant 0 : i32
        %dma_wait3A_38 = tpu.memref_slice %arg3[%arg1, %dma_wait3A, %dma_wait3A_37] : memref<16x100x200xi32, #tpu.memory_space<hbm>> -> memref<1x100x200xi32, #tpu.memory_space<hbm>>
        %dma_wait3A_39 = tpu.memref_squeeze %dma_wait3A_38 : memref<1x100x200xi32, #tpu.memory_space<hbm>> -> memref<100x200xi32, #tpu.memory_space<hbm>>
        %dma_wait3A_40 = arith.constant 0 : i32
        %dma_wait3A_41 = arith.constant 0 : i32
        %dma_wait3A_42 = tpu.memref_slice %arg3[%arg1, %dma_wait3A_40, %dma_wait3A_41] : memref<16x100x200xi32, #tpu.memory_space<hbm>> -> memref<1x100x200xi32, #tpu.memory_space<hbm>>
        %dma_wait3A_43 = tpu.memref_squeeze %dma_wait3A_42 : memref<1x100x200xi32, #tpu.memory_space<hbm>> -> memref<100x200xi32, #tpu.memory_space<hbm>>
        tpu.wait_dma2 semaphore(%run_scoped3A : memref<!tpu.dma_semaphore, #tpu.memory_space<semaphore_mem>>) src(%dma_wait3A_43 : memref<100x200xi32, #tpu.memory_space<hbm>>) dst(%arg8 : memref<100x200xi32, #tpu.memory_space<vmem>>)
        tpu.yield
      }) : () -> ()
    } else {
    }
    %eq3A_3 = arith.constant 1 : i32
    %eq3A_4 = arith.cmpi eq, %arg0, %eq3A_3 : i32
    %convert_element_type3A_5 = arith.extui %eq3A_4 : i1 to i32
    %cond3A_6 = arith.constant 0 : i32
    %cond3A_7 = arith.cmpi ne, %convert_element_type3A_5, %cond3A_6 : i32
    scf.if %cond3A_7 {
      "tpu.region"() ({
        %run_scoped3A = tpu.sem_alloc : memref<!tpu.dma_semaphore, #tpu.memory_space<semaphore_mem>>
        %dma_start3A_29 = arith.constant 0 : i32
        %dma_start3A_30 = arith.constant 0 : i32
        %dma_start3A_31 = tpu.memref_slice %arg4[%arg1, %dma_start3A_29, %dma_start3A_30] : memref<16x100x200xi32, #tpu.memory_space<hbm>> -> memref<1x100x200xi32, #tpu.memory_space<hbm>>
        %dma_start3A_32 = tpu.memref_squeeze %dma_start3A_31 : memref<1x100x200xi32, #tpu.memory_space<hbm>> -> memref<100x200xi32, #tpu.memory_space<hbm>>
        %dma_start3A_33 = arith.constant 0 : i32
        %dma_start3A_34 = arith.constant 0 : i32
        %dma_start3A_35 = tpu.memref_slice %arg4[%arg1, %dma_start3A_33, %dma_start3A_34] : memref<16x100x200xi32, #tpu.memory_space<hbm>> -> memref<1x100x200xi32, #tpu.memory_space<hbm>>
        %dma_start3A_36 = tpu.memref_squeeze %dma_start3A_35 : memref<1x100x200xi32, #tpu.memory_space<hbm>> -> memref<100x200xi32, #tpu.memory_space<hbm>>
        tpu.enqueue_dma source(%dma_start3A_36 : memref<100x200xi32, #tpu.memory_space<hbm>>) target(%arg8 : memref<100x200xi32, #tpu.memory_space<vmem>>) target_semaphore(%run_scoped3A : memref<!tpu.dma_semaphore, #tpu.memory_space<semaphore_mem>>)
        %dma_wait3A = arith.constant 0 : i32
        %dma_wait3A_37 = arith.constant 0 : i32
        %dma_wait3A_38 = tpu.memref_slice %arg4[%arg1, %dma_wait3A, %dma_wait3A_37] : memref<16x100x200xi32, #tpu.memory_space<hbm>> -> memref<1x100x200xi32, #tpu.memory_space<hbm>>
        %dma_wait3A_39 = tpu.memref_squeeze %dma_wait3A_38 : memref<1x100x200xi32, #tpu.memory_space<hbm>> -> memref<100x200xi32, #tpu.memory_space<hbm>>
        %dma_wait3A_40 = arith.constant 0 : i32
        %dma_wait3A_41 = arith.constant 0 : i32
        %dma_wait3A_42 = tpu.memref_slice %arg4[%arg1, %dma_wait3A_40, %dma_wait3A_41] : memref<16x100x200xi32, #tpu.memory_space<hbm>> -> memref<1x100x200xi32, #tpu.memory_space<hbm>>
        %dma_wait3A_43 = tpu.memref_squeeze %dma_wait3A_42 : memref<1x100x200xi32, #tpu.memory_space<hbm>> -> memref<100x200xi32, #tpu.memory_space<hbm>>
        tpu.wait_dma2 semaphore(%run_scoped3A : memref<!tpu.dma_semaphore, #tpu.memory_space<semaphore_mem>>) src(%dma_wait3A_43 : memref<100x200xi32, #tpu.memory_space<hbm>>) dst(%arg8 : memref<100x200xi32, #tpu.memory_space<vmem>>)
        tpu.yield
      }) : () -> ()
    } else {
    }
    "tpu.region"() ({
      %run_scoped3A = tpu.sem_alloc : memref<!tpu.dma_semaphore, #tpu.memory_space<semaphore_mem>>
      %dma_start3A_29 = arith.constant 0 : i32
      %dma_start3A_30 = arith.constant 0 : i32
      %dma_start3A_31 = tpu.memref_slice %arg5[%arg1, %dma_start3A_29, %dma_start3A_30] : memref<16x100x200xi32, #tpu.memory_space<hbm>> -> memref<1x100x200xi32, #tpu.memory_space<hbm>>
      %dma_start3A_32 = tpu.memref_squeeze %dma_start3A_31 : memref<1x100x200xi32, #tpu.memory_space<hbm>> -> memref<100x200xi32, #tpu.memory_space<hbm>>
      %dma_start3A_33 = arith.constant 0 : i32
      %dma_start3A_34 = arith.constant 0 : i32
      %dma_start3A_35 = tpu.memref_slice %arg5[%arg1, %dma_start3A_33, %dma_start3A_34] : memref<16x100x200xi32, #tpu.memory_space<hbm>> -> memref<1x100x200xi32, #tpu.memory_space<hbm>>
      %dma_start3A_36 = tpu.memref_squeeze %dma_start3A_35 : memref<1x100x200xi32, #tpu.memory_space<hbm>> -> memref<100x200xi32, #tpu.memory_space<hbm>>
      tpu.enqueue_dma source(%dma_start3A_36 : memref<100x200xi32, #tpu.memory_space<hbm>>) target(%arg9 : memref<100x200xi32, #tpu.memory_space<vmem>>) target_semaphore(%run_scoped3A : memref<!tpu.dma_semaphore, #tpu.memory_space<semaphore_mem>>)
      %dma_wait3A = arith.constant 0 : i32
      %dma_wait3A_37 = arith.constant 0 : i32
      %dma_wait3A_38 = tpu.memref_slice %arg5[%arg1, %dma_wait3A, %dma_wait3A_37] : memref<16x100x200xi32, #tpu.memory_space<hbm>> -> memref<1x100x200xi32, #tpu.memory_space<hbm>>
      %dma_wait3A_39 = tpu.memref_squeeze %dma_wait3A_38 : memref<1x100x200xi32, #tpu.memory_space<hbm>> -> memref<100x200xi32, #tpu.memory_space<hbm>>
      %dma_wait3A_40 = arith.constant 0 : i32
      %dma_wait3A_41 = arith.constant 0 : i32
      %dma_wait3A_42 = tpu.memref_slice %arg5[%arg1, %dma_wait3A_40, %dma_wait3A_41] : memref<16x100x200xi32, #tpu.memory_space<hbm>> -> memref<1x100x200xi32, #tpu.memory_space<hbm>>
      %dma_wait3A_43 = tpu.memref_squeeze %dma_wait3A_42 : memref<1x100x200xi32, #tpu.memory_space<hbm>> -> memref<100x200xi32, #tpu.memory_space<hbm>>
      tpu.wait_dma2 semaphore(%run_scoped3A : memref<!tpu.dma_semaphore, #tpu.memory_space<semaphore_mem>>) src(%dma_wait3A_43 : memref<100x200xi32, #tpu.memory_space<hbm>>) dst(%arg9 : memref<100x200xi32, #tpu.memory_space<vmem>>)
      tpu.yield
    }) : () -> ()
    %barrier3A = arith.constant 0 : index
    tpu.barrier barrier_id(%barrier3A)
    %dma_start3A = arith.constant 0 : i32
    %dma_start3A_8 = arith.constant 0 : i32
    %dma_start3A_9 = arith.constant 0 : i32
    %dma_start3A_10 = arith.constant 0 : i32
    %dma_start3A_11 = tpu.memref_slice %arg10[%dma_start3A_8, %dma_start3A_9, %dma_start3A_10] : memref<2x200x64xf32, #tpu.memory_space<vmem>> -> memref<1x200x64xf32, #tpu.memory_space<vmem>>
    %dma_start3A_12 = tpu.memref_squeeze %dma_start3A_11 : memref<1x200x64xf32, #tpu.memory_space<vmem>> -> memref<200x64xf32, #tpu.memory_space<vmem>>
    %dma_start3A_13 = arith.constant 0 : i32
    %dma_start3A_14 = tpu.memref_slice %arg8[%dma_start3A, %dma_start3A_13] : memref<100x200xi32, #tpu.memory_space<vmem>> -> memref<1x200xi32, #tpu.memory_space<vmem>>
    %dma_start3A_15 = tpu.memref_squeeze %dma_start3A_14 : memref<1x200xi32, #tpu.memory_space<vmem>> -> memref<200xi32, #tpu.memory_space<vmem>>
    %dma_start3A_16 = arith.constant 0 : i32
    %dma_start3A_17 = arith.constant 0 : i32
    %dma_start3A_18 = tpu.memref_slice %arg2[%dma_start3A_16, %dma_start3A_17] : memref<20000x64xf32, #tpu.memory_space<hbm>> -> memref<20000x64xf32, #tpu.memory_space<hbm>>
    tpu.enqueue_indirect_dma source(%dma_start3A_18 : memref<20000x64xf32, #tpu.memory_space<hbm>>) target(%dma_start3A_12 : memref<200x64xf32, #tpu.memory_space<vmem>>) offsets(%dma_start3A_15 : memref<200xi32, #tpu.memory_space<vmem>>) semaphore(%arg12 : memref<!tpu.dma_semaphore, #tpu.memory_space<semaphore_mem>>)
    %scan3A = arith.constant 0 : i32
    %scan3A_19 = arith.constant 0 : i32
    %scan3A_20 = arith.constant 50 : i32
    %scan3A_21 = arith.addi %scan3A_19, %scan3A_20 : i32
    %scan3A_22 = arith.constant 1 : i32
    scf.for %scan3A_29 = %scan3A_19 to %scan3A_21 step %scan3A_22  : i32 {
      %mul3A_30 = arith.constant 2 : i32
      %mul3A_31 = arith.muli %mul3A_30, %scan3A_29 : i32
      %add3A = arith.constant 1 : i32
      %add3A_32 = arith.addi %mul3A_31, %add3A : i32
      %dma_start3A_33 = arith.constant 1 : i32
      %dma_start3A_34 = arith.constant 0 : i32
      %dma_start3A_35 = arith.constant 0 : i32
      %dma_start3A_36 = tpu.memref_slice %arg10[%dma_start3A_33, %dma_start3A_34, %dma_start3A_35] : memref<2x200x64xf32, #tpu.memory_space<vmem>> -> memref<1x200x64xf32, #tpu.memory_space<vmem>>
      %dma_start3A_37 = tpu.memref_squeeze %dma_start3A_36 : memref<1x200x64xf32, #tpu.memory_space<vmem>> -> memref<200x64xf32, #tpu.memory_space<vmem>>
      %dma_start3A_38 = arith.constant 0 : i32
      %dma_start3A_39 = tpu.memref_slice %arg8[%add3A_32, %dma_start3A_38] : memref<100x200xi32, #tpu.memory_space<vmem>> -> memref<1x200xi32, #tpu.memory_space<vmem>>
      %dma_start3A_40 = tpu.memref_squeeze %dma_start3A_39 : memref<1x200xi32, #tpu.memory_space<vmem>> -> memref<200xi32, #tpu.memory_space<vmem>>
      %dma_start3A_41 = arith.constant 0 : i32
      %dma_start3A_42 = arith.constant 0 : i32
      %dma_start3A_43 = tpu.memref_slice %arg2[%dma_start3A_41, %dma_start3A_42] : memref<20000x64xf32, #tpu.memory_space<hbm>> -> memref<20000x64xf32, #tpu.memory_space<hbm>>
      tpu.enqueue_indirect_dma source(%dma_start3A_43 : memref<20000x64xf32, #tpu.memory_space<hbm>>) target(%dma_start3A_37 : memref<200x64xf32, #tpu.memory_space<vmem>>) offsets(%dma_start3A_40 : memref<200xi32, #tpu.memory_space<vmem>>) semaphore(%arg13 : memref<!tpu.dma_semaphore, #tpu.memory_space<semaphore_mem>>)
      %dma_wait3A = arith.constant 0 : i32
      %dma_wait3A_44 = arith.constant 0 : i32
      %dma_wait3A_45 = arith.constant 0 : i32
      %dma_wait3A_46 = tpu.memref_slice %arg10[%dma_wait3A, %dma_wait3A_44, %dma_wait3A_45] : memref<2x200x64xf32, #tpu.memory_space<vmem>> -> memref<1x200x64xf32, #tpu.memory_space<vmem>>
      %dma_wait3A_47 = tpu.memref_squeeze %dma_wait3A_46 : memref<1x200x64xf32, #tpu.memory_space<vmem>> -> memref<200x64xf32, #tpu.memory_space<vmem>>
      %dma_wait3A_48 = arith.constant 0 : i32
      %dma_wait3A_49 = tpu.memref_slice %arg8[%mul3A_31, %dma_wait3A_48] : memref<100x200xi32, #tpu.memory_space<vmem>> -> memref<1x200xi32, #tpu.memory_space<vmem>>
      %dma_wait3A_50 = tpu.memref_squeeze %dma_wait3A_49 : memref<1x200xi32, #tpu.memory_space<vmem>> -> memref<200xi32, #tpu.memory_space<vmem>>
      %dma_wait3A_51 = arith.constant 0 : i32
      %dma_wait3A_52 = arith.constant 0 : i32
      %dma_wait3A_53 = tpu.memref_slice %arg2[%dma_wait3A_51, %dma_wait3A_52] : memref<20000x64xf32, #tpu.memory_space<hbm>> -> memref<20000x64xf32, #tpu.memory_space<hbm>>
      tpu.wait_indirect_dma semaphore(%arg12 : memref<!tpu.dma_semaphore, #tpu.memory_space<semaphore_mem>>) src(%dma_wait3A_53 : memref<20000x64xf32, #tpu.memory_space<hbm>>) dst(%dma_wait3A_47 : memref<200x64xf32, #tpu.memory_space<vmem>>)
      %run_scoped3A = arith.constant 0 : i32
      "tpu.region"() ({
        %run_scoped3A_74 = tpu.sem_alloc : memref<!tpu.dma_semaphore, #tpu.memory_space<semaphore_mem>>
        %dma_start3A_75 = arith.constant 0 : i32
        %dma_start3A_76 = arith.constant 0 : i32
        %dma_start3A_77 = tpu.memref_slice %arg10[%run_scoped3A, %dma_start3A_75, %dma_start3A_76] : memref<2x200x64xf32, #tpu.memory_space<vmem>> -> memref<1x200x64xf32, #tpu.memory_space<vmem>>
        %dma_start3A_78 = tpu.memref_squeeze %dma_start3A_77 : memref<1x200x64xf32, #tpu.memory_space<vmem>> -> memref<200x64xf32, #tpu.memory_space<vmem>>
        %dma_start3A_79 = arith.constant 0 : i32
        %dma_start3A_80 = tpu.memref_slice %arg9[%mul3A_31, %dma_start3A_79] : memref<100x200xi32, #tpu.memory_space<vmem>> -> memref<1x200xi32, #tpu.memory_space<vmem>>
        %dma_start3A_81 = tpu.memref_squeeze %dma_start3A_80 : memref<1x200xi32, #tpu.memory_space<vmem>> -> memref<200xi32, #tpu.memory_space<vmem>>
        %dma_start3A_82 = arith.constant 0 : i32
        %dma_start3A_83 = arith.constant 0 : i32
        %dma_start3A_84 = tpu.memref_slice %arg11[%dma_start3A_82, %dma_start3A_83] : memref<10240x64xf32, #tpu.memory_space<vmem_shared>> -> memref<10240x64xf32, #tpu.memory_space<vmem_shared>>
        tpu.enqueue_indirect_dma source(%dma_start3A_78 : memref<200x64xf32, #tpu.memory_space<vmem>>) target(%dma_start3A_84 : memref<10240x64xf32, #tpu.memory_space<vmem_shared>>) offsets(%dma_start3A_81 : memref<200xi32, #tpu.memory_space<vmem>>) semaphore(%run_scoped3A_74 : memref<!tpu.dma_semaphore, #tpu.memory_space<semaphore_mem>>) {add = true}
        %dma_wait3A_85 = arith.constant 0 : i32
        %dma_wait3A_86 = arith.constant 0 : i32
        %dma_wait3A_87 = tpu.memref_slice %arg10[%run_scoped3A, %dma_wait3A_85, %dma_wait3A_86] : memref<2x200x64xf32, #tpu.memory_space<vmem>> -> memref<1x200x64xf32, #tpu.memory_space<vmem>>
        %dma_wait3A_88 = tpu.memref_squeeze %dma_wait3A_87 : memref<1x200x64xf32, #tpu.memory_space<vmem>> -> memref<200x64xf32, #tpu.memory_space<vmem>>
        %dma_wait3A_89 = arith.constant 0 : i32
        %dma_wait3A_90 = tpu.memref_slice %arg9[%mul3A_31, %dma_wait3A_89] : memref<100x200xi32, #tpu.memory_space<vmem>> -> memref<1x200xi32, #tpu.memory_space<vmem>>
        %dma_wait3A_91 = tpu.memref_squeeze %dma_wait3A_90 : memref<1x200xi32, #tpu.memory_space<vmem>> -> memref<200xi32, #tpu.memory_space<vmem>>
        %dma_wait3A_92 = arith.constant 0 : i32
        %dma_wait3A_93 = arith.constant 0 : i32
        %dma_wait3A_94 = tpu.memref_slice %arg11[%dma_wait3A_92, %dma_wait3A_93] : memref<10240x64xf32, #tpu.memory_space<vmem_shared>> -> memref<10240x64xf32, #tpu.memory_space<vmem_shared>>
        tpu.wait_indirect_dma semaphore(%run_scoped3A_74 : memref<!tpu.dma_semaphore, #tpu.memory_space<semaphore_mem>>) src(%dma_wait3A_88 : memref<200x64xf32, #tpu.memory_space<vmem>>) dst(%dma_wait3A_94 : memref<10240x64xf32, #tpu.memory_space<vmem_shared>>)
        tpu.yield
      }) : () -> ()
      %lt3A = arith.constant 49 : i32
      %lt3A_54 = arith.cmpi slt, %scan3A_29, %lt3A : i32
      %convert_element_type3A_55 = arith.extui %lt3A_54 : i1 to i32
      %cond3A_56 = arith.constant 0 : i32
      %cond3A_57 = arith.cmpi ne, %convert_element_type3A_55, %cond3A_56 : i32
      scf.if %cond3A_57 {
        %add3A_74 = arith.constant 2 : i32
        %add3A_75 = arith.addi %mul3A_31, %add3A_74 : i32
        %dma_start3A_76 = arith.constant 0 : i32
        %dma_start3A_77 = arith.constant 0 : i32
        %dma_start3A_78 = arith.constant 0 : i32
        %dma_start3A_79 = tpu.memref_slice %arg10[%dma_start3A_76, %dma_start3A_77, %dma_start3A_78] : memref<2x200x64xf32, #tpu.memory_space<vmem>> -> memref<1x200x64xf32, #tpu.memory_space<vmem>>
        %dma_start3A_80 = tpu.memref_squeeze %dma_start3A_79 : memref<1x200x64xf32, #tpu.memory_space<vmem>> -> memref<200x64xf32, #tpu.memory_space<vmem>>
        %dma_start3A_81 = arith.constant 0 : i32
        %dma_start3A_82 = tpu.memref_slice %arg8[%add3A_75, %dma_start3A_81] : memref<100x200xi32, #tpu.memory_space<vmem>> -> memref<1x200xi32, #tpu.memory_space<vmem>>
        %dma_start3A_83 = tpu.memref_squeeze %dma_start3A_82 : memref<1x200xi32, #tpu.memory_space<vmem>> -> memref<200xi32, #tpu.memory_space<vmem>>
        %dma_start3A_84 = arith.constant 0 : i32
        %dma_start3A_85 = arith.constant 0 : i32
        %dma_start3A_86 = tpu.memref_slice %arg2[%dma_start3A_84, %dma_start3A_85] : memref<20000x64xf32, #tpu.memory_space<hbm>> -> memref<20000x64xf32, #tpu.memory_space<hbm>>
        tpu.enqueue_indirect_dma source(%dma_start3A_86 : memref<20000x64xf32, #tpu.memory_space<hbm>>) target(%dma_start3A_80 : memref<200x64xf32, #tpu.memory_space<vmem>>) offsets(%dma_start3A_83 : memref<200xi32, #tpu.memory_space<vmem>>) semaphore(%arg12 : memref<!tpu.dma_semaphore, #tpu.memory_space<semaphore_mem>>)
      } else {
      }
      %add3A_58 = arith.constant 1 : i32
      %add3A_59 = arith.addi %mul3A_31, %add3A_58 : i32
      %dma_wait3A_60 = arith.constant 1 : i32
      %dma_wait3A_61 = arith.constant 0 : i32
      %dma_wait3A_62 = arith.constant 0 : i32
      %dma_wait3A_63 = tpu.memref_slice %arg10[%dma_wait3A_60, %dma_wait3A_61, %dma_wait3A_62] : memref<2x200x64xf32, #tpu.memory_space<vmem>> -> memref<1x200x64xf32, #tpu.memory_space<vmem>>
      %dma_wait3A_64 = tpu.memref_squeeze %dma_wait3A_63 : memref<1x200x64xf32, #tpu.memory_space<vmem>> -> memref<200x64xf32, #tpu.memory_space<vmem>>
      %dma_wait3A_65 = arith.constant 0 : i32
      %dma_wait3A_66 = tpu.memref_slice %arg8[%add3A_59, %dma_wait3A_65] : memref<100x200xi32, #tpu.memory_space<vmem>> -> memref<1x200xi32, #tpu.memory_space<vmem>>
      %dma_wait3A_67 = tpu.memref_squeeze %dma_wait3A_66 : memref<1x200xi32, #tpu.memory_space<vmem>> -> memref<200xi32, #tpu.memory_space<vmem>>
      %dma_wait3A_68 = arith.constant 0 : i32
      %dma_wait3A_69 = arith.constant 0 : i32
      %dma_wait3A_70 = tpu.memref_slice %arg2[%dma_wait3A_68, %dma_wait3A_69] : memref<20000x64xf32, #tpu.memory_space<hbm>> -> memref<20000x64xf32, #tpu.memory_space<hbm>>
      tpu.wait_indirect_dma semaphore(%arg13 : memref<!tpu.dma_semaphore, #tpu.memory_space<semaphore_mem>>) src(%dma_wait3A_70 : memref<20000x64xf32, #tpu.memory_space<hbm>>) dst(%dma_wait3A_64 : memref<200x64xf32, #tpu.memory_space<vmem>>)
      %add3A_71 = arith.constant 1 : i32
      %add3A_72 = arith.addi %mul3A_31, %add3A_71 : i32
      %run_scoped3A_73 = arith.constant 1 : i32
      "tpu.region"() ({
        %run_scoped3A_74 = tpu.sem_alloc : memref<!tpu.dma_semaphore, #tpu.memory_space<semaphore_mem>>
        %dma_start3A_75 = arith.constant 0 : i32
        %dma_start3A_76 = arith.constant 0 : i32
        %dma_start3A_77 = tpu.memref_slice %arg10[%run_scoped3A_73, %dma_start3A_75, %dma_start3A_76] : memref<2x200x64xf32, #tpu.memory_space<vmem>> -> memref<1x200x64xf32, #tpu.memory_space<vmem>>
        %dma_start3A_78 = tpu.memref_squeeze %dma_start3A_77 : memref<1x200x64xf32, #tpu.memory_space<vmem>> -> memref<200x64xf32, #tpu.memory_space<vmem>>
        %dma_start3A_79 = arith.constant 0 : i32
        %dma_start3A_80 = tpu.memref_slice %arg9[%add3A_72, %dma_start3A_79] : memref<100x200xi32, #tpu.memory_space<vmem>> -> memref<1x200xi32, #tpu.memory_space<vmem>>
        %dma_start3A_81 = tpu.memref_squeeze %dma_start3A_80 : memref<1x200xi32, #tpu.memory_space<vmem>> -> memref<200xi32, #tpu.memory_space<vmem>>
        %dma_start3A_82 = arith.constant 0 : i32
        %dma_start3A_83 = arith.constant 0 : i32
        %dma_start3A_84 = tpu.memref_slice %arg11[%dma_start3A_82, %dma_start3A_83] : memref<10240x64xf32, #tpu.memory_space<vmem_shared>> -> memref<10240x64xf32, #tpu.memory_space<vmem_shared>>
        tpu.enqueue_indirect_dma source(%dma_start3A_78 : memref<200x64xf32, #tpu.memory_space<vmem>>) target(%dma_start3A_84 : memref<10240x64xf32, #tpu.memory_space<vmem_shared>>) offsets(%dma_start3A_81 : memref<200xi32, #tpu.memory_space<vmem>>) semaphore(%run_scoped3A_74 : memref<!tpu.dma_semaphore, #tpu.memory_space<semaphore_mem>>) {add = true}
        %dma_wait3A_85 = arith.constant 0 : i32
        %dma_wait3A_86 = arith.constant 0 : i32
        %dma_wait3A_87 = tpu.memref_slice %arg10[%run_scoped3A_73, %dma_wait3A_85, %dma_wait3A_86] : memref<2x200x64xf32, #tpu.memory_space<vmem>> -> memref<1x200x64xf32, #tpu.memory_space<vmem>>
        %dma_wait3A_88 = tpu.memref_squeeze %dma_wait3A_87 : memref<1x200x64xf32, #tpu.memory_space<vmem>> -> memref<200x64xf32, #tpu.memory_space<vmem>>
        %dma_wait3A_89 = arith.constant 0 : i32
        %dma_wait3A_90 = tpu.memref_slice %arg9[%add3A_72, %dma_wait3A_89] : memref<100x200xi32, #tpu.memory_space<vmem>> -> memref<1x200xi32, #tpu.memory_space<vmem>>
        %dma_wait3A_91 = tpu.memref_squeeze %dma_wait3A_90 : memref<1x200xi32, #tpu.memory_space<vmem>> -> memref<200xi32, #tpu.memory_space<vmem>>
        %dma_wait3A_92 = arith.constant 0 : i32
        %dma_wait3A_93 = arith.constant 0 : i32
        %dma_wait3A_94 = tpu.memref_slice %arg11[%dma_wait3A_92, %dma_wait3A_93] : memref<10240x64xf32, #tpu.memory_space<vmem_shared>> -> memref<10240x64xf32, #tpu.memory_space<vmem_shared>>
        tpu.wait_indirect_dma semaphore(%run_scoped3A_74 : memref<!tpu.dma_semaphore, #tpu.memory_space<semaphore_mem>>) src(%dma_wait3A_88 : memref<200x64xf32, #tpu.memory_space<vmem>>) dst(%dma_wait3A_94 : memref<10240x64xf32, #tpu.memory_space<vmem_shared>>)
        tpu.yield
      }) : () -> ()
    }
    %scan3A_23 = arith.constant 50 : i32
    %barrier3A_24 = arith.constant 0 : index
    tpu.barrier barrier_id(%barrier3A_24)
    %mul3A_25 = arith.constant 640 : i32
    %mul3A_26 = arith.muli %arg1, %mul3A_25 : i32
    %mul3A_27 = arith.constant 640 : i32
    %mul3A_28 = arith.muli %arg1, %mul3A_27 : i32
    "tpu.region"() ({
      %run_scoped3A = tpu.sem_alloc : memref<!tpu.dma_semaphore, #tpu.memory_space<semaphore_mem>>
      %dma_start3A_29 = arith.constant 0 : i32
      %dma_start3A_30 = tpu.memref_slice %arg7[%arg0, %mul3A_28, %dma_start3A_29] : memref<2x10240x64xf32, #tpu.memory_space<hbm>> -> memref<1x640x64xf32, #tpu.memory_space<hbm>>
      %dma_start3A_31 = tpu.memref_squeeze %dma_start3A_30 : memref<1x640x64xf32, #tpu.memory_space<hbm>> -> memref<640x64xf32, #tpu.memory_space<hbm>>
      %dma_start3A_32 = arith.constant 0 : i32
      %dma_start3A_33 = tpu.memref_slice %arg11[%mul3A_26, %dma_start3A_32] : memref<10240x64xf32, #tpu.memory_space<vmem_shared>> -> memref<640x64xf32, #tpu.memory_space<vmem_shared>>
      tpu.enqueue_dma source(%dma_start3A_33 : memref<640x64xf32, #tpu.memory_space<vmem_shared>>) target(%dma_start3A_31 : memref<640x64xf32, #tpu.memory_space<hbm>>) target_semaphore(%run_scoped3A : memref<!tpu.dma_semaphore, #tpu.memory_space<semaphore_mem>>)
      %dma_wait3A = arith.constant 0 : i32
      %dma_wait3A_34 = tpu.memref_slice %arg7[%arg0, %mul3A_28, %dma_wait3A] : memref<2x10240x64xf32, #tpu.memory_space<hbm>> -> memref<1x640x64xf32, #tpu.memory_space<hbm>>
      %dma_wait3A_35 = tpu.memref_squeeze %dma_wait3A_34 : memref<1x640x64xf32, #tpu.memory_space<hbm>> -> memref<640x64xf32, #tpu.memory_space<hbm>>
      %dma_wait3A_36 = arith.constant 0 : i32
      %dma_wait3A_37 = tpu.memref_slice %arg11[%mul3A_26, %dma_wait3A_36] : memref<10240x64xf32, #tpu.memory_space<vmem_shared>> -> memref<640x64xf32, #tpu.memory_space<vmem_shared>>
      tpu.wait_dma2 semaphore(%run_scoped3A : memref<!tpu.dma_semaphore, #tpu.memory_space<semaphore_mem>>) src(%dma_wait3A_37 : memref<640x64xf32, #tpu.memory_space<vmem_shared>>) dst(%dma_wait3A_35 : memref<640x64xf32, #tpu.memory_space<hbm>>)
      tpu.yield
    }) : () -> ()
    return
  }
}

#map = affine_map<(d0, d1) -> (0, 0)>
#map1 = affine_map<(d0, d1) -> (0, 0, 0)>
module attributes {stable_mosaic.version = 14 : i64} {
  func.func @body(%arg0: i32, %arg1: i32, %arg2: memref<20000x64xf32, #tpu.memory_space<hbm>>, %arg3: memref<16x100x200xi32, #tpu.memory_space<hbm>>, %arg4: memref<16x100x200xi32, #tpu.memory_space<hbm>>, %arg5: memref<16x100x200xi32, #tpu.memory_space<hbm>>, %arg6: memref<640x64xf32, #tpu.memory_space<hbm>>, %arg7: memref<640x16xf32, #tpu.memory_space<hbm>>, %arg8: memref<2x10240x64xf32, #tpu.memory_space<hbm>>, %arg9: memref<10240x16xf32, #tpu.memory_space<hbm>>, %arg10: memref<100x200xi32, #tpu.memory_space<vmem>>, %arg11: memref<100x200xi32, #tpu.memory_space<vmem>>, %arg12: memref<2x200x64xf32, #tpu.memory_space<vmem>>, %arg13: memref<10240x64xf32, #tpu.memory_space<vmem_shared>>, %arg14: memref<!tpu.dma_semaphore, #tpu.memory_space<semaphore_mem>>, %arg15: memref<!tpu.dma_semaphore, #tpu.memory_space<semaphore_mem>>, %arg16: memref<200x16xf32, #tpu.memory_space<vmem>>, %arg17: memref<10240x16xf32, #tpu.memory_space<vmem_shared>>) attributes {dimension_semantics = [#tpu.dimension_semantics<core_parallel>, #tpu.dimension_semantics<subcore_parallel>], iteration_bounds = array<i64: 2, 16>, scalar_prefetch = 0 : i64, scratch_operands = 8 : i64, tpu.core_type = #tpu.core_type<sc_vector_subcore>, window_params = [{transform_indices = #map}, {transform_indices = #map1}, {transform_indices = #map1}, {transform_indices = #map1}, {transform_indices = #map}, {transform_indices = #map}, {transform_indices = #map1}, {transform_indices = #map}]} {
    %mul3A = arith.constant 640 : i32
    %mul3A_0 = arith.muli %arg1, %mul3A : i32
    "tpu.region"() ({
      %run_scoped3A = tpu.sem_alloc : memref<!tpu.dma_semaphore, #tpu.memory_space<semaphore_mem>>
      %dma_start3A_42 = arith.constant 0 : i32
      %dma_start3A_43 = tpu.memref_slice %arg13[%mul3A_0, %dma_start3A_42] : memref<10240x64xf32, #tpu.memory_space<vmem_shared>> -> memref<640x64xf32, #tpu.memory_space<vmem_shared>>
      tpu.enqueue_dma source(%arg6 : memref<640x64xf32, #tpu.memory_space<hbm>>) target(%dma_start3A_43 : memref<640x64xf32, #tpu.memory_space<vmem_shared>>) target_semaphore(%run_scoped3A : memref<!tpu.dma_semaphore, #tpu.memory_space<semaphore_mem>>)
      %dma_wait3A = arith.constant 0 : i32
      %dma_wait3A_44 = tpu.memref_slice %arg13[%mul3A_0, %dma_wait3A] : memref<10240x64xf32, #tpu.memory_space<vmem_shared>> -> memref<640x64xf32, #tpu.memory_space<vmem_shared>>
      tpu.wait_dma2 semaphore(%run_scoped3A : memref<!tpu.dma_semaphore, #tpu.memory_space<semaphore_mem>>) src(%arg6 : memref<640x64xf32, #tpu.memory_space<hbm>>) dst(%dma_wait3A_44 : memref<640x64xf32, #tpu.memory_space<vmem_shared>>)
      tpu.yield
    }) : () -> ()
    %mul3A_1 = arith.constant 640 : i32
    %mul3A_2 = arith.muli %arg1, %mul3A_1 : i32
    "tpu.region"() ({
      %run_scoped3A = tpu.sem_alloc : memref<!tpu.dma_semaphore, #tpu.memory_space<semaphore_mem>>
      %dma_start3A_42 = arith.constant 0 : i32
      %dma_start3A_43 = tpu.memref_slice %arg17[%mul3A_2, %dma_start3A_42] : memref<10240x16xf32, #tpu.memory_space<vmem_shared>> -> memref<640x16xf32, #tpu.memory_space<vmem_shared>>
      tpu.enqueue_dma source(%arg7 : memref<640x16xf32, #tpu.memory_space<hbm>>) target(%dma_start3A_43 : memref<640x16xf32, #tpu.memory_space<vmem_shared>>) target_semaphore(%run_scoped3A : memref<!tpu.dma_semaphore, #tpu.memory_space<semaphore_mem>>)
      %dma_wait3A = arith.constant 0 : i32
      %dma_wait3A_44 = tpu.memref_slice %arg17[%mul3A_2, %dma_wait3A] : memref<10240x16xf32, #tpu.memory_space<vmem_shared>> -> memref<640x16xf32, #tpu.memory_space<vmem_shared>>
      tpu.wait_dma2 semaphore(%run_scoped3A : memref<!tpu.dma_semaphore, #tpu.memory_space<semaphore_mem>>) src(%arg7 : memref<640x16xf32, #tpu.memory_space<hbm>>) dst(%dma_wait3A_44 : memref<640x16xf32, #tpu.memory_space<vmem_shared>>)
      tpu.yield
    }) : () -> ()
    %scan3A = arith.constant 0 : i32
    %scan3A_3 = arith.constant 0 : i32
    %scan3A_4 = arith.constant 200 : i32
    %scan3A_5 = arith.addi %scan3A_3, %scan3A_4 : i32
    %scan3A_6 = arith.constant 1 : i32
    scf.for %scan3A_42 = %scan3A_3 to %scan3A_5 step %scan3A_6  : i32 {
      %broadcast_in_dim3A = arith.constant 1.000000e+00 : f32
      %broadcast_in_dim3A_43 = vector.broadcast %broadcast_in_dim3A : f32 to vector<16xf32>
      %swap3A = arith.index_cast %scan3A_42 : i32 to index
      %swap3A_44 = arith.constant 0 : index
      %swap3A_45 = tpu.vector_load %arg16[%swap3A, %swap3A_44] {strides = array<i32>} : memref<200x16xf32, #tpu.memory_space<vmem>>, vector<1x16xf32>,
      %swap3A_46 = vector.shape_cast %swap3A_45 : vector<1x16xf32> to vector<16xf32>
      %swap3A_47 = vector.shape_cast %broadcast_in_dim3A_43 : vector<16xf32> to vector<1x16xf32>
      tpu.vector_store %arg16[%swap3A, %swap3A_44], %swap3A_47 {strides = array<i32>} : memref<200x16xf32, #tpu.memory_space<vmem>>, vector<1x16xf32>,
    }
    %scan3A_7 = arith.constant 200 : i32
    %eq3A = arith.constant 0 : i32
    %eq3A_8 = arith.cmpi eq, %arg0, %eq3A : i32
    %convert_element_type3A = arith.extui %eq3A_8 : i1 to i32
    %cond3A = arith.constant 0 : i32
    %cond3A_9 = arith.cmpi ne, %convert_element_type3A, %cond3A : i32
    scf.if %cond3A_9 {
      "tpu.region"() ({
        %run_scoped3A = tpu.sem_alloc : memref<!tpu.dma_semaphore, #tpu.memory_space<semaphore_mem>>
        %dma_start3A_42 = arith.constant 0 : i32
        %dma_start3A_43 = arith.constant 0 : i32
        %dma_start3A_44 = tpu.memref_slice %arg3[%arg1, %dma_start3A_42, %dma_start3A_43] : memref<16x100x200xi32, #tpu.memory_space<hbm>> -> memref<1x100x200xi32, #tpu.memory_space<hbm>>
        %dma_start3A_45 = tpu.memref_squeeze %dma_start3A_44 : memref<1x100x200xi32, #tpu.memory_space<hbm>> -> memref<100x200xi32, #tpu.memory_space<hbm>>
        %dma_start3A_46 = arith.constant 0 : i32
        %dma_start3A_47 = arith.constant 0 : i32
        %dma_start3A_48 = tpu.memref_slice %arg3[%arg1, %dma_start3A_46, %dma_start3A_47] : memref<16x100x200xi32, #tpu.memory_space<hbm>> -> memref<1x100x200xi32, #tpu.memory_space<hbm>>
        %dma_start3A_49 = tpu.memref_squeeze %dma_start3A_48 : memref<1x100x200xi32, #tpu.memory_space<hbm>> -> memref<100x200xi32, #tpu.memory_space<hbm>>
        tpu.enqueue_dma source(%dma_start3A_49 : memref<100x200xi32, #tpu.memory_space<hbm>>) target(%arg10 : memref<100x200xi32, #tpu.memory_space<vmem>>) target_semaphore(%run_scoped3A : memref<!tpu.dma_semaphore, #tpu.memory_space<semaphore_mem>>)
        %dma_wait3A = arith.constant 0 : i32
        %dma_wait3A_50 = arith.constant 0 : i32
        %dma_wait3A_51 = tpu.memref_slice %arg3[%arg1, %dma_wait3A, %dma_wait3A_50] : memref<16x100x200xi32, #tpu.memory_space<hbm>> -> memref<1x100x200xi32, #tpu.memory_space<hbm>>
        %dma_wait3A_52 = tpu.memref_squeeze %dma_wait3A_51 : memref<1x100x200xi32, #tpu.memory_space<hbm>> -> memref<100x200xi32, #tpu.memory_space<hbm>>
        %dma_wait3A_53 = arith.constant 0 : i32
        %dma_wait3A_54 = arith.constant 0 : i32
        %dma_wait3A_55 = tpu.memref_slice %arg3[%arg1, %dma_wait3A_53, %dma_wait3A_54] : memref<16x100x200xi32, #tpu.memory_space<hbm>> -> memref<1x100x200xi32, #tpu.memory_space<hbm>>
        %dma_wait3A_56 = tpu.memref_squeeze %dma_wait3A_55 : memref<1x100x200xi32, #tpu.memory_space<hbm>> -> memref<100x200xi32, #tpu.memory_space<hbm>>
        tpu.wait_dma2 semaphore(%run_scoped3A : memref<!tpu.dma_semaphore, #tpu.memory_space<semaphore_mem>>) src(%dma_wait3A_56 : memref<100x200xi32, #tpu.memory_space<hbm>>) dst(%arg10 : memref<100x200xi32, #tpu.memory_space<vmem>>)
        tpu.yield
      }) : () -> ()
    } else {
    }
    %eq3A_10 = arith.constant 1 : i32
    %eq3A_11 = arith.cmpi eq, %arg0, %eq3A_10 : i32
    %convert_element_type3A_12 = arith.extui %eq3A_11 : i1 to i32
    %cond3A_13 = arith.constant 0 : i32
    %cond3A_14 = arith.cmpi ne, %convert_element_type3A_12, %cond3A_13 : i32
    scf.if %cond3A_14 {
      "tpu.region"() ({
        %run_scoped3A = tpu.sem_alloc : memref<!tpu.dma_semaphore, #tpu.memory_space<semaphore_mem>>
        %dma_start3A_42 = arith.constant 0 : i32
        %dma_start3A_43 = arith.constant 0 : i32
        %dma_start3A_44 = tpu.memref_slice %arg4[%arg1, %dma_start3A_42, %dma_start3A_43] : memref<16x100x200xi32, #tpu.memory_space<hbm>> -> memref<1x100x200xi32, #tpu.memory_space<hbm>>
        %dma_start3A_45 = tpu.memref_squeeze %dma_start3A_44 : memref<1x100x200xi32, #tpu.memory_space<hbm>> -> memref<100x200xi32, #tpu.memory_space<hbm>>
        %dma_start3A_46 = arith.constant 0 : i32
        %dma_start3A_47 = arith.constant 0 : i32
        %dma_start3A_48 = tpu.memref_slice %arg4[%arg1, %dma_start3A_46, %dma_start3A_47] : memref<16x100x200xi32, #tpu.memory_space<hbm>> -> memref<1x100x200xi32, #tpu.memory_space<hbm>>
        %dma_start3A_49 = tpu.memref_squeeze %dma_start3A_48 : memref<1x100x200xi32, #tpu.memory_space<hbm>> -> memref<100x200xi32, #tpu.memory_space<hbm>>
        tpu.enqueue_dma source(%dma_start3A_49 : memref<100x200xi32, #tpu.memory_space<hbm>>) target(%arg10 : memref<100x200xi32, #tpu.memory_space<vmem>>) target_semaphore(%run_scoped3A : memref<!tpu.dma_semaphore, #tpu.memory_space<semaphore_mem>>)
        %dma_wait3A = arith.constant 0 : i32
        %dma_wait3A_50 = arith.constant 0 : i32
        %dma_wait3A_51 = tpu.memref_slice %arg4[%arg1, %dma_wait3A, %dma_wait3A_50] : memref<16x100x200xi32, #tpu.memory_space<hbm>> -> memref<1x100x200xi32, #tpu.memory_space<hbm>>
        %dma_wait3A_52 = tpu.memref_squeeze %dma_wait3A_51 : memref<1x100x200xi32, #tpu.memory_space<hbm>> -> memref<100x200xi32, #tpu.memory_space<hbm>>
        %dma_wait3A_53 = arith.constant 0 : i32
        %dma_wait3A_54 = arith.constant 0 : i32
        %dma_wait3A_55 = tpu.memref_slice %arg4[%arg1, %dma_wait3A_53, %dma_wait3A_54] : memref<16x100x200xi32, #tpu.memory_space<hbm>> -> memref<1x100x200xi32, #tpu.memory_space<hbm>>
        %dma_wait3A_56 = tpu.memref_squeeze %dma_wait3A_55 : memref<1x100x200xi32, #tpu.memory_space<hbm>> -> memref<100x200xi32, #tpu.memory_space<hbm>>
        tpu.wait_dma2 semaphore(%run_scoped3A : memref<!tpu.dma_semaphore, #tpu.memory_space<semaphore_mem>>) src(%dma_wait3A_56 : memref<100x200xi32, #tpu.memory_space<hbm>>) dst(%arg10 : memref<100x200xi32, #tpu.memory_space<vmem>>)
        tpu.yield
      }) : () -> ()
    } else {
    }
    "tpu.region"() ({
      %run_scoped3A = tpu.sem_alloc : memref<!tpu.dma_semaphore, #tpu.memory_space<semaphore_mem>>
      %dma_start3A_42 = arith.constant 0 : i32
      %dma_start3A_43 = arith.constant 0 : i32
      %dma_start3A_44 = tpu.memref_slice %arg5[%arg1, %dma_start3A_42, %dma_start3A_43] : memref<16x100x200xi32, #tpu.memory_space<hbm>> -> memref<1x100x200xi32, #tpu.memory_space<hbm>>
      %dma_start3A_45 = tpu.memref_squeeze %dma_start3A_44 : memref<1x100x200xi32, #tpu.memory_space<hbm>> -> memref<100x200xi32, #tpu.memory_space<hbm>>
      %dma_start3A_46 = arith.constant 0 : i32
      %dma_start3A_47 = arith.constant 0 : i32
      %dma_start3A_48 = tpu.memref_slice %arg5[%arg1, %dma_start3A_46, %dma_start3A_47] : memref<16x100x200xi32, #tpu.memory_space<hbm>> -> memref<1x100x200xi32, #tpu.memory_space<hbm>>
      %dma_start3A_49 = tpu.memref_squeeze %dma_start3A_48 : memref<1x100x200xi32, #tpu.memory_space<hbm>> -> memref<100x200xi32, #tpu.memory_space<hbm>>
      tpu.enqueue_dma source(%dma_start3A_49 : memref<100x200xi32, #tpu.memory_space<hbm>>) target(%arg11 : memref<100x200xi32, #tpu.memory_space<vmem>>) target_semaphore(%run_scoped3A : memref<!tpu.dma_semaphore, #tpu.memory_space<semaphore_mem>>)
      %dma_wait3A = arith.constant 0 : i32
      %dma_wait3A_50 = arith.constant 0 : i32
      %dma_wait3A_51 = tpu.memref_slice %arg5[%arg1, %dma_wait3A, %dma_wait3A_50] : memref<16x100x200xi32, #tpu.memory_space<hbm>> -> memref<1x100x200xi32, #tpu.memory_space<hbm>>
      %dma_wait3A_52 = tpu.memref_squeeze %dma_wait3A_51 : memref<1x100x200xi32, #tpu.memory_space<hbm>> -> memref<100x200xi32, #tpu.memory_space<hbm>>
      %dma_wait3A_53 = arith.constant 0 : i32
      %dma_wait3A_54 = arith.constant 0 : i32
      %dma_wait3A_55 = tpu.memref_slice %arg5[%arg1, %dma_wait3A_53, %dma_wait3A_54] : memref<16x100x200xi32, #tpu.memory_space<hbm>> -> memref<1x100x200xi32, #tpu.memory_space<hbm>>
      %dma_wait3A_56 = tpu.memref_squeeze %dma_wait3A_55 : memref<1x100x200xi32, #tpu.memory_space<hbm>> -> memref<100x200xi32, #tpu.memory_space<hbm>>
      tpu.wait_dma2 semaphore(%run_scoped3A : memref<!tpu.dma_semaphore, #tpu.memory_space<semaphore_mem>>) src(%dma_wait3A_56 : memref<100x200xi32, #tpu.memory_space<hbm>>) dst(%arg11 : memref<100x200xi32, #tpu.memory_space<vmem>>)
      tpu.yield
    }) : () -> ()
    %barrier3A = arith.constant 0 : index
    tpu.barrier barrier_id(%barrier3A)
    %dma_start3A = arith.constant 0 : i32
    %dma_start3A_15 = arith.constant 0 : i32
    %dma_start3A_16 = arith.constant 0 : i32
    %dma_start3A_17 = arith.constant 0 : i32
    %dma_start3A_18 = tpu.memref_slice %arg12[%dma_start3A_15, %dma_start3A_16, %dma_start3A_17] : memref<2x200x64xf32, #tpu.memory_space<vmem>> -> memref<1x200x64xf32, #tpu.memory_space<vmem>>
    %dma_start3A_19 = tpu.memref_squeeze %dma_start3A_18 : memref<1x200x64xf32, #tpu.memory_space<vmem>> -> memref<200x64xf32, #tpu.memory_space<vmem>>
    %dma_start3A_20 = arith.constant 0 : i32
    %dma_start3A_21 = tpu.memref_slice %arg10[%dma_start3A, %dma_start3A_20] : memref<100x200xi32, #tpu.memory_space<vmem>> -> memref<1x200xi32, #tpu.memory_space<vmem>>
    %dma_start3A_22 = tpu.memref_squeeze %dma_start3A_21 : memref<1x200xi32, #tpu.memory_space<vmem>> -> memref<200xi32, #tpu.memory_space<vmem>>
    %dma_start3A_23 = arith.constant 0 : i32
    %dma_start3A_24 = arith.constant 0 : i32
    %dma_start3A_25 = tpu.memref_slice %arg2[%dma_start3A_23, %dma_start3A_24] : memref<20000x64xf32, #tpu.memory_space<hbm>> -> memref<20000x64xf32, #tpu.memory_space<hbm>>
    tpu.enqueue_indirect_dma source(%dma_start3A_25 : memref<20000x64xf32, #tpu.memory_space<hbm>>) target(%dma_start3A_19 : memref<200x64xf32, #tpu.memory_space<vmem>>) offsets(%dma_start3A_22 : memref<200xi32, #tpu.memory_space<vmem>>) semaphore(%arg14 : memref<!tpu.dma_semaphore, #tpu.memory_space<semaphore_mem>>)
    %scan3A_26 = arith.constant 0 : i32
    %scan3A_27 = arith.constant 0 : i32
    %scan3A_28 = arith.constant 50 : i32
    %scan3A_29 = arith.addi %scan3A_27, %scan3A_28 : i32
    %scan3A_30 = arith.constant 1 : i32
    scf.for %scan3A_42 = %scan3A_27 to %scan3A_29 step %scan3A_30  : i32 {
      %mul3A_43 = arith.constant 2 : i32
      %mul3A_44 = arith.muli %mul3A_43, %scan3A_42 : i32
      %add3A = arith.constant 1 : i32
      %add3A_45 = arith.addi %mul3A_44, %add3A : i32
      %dma_start3A_46 = arith.constant 1 : i32
      %dma_start3A_47 = arith.constant 0 : i32
      %dma_start3A_48 = arith.constant 0 : i32
      %dma_start3A_49 = tpu.memref_slice %arg12[%dma_start3A_46, %dma_start3A_47, %dma_start3A_48] : memref<2x200x64xf32, #tpu.memory_space<vmem>> -> memref<1x200x64xf32, #tpu.memory_space<vmem>>
      %dma_start3A_50 = tpu.memref_squeeze %dma_start3A_49 : memref<1x200x64xf32, #tpu.memory_space<vmem>> -> memref<200x64xf32, #tpu.memory_space<vmem>>
      %dma_start3A_51 = arith.constant 0 : i32
      %dma_start3A_52 = tpu.memref_slice %arg10[%add3A_45, %dma_start3A_51] : memref<100x200xi32, #tpu.memory_space<vmem>> -> memref<1x200xi32, #tpu.memory_space<vmem>>
      %dma_start3A_53 = tpu.memref_squeeze %dma_start3A_52 : memref<1x200xi32, #tpu.memory_space<vmem>> -> memref<200xi32, #tpu.memory_space<vmem>>
      %dma_start3A_54 = arith.constant 0 : i32
      %dma_start3A_55 = arith.constant 0 : i32
      %dma_start3A_56 = tpu.memref_slice %arg2[%dma_start3A_54, %dma_start3A_55] : memref<20000x64xf32, #tpu.memory_space<hbm>> -> memref<20000x64xf32, #tpu.memory_space<hbm>>
      tpu.enqueue_indirect_dma source(%dma_start3A_56 : memref<20000x64xf32, #tpu.memory_space<hbm>>) target(%dma_start3A_50 : memref<200x64xf32, #tpu.memory_space<vmem>>) offsets(%dma_start3A_53 : memref<200xi32, #tpu.memory_space<vmem>>) semaphore(%arg15 : memref<!tpu.dma_semaphore, #tpu.memory_space<semaphore_mem>>)
      %dma_wait3A = arith.constant 0 : i32
      %dma_wait3A_57 = arith.constant 0 : i32
      %dma_wait3A_58 = arith.constant 0 : i32
      %dma_wait3A_59 = tpu.memref_slice %arg12[%dma_wait3A, %dma_wait3A_57, %dma_wait3A_58] : memref<2x200x64xf32, #tpu.memory_space<vmem>> -> memref<1x200x64xf32, #tpu.memory_space<vmem>>
      %dma_wait3A_60 = tpu.memref_squeeze %dma_wait3A_59 : memref<1x200x64xf32, #tpu.memory_space<vmem>> -> memref<200x64xf32, #tpu.memory_space<vmem>>
      %dma_wait3A_61 = arith.constant 0 : i32
      %dma_wait3A_62 = tpu.memref_slice %arg10[%mul3A_44, %dma_wait3A_61] : memref<100x200xi32, #tpu.memory_space<vmem>> -> memref<1x200xi32, #tpu.memory_space<vmem>>
      %dma_wait3A_63 = tpu.memref_squeeze %dma_wait3A_62 : memref<1x200xi32, #tpu.memory_space<vmem>> -> memref<200xi32, #tpu.memory_space<vmem>>
      %dma_wait3A_64 = arith.constant 0 : i32
      %dma_wait3A_65 = arith.constant 0 : i32
      %dma_wait3A_66 = tpu.memref_slice %arg2[%dma_wait3A_64, %dma_wait3A_65] : memref<20000x64xf32, #tpu.memory_space<hbm>> -> memref<20000x64xf32, #tpu.memory_space<hbm>>
      tpu.wait_indirect_dma semaphore(%arg14 : memref<!tpu.dma_semaphore, #tpu.memory_space<semaphore_mem>>) src(%dma_wait3A_66 : memref<20000x64xf32, #tpu.memory_space<hbm>>) dst(%dma_wait3A_60 : memref<200x64xf32, #tpu.memory_space<vmem>>)
      %run_scoped3A = arith.constant 0 : i32
      "tpu.region"() ({
        %run_scoped3A_97 = tpu.sem_alloc : memref<!tpu.dma_semaphore, #tpu.memory_space<semaphore_mem>>
        %dma_start3A_98 = arith.constant 0 : i32
        %dma_start3A_99 = arith.constant 0 : i32
        %dma_start3A_100 = tpu.memref_slice %arg12[%run_scoped3A, %dma_start3A_98, %dma_start3A_99] : memref<2x200x64xf32, #tpu.memory_space<vmem>> -> memref<1x200x64xf32, #tpu.memory_space<vmem>>
        %dma_start3A_101 = tpu.memref_squeeze %dma_start3A_100 : memref<1x200x64xf32, #tpu.memory_space<vmem>> -> memref<200x64xf32, #tpu.memory_space<vmem>>
        %dma_start3A_102 = arith.constant 0 : i32
        %dma_start3A_103 = tpu.memref_slice %arg11[%mul3A_44, %dma_start3A_102] : memref<100x200xi32, #tpu.memory_space<vmem>> -> memref<1x200xi32, #tpu.memory_space<vmem>>
        %dma_start3A_104 = tpu.memref_squeeze %dma_start3A_103 : memref<1x200xi32, #tpu.memory_space<vmem>> -> memref<200xi32, #tpu.memory_space<vmem>>
        %dma_start3A_105 = arith.constant 0 : i32
        %dma_start3A_106 = arith.constant 0 : i32
        %dma_start3A_107 = tpu.memref_slice %arg13[%dma_start3A_105, %dma_start3A_106] : memref<10240x64xf32, #tpu.memory_space<vmem_shared>> -> memref<10240x64xf32, #tpu.memory_space<vmem_shared>>
        tpu.enqueue_indirect_dma source(%dma_start3A_101 : memref<200x64xf32, #tpu.memory_space<vmem>>) target(%dma_start3A_107 : memref<10240x64xf32, #tpu.memory_space<vmem_shared>>) offsets(%dma_start3A_104 : memref<200xi32, #tpu.memory_space<vmem>>) semaphore(%run_scoped3A_97 : memref<!tpu.dma_semaphore, #tpu.memory_space<semaphore_mem>>) {add = true}
        %dma_wait3A_108 = arith.constant 0 : i32
        %dma_wait3A_109 = arith.constant 0 : i32
        %dma_wait3A_110 = tpu.memref_slice %arg12[%run_scoped3A, %dma_wait3A_108, %dma_wait3A_109] : memref<2x200x64xf32, #tpu.memory_space<vmem>> -> memref<1x200x64xf32, #tpu.memory_space<vmem>>
        %dma_wait3A_111 = tpu.memref_squeeze %dma_wait3A_110 : memref<1x200x64xf32, #tpu.memory_space<vmem>> -> memref<200x64xf32, #tpu.memory_space<vmem>>
        %dma_wait3A_112 = arith.constant 0 : i32
        %dma_wait3A_113 = tpu.memref_slice %arg11[%mul3A_44, %dma_wait3A_112] : memref<100x200xi32, #tpu.memory_space<vmem>> -> memref<1x200xi32, #tpu.memory_space<vmem>>
        %dma_wait3A_114 = tpu.memref_squeeze %dma_wait3A_113 : memref<1x200xi32, #tpu.memory_space<vmem>> -> memref<200xi32, #tpu.memory_space<vmem>>
        %dma_wait3A_115 = arith.constant 0 : i32
        %dma_wait3A_116 = arith.constant 0 : i32
        %dma_wait3A_117 = tpu.memref_slice %arg13[%dma_wait3A_115, %dma_wait3A_116] : memref<10240x64xf32, #tpu.memory_space<vmem_shared>> -> memref<10240x64xf32, #tpu.memory_space<vmem_shared>>
        tpu.wait_indirect_dma semaphore(%run_scoped3A_97 : memref<!tpu.dma_semaphore, #tpu.memory_space<semaphore_mem>>) src(%dma_wait3A_111 : memref<200x64xf32, #tpu.memory_space<vmem>>) dst(%dma_wait3A_117 : memref<10240x64xf32, #tpu.memory_space<vmem_shared>>)
        tpu.yield
      }) : () -> ()
      %eq3A_67 = arith.constant 0 : i32
      %eq3A_68 = arith.cmpi eq, %arg0, %eq3A_67 : i32
      %convert_element_type3A_69 = arith.extui %eq3A_68 : i1 to i32
      %cond3A_70 = arith.constant 0 : i32
      %cond3A_71 = arith.cmpi ne, %convert_element_type3A_69, %cond3A_70 : i32
      scf.if %cond3A_71 {
        "tpu.region"() ({
          %run_scoped3A_97 = tpu.sem_alloc : memref<!tpu.dma_semaphore, #tpu.memory_space<semaphore_mem>>
          %dma_start3A_98 = arith.constant 0 : i32
          %dma_start3A_99 = tpu.memref_slice %arg11[%mul3A_44, %dma_start3A_98] : memref<100x200xi32, #tpu.memory_space<vmem>> -> memref<1x200xi32, #tpu.memory_space<vmem>>
          %dma_start3A_100 = tpu.memref_squeeze %dma_start3A_99 : memref<1x200xi32, #tpu.memory_space<vmem>> -> memref<200xi32, #tpu.memory_space<vmem>>
          %dma_start3A_101 = arith.constant 0 : i32
          %dma_start3A_102 = arith.constant 0 : i32
          %dma_start3A_103 = tpu.memref_slice %arg17[%dma_start3A_101, %dma_start3A_102] : memref<10240x16xf32, #tpu.memory_space<vmem_shared>> -> memref<10240x16xf32, #tpu.memory_space<vmem_shared>>
          tpu.enqueue_indirect_dma source(%arg16 : memref<200x16xf32, #tpu.memory_space<vmem>>) target(%dma_start3A_103 : memref<10240x16xf32, #tpu.memory_space<vmem_shared>>) offsets(%dma_start3A_100 : memref<200xi32, #tpu.memory_space<vmem>>) semaphore(%run_scoped3A_97 : memref<!tpu.dma_semaphore, #tpu.memory_space<semaphore_mem>>) {add = true}
          %dma_wait3A_104 = arith.constant 0 : i32
          %dma_wait3A_105 = tpu.memref_slice %arg11[%mul3A_44, %dma_wait3A_104] : memref<100x200xi32, #tpu.memory_space<vmem>> -> memref<1x200xi32, #tpu.memory_space<vmem>>
          %dma_wait3A_106 = tpu.memref_squeeze %dma_wait3A_105 : memref<1x200xi32, #tpu.memory_space<vmem>> -> memref<200xi32, #tpu.memory_space<vmem>>
          %dma_wait3A_107 = arith.constant 0 : i32
          %dma_wait3A_108 = arith.constant 0 : i32
          %dma_wait3A_109 = tpu.memref_slice %arg17[%dma_wait3A_107, %dma_wait3A_108] : memref<10240x16xf32, #tpu.memory_space<vmem_shared>> -> memref<10240x16xf32, #tpu.memory_space<vmem_shared>>
          tpu.wait_indirect_dma semaphore(%run_scoped3A_97 : memref<!tpu.dma_semaphore, #tpu.memory_space<semaphore_mem>>) src(%arg16 : memref<200x16xf32, #tpu.memory_space<vmem>>) dst(%dma_wait3A_109 : memref<10240x16xf32, #tpu.memory_space<vmem_shared>>)
          tpu.yield
        }) : () -> ()
      } else {
      }
      %lt3A = arith.constant 49 : i32
      %lt3A_72 = arith.cmpi slt, %scan3A_42, %lt3A : i32
      %convert_element_type3A_73 = arith.extui %lt3A_72 : i1 to i32
      %cond3A_74 = arith.constant 0 : i32
      %cond3A_75 = arith.cmpi ne, %convert_element_type3A_73, %cond3A_74 : i32
      scf.if %cond3A_75 {
        %add3A_97 = arith.constant 2 : i32
        %add3A_98 = arith.addi %mul3A_44, %add3A_97 : i32
        %dma_start3A_99 = arith.constant 0 : i32
        %dma_start3A_100 = arith.constant 0 : i32
        %dma_start3A_101 = arith.constant 0 : i32
        %dma_start3A_102 = tpu.memref_slice %arg12[%dma_start3A_99, %dma_start3A_100, %dma_start3A_101] : memref<2x200x64xf32, #tpu.memory_space<vmem>> -> memref<1x200x64xf32, #tpu.memory_space<vmem>>
        %dma_start3A_103 = tpu.memref_squeeze %dma_start3A_102 : memref<1x200x64xf32, #tpu.memory_space<vmem>> -> memref<200x64xf32, #tpu.memory_space<vmem>>
        %dma_start3A_104 = arith.constant 0 : i32
        %dma_start3A_105 = tpu.memref_slice %arg10[%add3A_98, %dma_start3A_104] : memref<100x200xi32, #tpu.memory_space<vmem>> -> memref<1x200xi32, #tpu.memory_space<vmem>>
        %dma_start3A_106 = tpu.memref_squeeze %dma_start3A_105 : memref<1x200xi32, #tpu.memory_space<vmem>> -> memref<200xi32, #tpu.memory_space<vmem>>
        %dma_start3A_107 = arith.constant 0 : i32
        %dma_start3A_108 = arith.constant 0 : i32
        %dma_start3A_109 = tpu.memref_slice %arg2[%dma_start3A_107, %dma_start3A_108] : memref<20000x64xf32, #tpu.memory_space<hbm>> -> memref<20000x64xf32, #tpu.memory_space<hbm>>
        tpu.enqueue_indirect_dma source(%dma_start3A_109 : memref<20000x64xf32, #tpu.memory_space<hbm>>) target(%dma_start3A_103 : memref<200x64xf32, #tpu.memory_space<vmem>>) offsets(%dma_start3A_106 : memref<200xi32, #tpu.memory_space<vmem>>) semaphore(%arg14 : memref<!tpu.dma_semaphore, #tpu.memory_space<semaphore_mem>>)
      } else {
      }
      %add3A_76 = arith.constant 1 : i32
      %add3A_77 = arith.addi %mul3A_44, %add3A_76 : i32
      %dma_wait3A_78 = arith.constant 1 : i32
      %dma_wait3A_79 = arith.constant 0 : i32
      %dma_wait3A_80 = arith.constant 0 : i32
      %dma_wait3A_81 = tpu.memref_slice %arg12[%dma_wait3A_78, %dma_wait3A_79, %dma_wait3A_80] : memref<2x200x64xf32, #tpu.memory_space<vmem>> -> memref<1x200x64xf32, #tpu.memory_space<vmem>>
      %dma_wait3A_82 = tpu.memref_squeeze %dma_wait3A_81 : memref<1x200x64xf32, #tpu.memory_space<vmem>> -> memref<200x64xf32, #tpu.memory_space<vmem>>
      %dma_wait3A_83 = arith.constant 0 : i32
      %dma_wait3A_84 = tpu.memref_slice %arg10[%add3A_77, %dma_wait3A_83] : memref<100x200xi32, #tpu.memory_space<vmem>> -> memref<1x200xi32, #tpu.memory_space<vmem>>
      %dma_wait3A_85 = tpu.memref_squeeze %dma_wait3A_84 : memref<1x200xi32, #tpu.memory_space<vmem>> -> memref<200xi32, #tpu.memory_space<vmem>>
      %dma_wait3A_86 = arith.constant 0 : i32
      %dma_wait3A_87 = arith.constant 0 : i32
      %dma_wait3A_88 = tpu.memref_slice %arg2[%dma_wait3A_86, %dma_wait3A_87] : memref<20000x64xf32, #tpu.memory_space<hbm>> -> memref<20000x64xf32, #tpu.memory_space<hbm>>
      tpu.wait_indirect_dma semaphore(%arg15 : memref<!tpu.dma_semaphore, #tpu.memory_space<semaphore_mem>>) src(%dma_wait3A_88 : memref<20000x64xf32, #tpu.memory_space<hbm>>) dst(%dma_wait3A_82 : memref<200x64xf32, #tpu.memory_space<vmem>>)
      %add3A_89 = arith.constant 1 : i32
      %add3A_90 = arith.addi %mul3A_44, %add3A_89 : i32
      %run_scoped3A_91 = arith.constant 1 : i32
      "tpu.region"() ({
        %run_scoped3A_97 = tpu.sem_alloc : memref<!tpu.dma_semaphore, #tpu.memory_space<semaphore_mem>>
        %dma_start3A_98 = arith.constant 0 : i32
        %dma_start3A_99 = arith.constant 0 : i32
        %dma_start3A_100 = tpu.memref_slice %arg12[%run_scoped3A_91, %dma_start3A_98, %dma_start3A_99] : memref<2x200x64xf32, #tpu.memory_space<vmem>> -> memref<1x200x64xf32, #tpu.memory_space<vmem>>
        %dma_start3A_101 = tpu.memref_squeeze %dma_start3A_100 : memref<1x200x64xf32, #tpu.memory_space<vmem>> -> memref<200x64xf32, #tpu.memory_space<vmem>>
        %dma_start3A_102 = arith.constant 0 : i32
        %dma_start3A_103 = tpu.memref_slice %arg11[%add3A_90, %dma_start3A_102] : memref<100x200xi32, #tpu.memory_space<vmem>> -> memref<1x200xi32, #tpu.memory_space<vmem>>
        %dma_start3A_104 = tpu.memref_squeeze %dma_start3A_103 : memref<1x200xi32, #tpu.memory_space<vmem>> -> memref<200xi32, #tpu.memory_space<vmem>>
        %dma_start3A_105 = arith.constant 0 : i32
        %dma_start3A_106 = arith.constant 0 : i32
        %dma_start3A_107 = tpu.memref_slice %arg13[%dma_start3A_105, %dma_start3A_106] : memref<10240x64xf32, #tpu.memory_space<vmem_shared>> -> memref<10240x64xf32, #tpu.memory_space<vmem_shared>>
        tpu.enqueue_indirect_dma source(%dma_start3A_101 : memref<200x64xf32, #tpu.memory_space<vmem>>) target(%dma_start3A_107 : memref<10240x64xf32, #tpu.memory_space<vmem_shared>>) offsets(%dma_start3A_104 : memref<200xi32, #tpu.memory_space<vmem>>) semaphore(%run_scoped3A_97 : memref<!tpu.dma_semaphore, #tpu.memory_space<semaphore_mem>>) {add = true}
        %dma_wait3A_108 = arith.constant 0 : i32
        %dma_wait3A_109 = arith.constant 0 : i32
        %dma_wait3A_110 = tpu.memref_slice %arg12[%run_scoped3A_91, %dma_wait3A_108, %dma_wait3A_109] : memref<2x200x64xf32, #tpu.memory_space<vmem>> -> memref<1x200x64xf32, #tpu.memory_space<vmem>>
        %dma_wait3A_111 = tpu.memref_squeeze %dma_wait3A_110 : memref<1x200x64xf32, #tpu.memory_space<vmem>> -> memref<200x64xf32, #tpu.memory_space<vmem>>
        %dma_wait3A_112 = arith.constant 0 : i32
        %dma_wait3A_113 = tpu.memref_slice %arg11[%add3A_90, %dma_wait3A_112] : memref<100x200xi32, #tpu.memory_space<vmem>> -> memref<1x200xi32, #tpu.memory_space<vmem>>
        %dma_wait3A_114 = tpu.memref_squeeze %dma_wait3A_113 : memref<1x200xi32, #tpu.memory_space<vmem>> -> memref<200xi32, #tpu.memory_space<vmem>>
        %dma_wait3A_115 = arith.constant 0 : i32
        %dma_wait3A_116 = arith.constant 0 : i32
        %dma_wait3A_117 = tpu.memref_slice %arg13[%dma_wait3A_115, %dma_wait3A_116] : memref<10240x64xf32, #tpu.memory_space<vmem_shared>> -> memref<10240x64xf32, #tpu.memory_space<vmem_shared>>
        tpu.wait_indirect_dma semaphore(%run_scoped3A_97 : memref<!tpu.dma_semaphore, #tpu.memory_space<semaphore_mem>>) src(%dma_wait3A_111 : memref<200x64xf32, #tpu.memory_space<vmem>>) dst(%dma_wait3A_117 : memref<10240x64xf32, #tpu.memory_space<vmem_shared>>)
        tpu.yield
      }) : () -> ()
      %eq3A_92 = arith.constant 0 : i32
      %eq3A_93 = arith.cmpi eq, %arg0, %eq3A_92 : i32
      %convert_element_type3A_94 = arith.extui %eq3A_93 : i1 to i32
      %cond3A_95 = arith.constant 0 : i32
      %cond3A_96 = arith.cmpi ne, %convert_element_type3A_94, %cond3A_95 : i32
      scf.if %cond3A_96 {
        "tpu.region"() ({
          %run_scoped3A_97 = tpu.sem_alloc : memref<!tpu.dma_semaphore, #tpu.memory_space<semaphore_mem>>
          %dma_start3A_98 = arith.constant 0 : i32
          %dma_start3A_99 = tpu.memref_slice %arg11[%add3A_90, %dma_start3A_98] : memref<100x200xi32, #tpu.memory_space<vmem>> -> memref<1x200xi32, #tpu.memory_space<vmem>>
          %dma_start3A_100 = tpu.memref_squeeze %dma_start3A_99 : memref<1x200xi32, #tpu.memory_space<vmem>> -> memref<200xi32, #tpu.memory_space<vmem>>
          %dma_start3A_101 = arith.constant 0 : i32
          %dma_start3A_102 = arith.constant 0 : i32
          %dma_start3A_103 = tpu.memref_slice %arg17[%dma_start3A_101, %dma_start3A_102] : memref<10240x16xf32, #tpu.memory_space<vmem_shared>> -> memref<10240x16xf32, #tpu.memory_space<vmem_shared>>
          tpu.enqueue_indirect_dma source(%arg16 : memref<200x16xf32, #tpu.memory_space<vmem>>) target(%dma_start3A_103 : memref<10240x16xf32, #tpu.memory_space<vmem_shared>>) offsets(%dma_start3A_100 : memref<200xi32, #tpu.memory_space<vmem>>) semaphore(%run_scoped3A_97 : memref<!tpu.dma_semaphore, #tpu.memory_space<semaphore_mem>>) {add = true}
          %dma_wait3A_104 = arith.constant 0 : i32
          %dma_wait3A_105 = tpu.memref_slice %arg11[%add3A_90, %dma_wait3A_104] : memref<100x200xi32, #tpu.memory_space<vmem>> -> memref<1x200xi32, #tpu.memory_space<vmem>>
          %dma_wait3A_106 = tpu.memref_squeeze %dma_wait3A_105 : memref<1x200xi32, #tpu.memory_space<vmem>> -> memref<200xi32, #tpu.memory_space<vmem>>
          %dma_wait3A_107 = arith.constant 0 : i32
          %dma_wait3A_108 = arith.constant 0 : i32
          %dma_wait3A_109 = tpu.memref_slice %arg17[%dma_wait3A_107, %dma_wait3A_108] : memref<10240x16xf32, #tpu.memory_space<vmem_shared>> -> memref<10240x16xf32, #tpu.memory_space<vmem_shared>>
          tpu.wait_indirect_dma semaphore(%run_scoped3A_97 : memref<!tpu.dma_semaphore, #tpu.memory_space<semaphore_mem>>) src(%arg16 : memref<200x16xf32, #tpu.memory_space<vmem>>) dst(%dma_wait3A_109 : memref<10240x16xf32, #tpu.memory_space<vmem_shared>>)
          tpu.yield
        }) : () -> ()
      } else {
      }
    }
    %scan3A_31 = arith.constant 50 : i32
    %barrier3A_32 = arith.constant 0 : index
    tpu.barrier barrier_id(%barrier3A_32)
    %mul3A_33 = arith.constant 640 : i32
    %mul3A_34 = arith.muli %arg1, %mul3A_33 : i32
    %mul3A_35 = arith.constant 640 : i32
    %mul3A_36 = arith.muli %arg1, %mul3A_35 : i32
    "tpu.region"() ({
      %run_scoped3A = tpu.sem_alloc : memref<!tpu.dma_semaphore, #tpu.memory_space<semaphore_mem>>
      %dma_start3A_42 = arith.constant 0 : i32
      %dma_start3A_43 = tpu.memref_slice %arg8[%arg0, %mul3A_36, %dma_start3A_42] : memref<2x10240x64xf32, #tpu.memory_space<hbm>> -> memref<1x640x64xf32, #tpu.memory_space<hbm>>
      %dma_start3A_44 = tpu.memref_squeeze %dma_start3A_43 : memref<1x640x64xf32, #tpu.memory_space<hbm>> -> memref<640x64xf32, #tpu.memory_space<hbm>>
      %dma_start3A_45 = arith.constant 0 : i32
      %dma_start3A_46 = tpu.memref_slice %arg13[%mul3A_34, %dma_start3A_45] : memref<10240x64xf32, #tpu.memory_space<vmem_shared>> -> memref<640x64xf32, #tpu.memory_space<vmem_shared>>
      tpu.enqueue_dma source(%dma_start3A_46 : memref<640x64xf32, #tpu.memory_space<vmem_shared>>) target(%dma_start3A_44 : memref<640x64xf32, #tpu.memory_space<hbm>>) target_semaphore(%run_scoped3A : memref<!tpu.dma_semaphore, #tpu.memory_space<semaphore_mem>>)
      %dma_wait3A = arith.constant 0 : i32
      %dma_wait3A_47 = tpu.memref_slice %arg8[%arg0, %mul3A_36, %dma_wait3A] : memref<2x10240x64xf32, #tpu.memory_space<hbm>> -> memref<1x640x64xf32, #tpu.memory_space<hbm>>
      %dma_wait3A_48 = tpu.memref_squeeze %dma_wait3A_47 : memref<1x640x64xf32, #tpu.memory_space<hbm>> -> memref<640x64xf32, #tpu.memory_space<hbm>>
      %dma_wait3A_49 = arith.constant 0 : i32
      %dma_wait3A_50 = tpu.memref_slice %arg13[%mul3A_34, %dma_wait3A_49] : memref<10240x64xf32, #tpu.memory_space<vmem_shared>> -> memref<640x64xf32, #tpu.memory_space<vmem_shared>>
      tpu.wait_dma2 semaphore(%run_scoped3A : memref<!tpu.dma_semaphore, #tpu.memory_space<semaphore_mem>>) src(%dma_wait3A_50 : memref<640x64xf32, #tpu.memory_space<vmem_shared>>) dst(%dma_wait3A_48 : memref<640x64xf32, #tpu.memory_space<hbm>>)
      tpu.yield
    }) : () -> ()
    %eq3A_37 = arith.constant 0 : i32
    %eq3A_38 = arith.cmpi eq, %arg0, %eq3A_37 : i32
    %convert_element_type3A_39 = arith.extui %eq3A_38 : i1 to i32
    %cond3A_40 = arith.constant 0 : i32
    %cond3A_41 = arith.cmpi ne, %convert_element_type3A_39, %cond3A_40 : i32
    scf.if %cond3A_41 {
      %mul3A_42 = arith.constant 640 : i32
      %mul3A_43 = arith.muli %arg1, %mul3A_42 : i32
      %mul3A_44 = arith.constant 640 : i32
      %mul3A_45 = arith.muli %arg1, %mul3A_44 : i32
      "tpu.region"() ({
        %run_scoped3A = tpu.sem_alloc : memref<!tpu.dma_semaphore, #tpu.memory_space<semaphore_mem>>
        %dma_start3A_46 = arith.constant 0 : i32
        %dma_start3A_47 = tpu.memref_slice %arg9[%mul3A_45, %dma_start3A_46] : memref<10240x16xf32, #tpu.memory_space<hbm>> -> memref<640x16xf32, #tpu.memory_space<hbm>>
        %dma_start3A_48 = arith.constant 0 : i32
        %dma_start3A_49 = tpu.memref_slice %arg17[%mul3A_43, %dma_start3A_48] : memref<10240x16xf32, #tpu.memory_space<vmem_shared>> -> memref<640x16xf32, #tpu.memory_space<vmem_shared>>
        tpu.enqueue_dma source(%dma_start3A_49 : memref<640x16xf32, #tpu.memory_space<vmem_shared>>) target(%dma_start3A_47 : memref<640x16xf32, #tpu.memory_space<hbm>>) target_semaphore(%run_scoped3A : memref<!tpu.dma_semaphore, #tpu.memory_space<semaphore_mem>>)
        %dma_wait3A = arith.constant 0 : i32
        %dma_wait3A_50 = tpu.memref_slice %arg9[%mul3A_45, %dma_wait3A] : memref<10240x16xf32, #tpu.memory_space<hbm>> -> memref<640x16xf32, #tpu.memory_space<hbm>>
        %dma_wait3A_51 = arith.constant 0 : i32
        %dma_wait3A_52 = tpu.memref_slice %arg17[%mul3A_43, %dma_wait3A_51] : memref<10240x16xf32, #tpu.memory_space<vmem_shared>> -> memref<640x16xf32, #tpu.memory_space<vmem_shared>>
        tpu.wait_dma2 semaphore(%run_scoped3A : memref<!tpu.dma_semaphore, #tpu.memory_space<semaphore_mem>>) src(%dma_wait3A_52 : memref<640x16xf32, #tpu.memory_space<vmem_shared>>) dst(%dma_wait3A_50 : memref<640x16xf32, #tpu.memory_space<hbm>>)
        tpu.yield
      }) : () -> ()
    } else {
    }
    return
  }
}

#map = affine_map<(d0, d1) -> (0, 0)>
#map1 = affine_map<(d0, d1) -> (0, 0, 0)>
module attributes {stable_mosaic.version = 14 : i64} {
  func.func @body(%arg0: i32, %arg1: i32, %arg2: memref<20000x64xf32, #tpu.memory_space<hbm>>, %arg3: memref<16x100x200xi32, #tpu.memory_space<hbm>>, %arg4: memref<16x100x200xi32, #tpu.memory_space<hbm>>, %arg5: memref<16x100x200xi32, #tpu.memory_space<hbm>>, %arg6: memref<640x64xf32, #tpu.memory_space<hbm>>, %arg7: memref<2x10240x64xf32, #tpu.memory_space<hbm>>, %arg8: memref<100x200xi32, #tpu.memory_space<vmem>>, %arg9: memref<100x200xi32, #tpu.memory_space<vmem>>, %arg10: memref<2x200x64xf32, #tpu.memory_space<vmem>>, %arg11: memref<10240x64xf32, #tpu.memory_space<vmem_shared>>, %arg12: memref<!tpu.dma_semaphore, #tpu.memory_space<semaphore_mem>>, %arg13: memref<!tpu.dma_semaphore, #tpu.memory_space<semaphore_mem>>) attributes {dimension_semantics = [#tpu.dimension_semantics<core_parallel>, #tpu.dimension_semantics<subcore_parallel>], iteration_bounds = array<i64: 2, 16>, scalar_prefetch = 0 : i64, scratch_operands = 6 : i64, tpu.core_type = #tpu.core_type<sc_vector_subcore>, window_params = [{transform_indices = #map}, {transform_indices = #map1}, {transform_indices = #map1}, {transform_indices = #map1}, {transform_indices = #map}, {transform_indices = #map1}]} {
    %mul3A = arith.constant 640 : i32
    %mul3A_0 = arith.muli %arg1, %mul3A : i32
    "tpu.region"() ({
      %run_scoped3A = tpu.sem_alloc : memref<!tpu.dma_semaphore, #tpu.memory_space<semaphore_mem>>
      %dma_start3A_29 = arith.constant 0 : i32
      %dma_start3A_30 = tpu.memref_slice %arg11[%mul3A_0, %dma_start3A_29] : memref<10240x64xf32, #tpu.memory_space<vmem_shared>> -> memref<640x64xf32, #tpu.memory_space<vmem_shared>>
      tpu.enqueue_dma source(%arg6 : memref<640x64xf32, #tpu.memory_space<hbm>>) target(%dma_start3A_30 : memref<640x64xf32, #tpu.memory_space<vmem_shared>>) target_semaphore(%run_scoped3A : memref<!tpu.dma_semaphore, #tpu.memory_space<semaphore_mem>>)
      %dma_wait3A = arith.constant 0 : i32
      %dma_wait3A_31 = tpu.memref_slice %arg11[%mul3A_0, %dma_wait3A] : memref<10240x64xf32, #tpu.memory_space<vmem_shared>> -> memref<640x64xf32, #tpu.memory_space<vmem_shared>>
      tpu.wait_dma2 semaphore(%run_scoped3A : memref<!tpu.dma_semaphore, #tpu.memory_space<semaphore_mem>>) src(%arg6 : memref<640x64xf32, #tpu.memory_space<hbm>>) dst(%dma_wait3A_31 : memref<640x64xf32, #tpu.memory_space<vmem_shared>>)
      tpu.yield
    }) : () -> ()
    %eq3A = arith.constant 0 : i32
    %eq3A_1 = arith.cmpi eq, %arg0, %eq3A : i32
    %convert_element_type3A = arith.extui %eq3A_1 : i1 to i32
    %cond3A = arith.constant 0 : i32
    %cond3A_2 = arith.cmpi ne, %convert_element_type3A, %cond3A : i32
    scf.if %cond3A_2 {
      "tpu.region"() ({
        %run_scoped3A = tpu.sem_alloc : memref<!tpu.dma_semaphore, #tpu.memory_space<semaphore_mem>>
        %dma_start3A_29 = arith.constant 0 : i32
        %dma_start3A_30 = arith.constant 0 : i32
        %dma_start3A_31 = tpu.memref_slice %arg3[%arg1, %dma_start3A_29, %dma_start3A_30] : memref<16x100x200xi32, #tpu.memory_space<hbm>> -> memref<1x100x200xi32, #tpu.memory_space<hbm>>
        %dma_start3A_32 = tpu.memref_squeeze %dma_start3A_31 : memref<1x100x200xi32, #tpu.memory_space<hbm>> -> memref<100x200xi32, #tpu.memory_space<hbm>>
        %dma_start3A_33 = arith.constant 0 : i32
        %dma_start3A_34 = arith.constant 0 : i32
        %dma_start3A_35 = tpu.memref_slice %arg3[%arg1, %dma_start3A_33, %dma_start3A_34] : memref<16x100x200xi32, #tpu.memory_space<hbm>> -> memref<1x100x200xi32, #tpu.memory_space<hbm>>
        %dma_start3A_36 = tpu.memref_squeeze %dma_start3A_35 : memref<1x100x200xi32, #tpu.memory_space<hbm>> -> memref<100x200xi32, #tpu.memory_space<hbm>>
        tpu.enqueue_dma source(%dma_start3A_36 : memref<100x200xi32, #tpu.memory_space<hbm>>) target(%arg8 : memref<100x200xi32, #tpu.memory_space<vmem>>) target_semaphore(%run_scoped3A : memref<!tpu.dma_semaphore, #tpu.memory_space<semaphore_mem>>)
        %dma_wait3A = arith.constant 0 : i32
        %dma_wait3A_37 = arith.constant 0 : i32
        %dma_wait3A_38 = tpu.memref_slice %arg3[%arg1, %dma_wait3A, %dma_wait3A_37] : memref<16x100x200xi32, #tpu.memory_space<hbm>> -> memref<1x100x200xi32, #tpu.memory_space<hbm>>
        %dma_wait3A_39 = tpu.memref_squeeze %dma_wait3A_38 : memref<1x100x200xi32, #tpu.memory_space<hbm>> -> memref<100x200xi32, #tpu.memory_space<hbm>>
        %dma_wait3A_40 = arith.constant 0 : i32
        %dma_wait3A_41 = arith.constant 0 : i32
        %dma_wait3A_42 = tpu.memref_slice %arg3[%arg1, %dma_wait3A_40, %dma_wait3A_41] : memref<16x100x200xi32, #tpu.memory_space<hbm>> -> memref<1x100x200xi32, #tpu.memory_space<hbm>>
        %dma_wait3A_43 = tpu.memref_squeeze %dma_wait3A_42 : memref<1x100x200xi32, #tpu.memory_space<hbm>> -> memref<100x200xi32, #tpu.memory_space<hbm>>
        tpu.wait_dma2 semaphore(%run_scoped3A : memref<!tpu.dma_semaphore, #tpu.memory_space<semaphore_mem>>) src(%dma_wait3A_43 : memref<100x200xi32, #tpu.memory_space<hbm>>) dst(%arg8 : memref<100x200xi32, #tpu.memory_space<vmem>>)
        tpu.yield
      }) : () -> ()
    } else {
    }
    %eq3A_3 = arith.constant 1 : i32
    %eq3A_4 = arith.cmpi eq, %arg0, %eq3A_3 : i32
    %convert_element_type3A_5 = arith.extui %eq3A_4 : i1 to i32
    %cond3A_6 = arith.constant 0 : i32
    %cond3A_7 = arith.cmpi ne, %convert_element_type3A_5, %cond3A_6 : i32
    scf.if %cond3A_7 {
      "tpu.region"() ({
        %run_scoped3A = tpu.sem_alloc : memref<!tpu.dma_semaphore, #tpu.memory_space<semaphore_mem>>
        %dma_start3A_29 = arith.constant 0 : i32
        %dma_start3A_30 = arith.constant 0 : i32
        %dma_start3A_31 = tpu.memref_slice %arg4[%arg1, %dma_start3A_29, %dma_start3A_30] : memref<16x100x200xi32, #tpu.memory_space<hbm>> -> memref<1x100x200xi32, #tpu.memory_space<hbm>>
        %dma_start3A_32 = tpu.memref_squeeze %dma_start3A_31 : memref<1x100x200xi32, #tpu.memory_space<hbm>> -> memref<100x200xi32, #tpu.memory_space<hbm>>
        %dma_start3A_33 = arith.constant 0 : i32
        %dma_start3A_34 = arith.constant 0 : i32
        %dma_start3A_35 = tpu.memref_slice %arg4[%arg1, %dma_start3A_33, %dma_start3A_34] : memref<16x100x200xi32, #tpu.memory_space<hbm>> -> memref<1x100x200xi32, #tpu.memory_space<hbm>>
        %dma_start3A_36 = tpu.memref_squeeze %dma_start3A_35 : memref<1x100x200xi32, #tpu.memory_space<hbm>> -> memref<100x200xi32, #tpu.memory_space<hbm>>
        tpu.enqueue_dma source(%dma_start3A_36 : memref<100x200xi32, #tpu.memory_space<hbm>>) target(%arg8 : memref<100x200xi32, #tpu.memory_space<vmem>>) target_semaphore(%run_scoped3A : memref<!tpu.dma_semaphore, #tpu.memory_space<semaphore_mem>>)
        %dma_wait3A = arith.constant 0 : i32
        %dma_wait3A_37 = arith.constant 0 : i32
        %dma_wait3A_38 = tpu.memref_slice %arg4[%arg1, %dma_wait3A, %dma_wait3A_37] : memref<16x100x200xi32, #tpu.memory_space<hbm>> -> memref<1x100x200xi32, #tpu.memory_space<hbm>>
        %dma_wait3A_39 = tpu.memref_squeeze %dma_wait3A_38 : memref<1x100x200xi32, #tpu.memory_space<hbm>> -> memref<100x200xi32, #tpu.memory_space<hbm>>
        %dma_wait3A_40 = arith.constant 0 : i32
        %dma_wait3A_41 = arith.constant 0 : i32
        %dma_wait3A_42 = tpu.memref_slice %arg4[%arg1, %dma_wait3A_40, %dma_wait3A_41] : memref<16x100x200xi32, #tpu.memory_space<hbm>> -> memref<1x100x200xi32, #tpu.memory_space<hbm>>
        %dma_wait3A_43 = tpu.memref_squeeze %dma_wait3A_42 : memref<1x100x200xi32, #tpu.memory_space<hbm>> -> memref<100x200xi32, #tpu.memory_space<hbm>>
        tpu.wait_dma2 semaphore(%run_scoped3A : memref<!tpu.dma_semaphore, #tpu.memory_space<semaphore_mem>>) src(%dma_wait3A_43 : memref<100x200xi32, #tpu.memory_space<hbm>>) dst(%arg8 : memref<100x200xi32, #tpu.memory_space<vmem>>)
        tpu.yield
      }) : () -> ()
    } else {
    }
    "tpu.region"() ({
      %run_scoped3A = tpu.sem_alloc : memref<!tpu.dma_semaphore, #tpu.memory_space<semaphore_mem>>
      %dma_start3A_29 = arith.constant 0 : i32
      %dma_start3A_30 = arith.constant 0 : i32
      %dma_start3A_31 = tpu.memref_slice %arg5[%arg1, %dma_start3A_29, %dma_start3A_30] : memref<16x100x200xi32, #tpu.memory_space<hbm>> -> memref<1x100x200xi32, #tpu.memory_space<hbm>>
      %dma_start3A_32 = tpu.memref_squeeze %dma_start3A_31 : memref<1x100x200xi32, #tpu.memory_space<hbm>> -> memref<100x200xi32, #tpu.memory_space<hbm>>
      %dma_start3A_33 = arith.constant 0 : i32
      %dma_start3A_34 = arith.constant 0 : i32
      %dma_start3A_35 = tpu.memref_slice %arg5[%arg1, %dma_start3A_33, %dma_start3A_34] : memref<16x100x200xi32, #tpu.memory_space<hbm>> -> memref<1x100x200xi32, #tpu.memory_space<hbm>>
      %dma_start3A_36 = tpu.memref_squeeze %dma_start3A_35 : memref<1x100x200xi32, #tpu.memory_space<hbm>> -> memref<100x200xi32, #tpu.memory_space<hbm>>
      tpu.enqueue_dma source(%dma_start3A_36 : memref<100x200xi32, #tpu.memory_space<hbm>>) target(%arg9 : memref<100x200xi32, #tpu.memory_space<vmem>>) target_semaphore(%run_scoped3A : memref<!tpu.dma_semaphore, #tpu.memory_space<semaphore_mem>>)
      %dma_wait3A = arith.constant 0 : i32
      %dma_wait3A_37 = arith.constant 0 : i32
      %dma_wait3A_38 = tpu.memref_slice %arg5[%arg1, %dma_wait3A, %dma_wait3A_37] : memref<16x100x200xi32, #tpu.memory_space<hbm>> -> memref<1x100x200xi32, #tpu.memory_space<hbm>>
      %dma_wait3A_39 = tpu.memref_squeeze %dma_wait3A_38 : memref<1x100x200xi32, #tpu.memory_space<hbm>> -> memref<100x200xi32, #tpu.memory_space<hbm>>
      %dma_wait3A_40 = arith.constant 0 : i32
      %dma_wait3A_41 = arith.constant 0 : i32
      %dma_wait3A_42 = tpu.memref_slice %arg5[%arg1, %dma_wait3A_40, %dma_wait3A_41] : memref<16x100x200xi32, #tpu.memory_space<hbm>> -> memref<1x100x200xi32, #tpu.memory_space<hbm>>
      %dma_wait3A_43 = tpu.memref_squeeze %dma_wait3A_42 : memref<1x100x200xi32, #tpu.memory_space<hbm>> -> memref<100x200xi32, #tpu.memory_space<hbm>>
      tpu.wait_dma2 semaphore(%run_scoped3A : memref<!tpu.dma_semaphore, #tpu.memory_space<semaphore_mem>>) src(%dma_wait3A_43 : memref<100x200xi32, #tpu.memory_space<hbm>>) dst(%arg9 : memref<100x200xi32, #tpu.memory_space<vmem>>)
      tpu.yield
    }) : () -> ()
    %barrier3A = arith.constant 0 : index
    tpu.barrier barrier_id(%barrier3A)
    %dma_start3A = arith.constant 0 : i32
    %dma_start3A_8 = arith.constant 0 : i32
    %dma_start3A_9 = arith.constant 0 : i32
    %dma_start3A_10 = arith.constant 0 : i32
    %dma_start3A_11 = tpu.memref_slice %arg10[%dma_start3A_8, %dma_start3A_9, %dma_start3A_10] : memref<2x200x64xf32, #tpu.memory_space<vmem>> -> memref<1x200x64xf32, #tpu.memory_space<vmem>>
    %dma_start3A_12 = tpu.memref_squeeze %dma_start3A_11 : memref<1x200x64xf32, #tpu.memory_space<vmem>> -> memref<200x64xf32, #tpu.memory_space<vmem>>
    %dma_start3A_13 = arith.constant 0 : i32
    %dma_start3A_14 = tpu.memref_slice %arg8[%dma_start3A, %dma_start3A_13] : memref<100x200xi32, #tpu.memory_space<vmem>> -> memref<1x200xi32, #tpu.memory_space<vmem>>
    %dma_start3A_15 = tpu.memref_squeeze %dma_start3A_14 : memref<1x200xi32, #tpu.memory_space<vmem>> -> memref<200xi32, #tpu.memory_space<vmem>>
    %dma_start3A_16 = arith.constant 0 : i32
    %dma_start3A_17 = arith.constant 0 : i32
    %dma_start3A_18 = tpu.memref_slice %arg2[%dma_start3A_16, %dma_start3A_17] : memref<20000x64xf32, #tpu.memory_space<hbm>> -> memref<20000x64xf32, #tpu.memory_space<hbm>>
    tpu.enqueue_indirect_dma source(%dma_start3A_18 : memref<20000x64xf32, #tpu.memory_space<hbm>>) target(%dma_start3A_12 : memref<200x64xf32, #tpu.memory_space<vmem>>) offsets(%dma_start3A_15 : memref<200xi32, #tpu.memory_space<vmem>>) semaphore(%arg12 : memref<!tpu.dma_semaphore, #tpu.memory_space<semaphore_mem>>)
    %scan3A = arith.constant 0 : i32
    %scan3A_19 = arith.constant 0 : i32
    %scan3A_20 = arith.constant 50 : i32
    %scan3A_21 = arith.addi %scan3A_19, %scan3A_20 : i32
    %scan3A_22 = arith.constant 1 : i32
    scf.for %scan3A_29 = %scan3A_19 to %scan3A_21 step %scan3A_22  : i32 {
      %mul3A_30 = arith.constant 2 : i32
      %mul3A_31 = arith.muli %mul3A_30, %scan3A_29 : i32
      %add3A = arith.constant 1 : i32
      %add3A_32 = arith.addi %mul3A_31, %add3A : i32
      %dma_start3A_33 = arith.constant 1 : i32
      %dma_start3A_34 = arith.constant 0 : i32
      %dma_start3A_35 = arith.constant 0 : i32
      %dma_start3A_36 = tpu.memref_slice %arg10[%dma_start3A_33, %dma_start3A_34, %dma_start3A_35] : memref<2x200x64xf32, #tpu.memory_space<vmem>> -> memref<1x200x64xf32, #tpu.memory_space<vmem>>
      %dma_start3A_37 = tpu.memref_squeeze %dma_start3A_36 : memref<1x200x64xf32, #tpu.memory_space<vmem>> -> memref<200x64xf32, #tpu.memory_space<vmem>>
      %dma_start3A_38 = arith.constant 0 : i32
      %dma_start3A_39 = tpu.memref_slice %arg8[%add3A_32, %dma_start3A_38] : memref<100x200xi32, #tpu.memory_space<vmem>> -> memref<1x200xi32, #tpu.memory_space<vmem>>
      %dma_start3A_40 = tpu.memref_squeeze %dma_start3A_39 : memref<1x200xi32, #tpu.memory_space<vmem>> -> memref<200xi32, #tpu.memory_space<vmem>>
      %dma_start3A_41 = arith.constant 0 : i32
      %dma_start3A_42 = arith.constant 0 : i32
      %dma_start3A_43 = tpu.memref_slice %arg2[%dma_start3A_41, %dma_start3A_42] : memref<20000x64xf32, #tpu.memory_space<hbm>> -> memref<20000x64xf32, #tpu.memory_space<hbm>>
      tpu.enqueue_indirect_dma source(%dma_start3A_43 : memref<20000x64xf32, #tpu.memory_space<hbm>>) target(%dma_start3A_37 : memref<200x64xf32, #tpu.memory_space<vmem>>) offsets(%dma_start3A_40 : memref<200xi32, #tpu.memory_space<vmem>>) semaphore(%arg13 : memref<!tpu.dma_semaphore, #tpu.memory_space<semaphore_mem>>)
      %dma_wait3A = arith.constant 0 : i32
      %dma_wait3A_44 = arith.constant 0 : i32
      %dma_wait3A_45 = arith.constant 0 : i32
      %dma_wait3A_46 = tpu.memref_slice %arg10[%dma_wait3A, %dma_wait3A_44, %dma_wait3A_45] : memref<2x200x64xf32, #tpu.memory_space<vmem>> -> memref<1x200x64xf32, #tpu.memory_space<vmem>>
      %dma_wait3A_47 = tpu.memref_squeeze %dma_wait3A_46 : memref<1x200x64xf32, #tpu.memory_space<vmem>> -> memref<200x64xf32, #tpu.memory_space<vmem>>
      %dma_wait3A_48 = arith.constant 0 : i32
      %dma_wait3A_49 = tpu.memref_slice %arg8[%mul3A_31, %dma_wait3A_48] : memref<100x200xi32, #tpu.memory_space<vmem>> -> memref<1x200xi32, #tpu.memory_space<vmem>>
      %dma_wait3A_50 = tpu.memref_squeeze %dma_wait3A_49 : memref<1x200xi32, #tpu.memory_space<vmem>> -> memref<200xi32, #tpu.memory_space<vmem>>
      %dma_wait3A_51 = arith.constant 0 : i32
      %dma_wait3A_52 = arith.constant 0 : i32
      %dma_wait3A_53 = tpu.memref_slice %arg2[%dma_wait3A_51, %dma_wait3A_52] : memref<20000x64xf32, #tpu.memory_space<hbm>> -> memref<20000x64xf32, #tpu.memory_space<hbm>>
      tpu.wait_indirect_dma semaphore(%arg12 : memref<!tpu.dma_semaphore, #tpu.memory_space<semaphore_mem>>) src(%dma_wait3A_53 : memref<20000x64xf32, #tpu.memory_space<hbm>>) dst(%dma_wait3A_47 : memref<200x64xf32, #tpu.memory_space<vmem>>)
      %run_scoped3A = arith.constant 0 : i32
      "tpu.region"() ({
        %run_scoped3A_74 = tpu.sem_alloc : memref<!tpu.dma_semaphore, #tpu.memory_space<semaphore_mem>>
        %dma_start3A_75 = arith.constant 0 : i32
        %dma_start3A_76 = arith.constant 0 : i32
        %dma_start3A_77 = tpu.memref_slice %arg10[%run_scoped3A, %dma_start3A_75, %dma_start3A_76] : memref<2x200x64xf32, #tpu.memory_space<vmem>> -> memref<1x200x64xf32, #tpu.memory_space<vmem>>
        %dma_start3A_78 = tpu.memref_squeeze %dma_start3A_77 : memref<1x200x64xf32, #tpu.memory_space<vmem>> -> memref<200x64xf32, #tpu.memory_space<vmem>>
        %dma_start3A_79 = arith.constant 0 : i32
        %dma_start3A_80 = tpu.memref_slice %arg9[%mul3A_31, %dma_start3A_79] : memref<100x200xi32, #tpu.memory_space<vmem>> -> memref<1x200xi32, #tpu.memory_space<vmem>>
        %dma_start3A_81 = tpu.memref_squeeze %dma_start3A_80 : memref<1x200xi32, #tpu.memory_space<vmem>> -> memref<200xi32, #tpu.memory_space<vmem>>
        %dma_start3A_82 = arith.constant 0 : i32
        %dma_start3A_83 = arith.constant 0 : i32
        %dma_start3A_84 = tpu.memref_slice %arg11[%dma_start3A_82, %dma_start3A_83] : memref<10240x64xf32, #tpu.memory_space<vmem_shared>> -> memref<10240x64xf32, #tpu.memory_space<vmem_shared>>
        tpu.enqueue_indirect_dma source(%dma_start3A_78 : memref<200x64xf32, #tpu.memory_space<vmem>>) target(%dma_start3A_84 : memref<10240x64xf32, #tpu.memory_space<vmem_shared>>) offsets(%dma_start3A_81 : memref<200xi32, #tpu.memory_space<vmem>>) semaphore(%run_scoped3A_74 : memref<!tpu.dma_semaphore, #tpu.memory_space<semaphore_mem>>) {add = true}
        %dma_wait3A_85 = arith.constant 0 : i32
        %dma_wait3A_86 = arith.constant 0 : i32
        %dma_wait3A_87 = tpu.memref_slice %arg10[%run_scoped3A, %dma_wait3A_85, %dma_wait3A_86] : memref<2x200x64xf32, #tpu.memory_space<vmem>> -> memref<1x200x64xf32, #tpu.memory_space<vmem>>
        %dma_wait3A_88 = tpu.memref_squeeze %dma_wait3A_87 : memref<1x200x64xf32, #tpu.memory_space<vmem>> -> memref<200x64xf32, #tpu.memory_space<vmem>>
        %dma_wait3A_89 = arith.constant 0 : i32
        %dma_wait3A_90 = tpu.memref_slice %arg9[%mul3A_31, %dma_wait3A_89] : memref<100x200xi32, #tpu.memory_space<vmem>> -> memref<1x200xi32, #tpu.memory_space<vmem>>
        %dma_wait3A_91 = tpu.memref_squeeze %dma_wait3A_90 : memref<1x200xi32, #tpu.memory_space<vmem>> -> memref<200xi32, #tpu.memory_space<vmem>>
        %dma_wait3A_92 = arith.constant 0 : i32
        %dma_wait3A_93 = arith.constant 0 : i32
        %dma_wait3A_94 = tpu.memref_slice %arg11[%dma_wait3A_92, %dma_wait3A_93] : memref<10240x64xf32, #tpu.memory_space<vmem_shared>> -> memref<10240x64xf32, #tpu.memory_space<vmem_shared>>
        tpu.wait_indirect_dma semaphore(%run_scoped3A_74 : memref<!tpu.dma_semaphore, #tpu.memory_space<semaphore_mem>>) src(%dma_wait3A_88 : memref<200x64xf32, #tpu.memory_space<vmem>>) dst(%dma_wait3A_94 : memref<10240x64xf32, #tpu.memory_space<vmem_shared>>)
        tpu.yield
      }) : () -> ()
      %lt3A = arith.constant 49 : i32
      %lt3A_54 = arith.cmpi slt, %scan3A_29, %lt3A : i32
      %convert_element_type3A_55 = arith.extui %lt3A_54 : i1 to i32
      %cond3A_56 = arith.constant 0 : i32
      %cond3A_57 = arith.cmpi ne, %convert_element_type3A_55, %cond3A_56 : i32
      scf.if %cond3A_57 {
        %add3A_74 = arith.constant 2 : i32
        %add3A_75 = arith.addi %mul3A_31, %add3A_74 : i32
        %dma_start3A_76 = arith.constant 0 : i32
        %dma_start3A_77 = arith.constant 0 : i32
        %dma_start3A_78 = arith.constant 0 : i32
        %dma_start3A_79 = tpu.memref_slice %arg10[%dma_start3A_76, %dma_start3A_77, %dma_start3A_78] : memref<2x200x64xf32, #tpu.memory_space<vmem>> -> memref<1x200x64xf32, #tpu.memory_space<vmem>>
        %dma_start3A_80 = tpu.memref_squeeze %dma_start3A_79 : memref<1x200x64xf32, #tpu.memory_space<vmem>> -> memref<200x64xf32, #tpu.memory_space<vmem>>
        %dma_start3A_81 = arith.constant 0 : i32
        %dma_start3A_82 = tpu.memref_slice %arg8[%add3A_75, %dma_start3A_81] : memref<100x200xi32, #tpu.memory_space<vmem>> -> memref<1x200xi32, #tpu.memory_space<vmem>>
        %dma_start3A_83 = tpu.memref_squeeze %dma_start3A_82 : memref<1x200xi32, #tpu.memory_space<vmem>> -> memref<200xi32, #tpu.memory_space<vmem>>
        %dma_start3A_84 = arith.constant 0 : i32
        %dma_start3A_85 = arith.constant 0 : i32
        %dma_start3A_86 = tpu.memref_slice %arg2[%dma_start3A_84, %dma_start3A_85] : memref<20000x64xf32, #tpu.memory_space<hbm>> -> memref<20000x64xf32, #tpu.memory_space<hbm>>
        tpu.enqueue_indirect_dma source(%dma_start3A_86 : memref<20000x64xf32, #tpu.memory_space<hbm>>) target(%dma_start3A_80 : memref<200x64xf32, #tpu.memory_space<vmem>>) offsets(%dma_start3A_83 : memref<200xi32, #tpu.memory_space<vmem>>) semaphore(%arg12 : memref<!tpu.dma_semaphore, #tpu.memory_space<semaphore_mem>>)
      } else {
      }
      %add3A_58 = arith.constant 1 : i32
      %add3A_59 = arith.addi %mul3A_31, %add3A_58 : i32
      %dma_wait3A_60 = arith.constant 1 : i32
      %dma_wait3A_61 = arith.constant 0 : i32
      %dma_wait3A_62 = arith.constant 0 : i32
      %dma_wait3A_63 = tpu.memref_slice %arg10[%dma_wait3A_60, %dma_wait3A_61, %dma_wait3A_62] : memref<2x200x64xf32, #tpu.memory_space<vmem>> -> memref<1x200x64xf32, #tpu.memory_space<vmem>>
      %dma_wait3A_64 = tpu.memref_squeeze %dma_wait3A_63 : memref<1x200x64xf32, #tpu.memory_space<vmem>> -> memref<200x64xf32, #tpu.memory_space<vmem>>
      %dma_wait3A_65 = arith.constant 0 : i32
      %dma_wait3A_66 = tpu.memref_slice %arg8[%add3A_59, %dma_wait3A_65] : memref<100x200xi32, #tpu.memory_space<vmem>> -> memref<1x200xi32, #tpu.memory_space<vmem>>
      %dma_wait3A_67 = tpu.memref_squeeze %dma_wait3A_66 : memref<1x200xi32, #tpu.memory_space<vmem>> -> memref<200xi32, #tpu.memory_space<vmem>>
      %dma_wait3A_68 = arith.constant 0 : i32
      %dma_wait3A_69 = arith.constant 0 : i32
      %dma_wait3A_70 = tpu.memref_slice %arg2[%dma_wait3A_68, %dma_wait3A_69] : memref<20000x64xf32, #tpu.memory_space<hbm>> -> memref<20000x64xf32, #tpu.memory_space<hbm>>
      tpu.wait_indirect_dma semaphore(%arg13 : memref<!tpu.dma_semaphore, #tpu.memory_space<semaphore_mem>>) src(%dma_wait3A_70 : memref<20000x64xf32, #tpu.memory_space<hbm>>) dst(%dma_wait3A_64 : memref<200x64xf32, #tpu.memory_space<vmem>>)
      %add3A_71 = arith.constant 1 : i32
      %add3A_72 = arith.addi %mul3A_31, %add3A_71 : i32
      %run_scoped3A_73 = arith.constant 1 : i32
      "tpu.region"() ({
        %run_scoped3A_74 = tpu.sem_alloc : memref<!tpu.dma_semaphore, #tpu.memory_space<semaphore_mem>>
        %dma_start3A_75 = arith.constant 0 : i32
        %dma_start3A_76 = arith.constant 0 : i32
        %dma_start3A_77 = tpu.memref_slice %arg10[%run_scoped3A_73, %dma_start3A_75, %dma_start3A_76] : memref<2x200x64xf32, #tpu.memory_space<vmem>> -> memref<1x200x64xf32, #tpu.memory_space<vmem>>
        %dma_start3A_78 = tpu.memref_squeeze %dma_start3A_77 : memref<1x200x64xf32, #tpu.memory_space<vmem>> -> memref<200x64xf32, #tpu.memory_space<vmem>>
        %dma_start3A_79 = arith.constant 0 : i32
        %dma_start3A_80 = tpu.memref_slice %arg9[%add3A_72, %dma_start3A_79] : memref<100x200xi32, #tpu.memory_space<vmem>> -> memref<1x200xi32, #tpu.memory_space<vmem>>
        %dma_start3A_81 = tpu.memref_squeeze %dma_start3A_80 : memref<1x200xi32, #tpu.memory_space<vmem>> -> memref<200xi32, #tpu.memory_space<vmem>>
        %dma_start3A_82 = arith.constant 0 : i32
        %dma_start3A_83 = arith.constant 0 : i32
        %dma_start3A_84 = tpu.memref_slice %arg11[%dma_start3A_82, %dma_start3A_83] : memref<10240x64xf32, #tpu.memory_space<vmem_shared>> -> memref<10240x64xf32, #tpu.memory_space<vmem_shared>>
        tpu.enqueue_indirect_dma source(%dma_start3A_78 : memref<200x64xf32, #tpu.memory_space<vmem>>) target(%dma_start3A_84 : memref<10240x64xf32, #tpu.memory_space<vmem_shared>>) offsets(%dma_start3A_81 : memref<200xi32, #tpu.memory_space<vmem>>) semaphore(%run_scoped3A_74 : memref<!tpu.dma_semaphore, #tpu.memory_space<semaphore_mem>>) {add = true}
        %dma_wait3A_85 = arith.constant 0 : i32
        %dma_wait3A_86 = arith.constant 0 : i32
        %dma_wait3A_87 = tpu.memref_slice %arg10[%run_scoped3A_73, %dma_wait3A_85, %dma_wait3A_86] : memref<2x200x64xf32, #tpu.memory_space<vmem>> -> memref<1x200x64xf32, #tpu.memory_space<vmem>>
        %dma_wait3A_88 = tpu.memref_squeeze %dma_wait3A_87 : memref<1x200x64xf32, #tpu.memory_space<vmem>> -> memref<200x64xf32, #tpu.memory_space<vmem>>
        %dma_wait3A_89 = arith.constant 0 : i32
        %dma_wait3A_90 = tpu.memref_slice %arg9[%add3A_72, %dma_wait3A_89] : memref<100x200xi32, #tpu.memory_space<vmem>> -> memref<1x200xi32, #tpu.memory_space<vmem>>
        %dma_wait3A_91 = tpu.memref_squeeze %dma_wait3A_90 : memref<1x200xi32, #tpu.memory_space<vmem>> -> memref<200xi32, #tpu.memory_space<vmem>>
        %dma_wait3A_92 = arith.constant 0 : i32
        %dma_wait3A_93 = arith.constant 0 : i32
        %dma_wait3A_94 = tpu.memref_slice %arg11[%dma_wait3A_92, %dma_wait3A_93] : memref<10240x64xf32, #tpu.memory_space<vmem_shared>> -> memref<10240x64xf32, #tpu.memory_space<vmem_shared>>
        tpu.wait_indirect_dma semaphore(%run_scoped3A_74 : memref<!tpu.dma_semaphore, #tpu.memory_space<semaphore_mem>>) src(%dma_wait3A_88 : memref<200x64xf32, #tpu.memory_space<vmem>>) dst(%dma_wait3A_94 : memref<10240x64xf32, #tpu.memory_space<vmem_shared>>)
        tpu.yield
      }) : () -> ()
    }
    %scan3A_23 = arith.constant 50 : i32
    %barrier3A_24 = arith.constant 0 : index
    tpu.barrier barrier_id(%barrier3A_24)
    %mul3A_25 = arith.constant 640 : i32
    %mul3A_26 = arith.muli %arg1, %mul3A_25 : i32
    %mul3A_27 = arith.constant 640 : i32
    %mul3A_28 = arith.muli %arg1, %mul3A_27 : i32
    "tpu.region"() ({
      %run_scoped3A = tpu.sem_alloc : memref<!tpu.dma_semaphore, #tpu.memory_space<semaphore_mem>>
      %dma_start3A_29 = arith.constant 0 : i32
      %dma_start3A_30 = tpu.memref_slice %arg7[%arg0, %mul3A_28, %dma_start3A_29] : memref<2x10240x64xf32, #tpu.memory_space<hbm>> -> memref<1x640x64xf32, #tpu.memory_space<hbm>>
      %dma_start3A_31 = tpu.memref_squeeze %dma_start3A_30 : memref<1x640x64xf32, #tpu.memory_space<hbm>> -> memref<640x64xf32, #tpu.memory_space<hbm>>
      %dma_start3A_32 = arith.constant 0 : i32
      %dma_start3A_33 = tpu.memref_slice %arg11[%mul3A_26, %dma_start3A_32] : memref<10240x64xf32, #tpu.memory_space<vmem_shared>> -> memref<640x64xf32, #tpu.memory_space<vmem_shared>>
      tpu.enqueue_dma source(%dma_start3A_33 : memref<640x64xf32, #tpu.memory_space<vmem_shared>>) target(%dma_start3A_31 : memref<640x64xf32, #tpu.memory_space<hbm>>) target_semaphore(%run_scoped3A : memref<!tpu.dma_semaphore, #tpu.memory_space<semaphore_mem>>)
      %dma_wait3A = arith.constant 0 : i32
      %dma_wait3A_34 = tpu.memref_slice %arg7[%arg0, %mul3A_28, %dma_wait3A] : memref<2x10240x64xf32, #tpu.memory_space<hbm>> -> memref<1x640x64xf32, #tpu.memory_space<hbm>>
      %dma_wait3A_35 = tpu.memref_squeeze %dma_wait3A_34 : memref<1x640x64xf32, #tpu.memory_space<hbm>> -> memref<640x64xf32, #tpu.memory_space<hbm>>
      %dma_wait3A_36 = arith.constant 0 : i32
      %dma_wait3A_37 = tpu.memref_slice %arg11[%mul3A_26, %dma_wait3A_36] : memref<10240x64xf32, #tpu.memory_space<vmem_shared>> -> memref<640x64xf32, #tpu.memory_space<vmem_shared>>
      tpu.wait_dma2 semaphore(%run_scoped3A : memref<!tpu.dma_semaphore, #tpu.memory_space<semaphore_mem>>) src(%dma_wait3A_37 : memref<640x64xf32, #tpu.memory_space<vmem_shared>>) dst(%dma_wait3A_35 : memref<640x64xf32, #tpu.memory_space<hbm>>)
      tpu.yield
    }) : () -> ()
    return
  }
}

#map = affine_map<(d0, d1) -> (0, 0)>
#map1 = affine_map<(d0, d1) -> (0, 0, 0)>
module attributes {stable_mosaic.version = 14 : i64} {
  func.func @body(%arg0: i32, %arg1: i32, %arg2: memref<20000x64xf32, #tpu.memory_space<hbm>>, %arg3: memref<16x100x200xi32, #tpu.memory_space<hbm>>, %arg4: memref<16x100x200xi32, #tpu.memory_space<hbm>>, %arg5: memref<16x100x200xi32, #tpu.memory_space<hbm>>, %arg6: memref<640x64xf32, #tpu.memory_space<hbm>>, %arg7: memref<2x10240x64xf32, #tpu.memory_space<hbm>>, %arg8: memref<100x200xi32, #tpu.memory_space<vmem>>, %arg9: memref<100x200xi32, #tpu.memory_space<vmem>>, %arg10: memref<2x200x64xf32, #tpu.memory_space<vmem>>, %arg11: memref<10240x64xf32, #tpu.memory_space<vmem_shared>>, %arg12: memref<!tpu.dma_semaphore, #tpu.memory_space<semaphore_mem>>, %arg13: memref<!tpu.dma_semaphore, #tpu.memory_space<semaphore_mem>>) attributes {dimension_semantics = [#tpu.dimension_semantics<core_parallel>, #tpu.dimension_semantics<subcore_parallel>], iteration_bounds = array<i64: 2, 16>, scalar_prefetch = 0 : i64, scratch_operands = 6 : i64, tpu.core_type = #tpu.core_type<sc_vector_subcore>, window_params = [{transform_indices = #map}, {transform_indices = #map1}, {transform_indices = #map1}, {transform_indices = #map1}, {transform_indices = #map}, {transform_indices = #map1}]} {
    %mul3A = arith.constant 640 : i32
    %mul3A_0 = arith.muli %arg1, %mul3A : i32
    "tpu.region"() ({
      %run_scoped3A = tpu.sem_alloc : memref<!tpu.dma_semaphore, #tpu.memory_space<semaphore_mem>>
      %dma_start3A_29 = arith.constant 0 : i32
      %dma_start3A_30 = tpu.memref_slice %arg11[%mul3A_0, %dma_start3A_29] : memref<10240x64xf32, #tpu.memory_space<vmem_shared>> -> memref<640x64xf32, #tpu.memory_space<vmem_shared>>
      tpu.enqueue_dma source(%arg6 : memref<640x64xf32, #tpu.memory_space<hbm>>) target(%dma_start3A_30 : memref<640x64xf32, #tpu.memory_space<vmem_shared>>) target_semaphore(%run_scoped3A : memref<!tpu.dma_semaphore, #tpu.memory_space<semaphore_mem>>)
      %dma_wait3A = arith.constant 0 : i32
      %dma_wait3A_31 = tpu.memref_slice %arg11[%mul3A_0, %dma_wait3A] : memref<10240x64xf32, #tpu.memory_space<vmem_shared>> -> memref<640x64xf32, #tpu.memory_space<vmem_shared>>
      tpu.wait_dma2 semaphore(%run_scoped3A : memref<!tpu.dma_semaphore, #tpu.memory_space<semaphore_mem>>) src(%arg6 : memref<640x64xf32, #tpu.memory_space<hbm>>) dst(%dma_wait3A_31 : memref<640x64xf32, #tpu.memory_space<vmem_shared>>)
      tpu.yield
    }) : () -> ()
    %eq3A = arith.constant 0 : i32
    %eq3A_1 = arith.cmpi eq, %arg0, %eq3A : i32
    %convert_element_type3A = arith.extui %eq3A_1 : i1 to i32
    %cond3A = arith.constant 0 : i32
    %cond3A_2 = arith.cmpi ne, %convert_element_type3A, %cond3A : i32
    scf.if %cond3A_2 {
      "tpu.region"() ({
        %run_scoped3A = tpu.sem_alloc : memref<!tpu.dma_semaphore, #tpu.memory_space<semaphore_mem>>
        %dma_start3A_29 = arith.constant 0 : i32
        %dma_start3A_30 = arith.constant 0 : i32
        %dma_start3A_31 = tpu.memref_slice %arg3[%arg1, %dma_start3A_29, %dma_start3A_30] : memref<16x100x200xi32, #tpu.memory_space<hbm>> -> memref<1x100x200xi32, #tpu.memory_space<hbm>>
        %dma_start3A_32 = tpu.memref_squeeze %dma_start3A_31 : memref<1x100x200xi32, #tpu.memory_space<hbm>> -> memref<100x200xi32, #tpu.memory_space<hbm>>
        %dma_start3A_33 = arith.constant 0 : i32
        %dma_start3A_34 = arith.constant 0 : i32
        %dma_start3A_35 = tpu.memref_slice %arg3[%arg1, %dma_start3A_33, %dma_start3A_34] : memref<16x100x200xi32, #tpu.memory_space<hbm>> -> memref<1x100x200xi32, #tpu.memory_space<hbm>>
        %dma_start3A_36 = tpu.memref_squeeze %dma_start3A_35 : memref<1x100x200xi32, #tpu.memory_space<hbm>> -> memref<100x200xi32, #tpu.memory_space<hbm>>
        tpu.enqueue_dma source(%dma_start3A_36 : memref<100x200xi32, #tpu.memory_space<hbm>>) target(%arg8 : memref<100x200xi32, #tpu.memory_space<vmem>>) target_semaphore(%run_scoped3A : memref<!tpu.dma_semaphore, #tpu.memory_space<semaphore_mem>>)
        %dma_wait3A = arith.constant 0 : i32
        %dma_wait3A_37 = arith.constant 0 : i32
        %dma_wait3A_38 = tpu.memref_slice %arg3[%arg1, %dma_wait3A, %dma_wait3A_37] : memref<16x100x200xi32, #tpu.memory_space<hbm>> -> memref<1x100x200xi32, #tpu.memory_space<hbm>>
        %dma_wait3A_39 = tpu.memref_squeeze %dma_wait3A_38 : memref<1x100x200xi32, #tpu.memory_space<hbm>> -> memref<100x200xi32, #tpu.memory_space<hbm>>
        %dma_wait3A_40 = arith.constant 0 : i32
        %dma_wait3A_41 = arith.constant 0 : i32
        %dma_wait3A_42 = tpu.memref_slice %arg3[%arg1, %dma_wait3A_40, %dma_wait3A_41] : memref<16x100x200xi32, #tpu.memory_space<hbm>> -> memref<1x100x200xi32, #tpu.memory_space<hbm>>
        %dma_wait3A_43 = tpu.memref_squeeze %dma_wait3A_42 : memref<1x100x200xi32, #tpu.memory_space<hbm>> -> memref<100x200xi32, #tpu.memory_space<hbm>>
        tpu.wait_dma2 semaphore(%run_scoped3A : memref<!tpu.dma_semaphore, #tpu.memory_space<semaphore_mem>>) src(%dma_wait3A_43 : memref<100x200xi32, #tpu.memory_space<hbm>>) dst(%arg8 : memref<100x200xi32, #tpu.memory_space<vmem>>)
        tpu.yield
      }) : () -> ()
    } else {
    }
    %eq3A_3 = arith.constant 1 : i32
    %eq3A_4 = arith.cmpi eq, %arg0, %eq3A_3 : i32
    %convert_element_type3A_5 = arith.extui %eq3A_4 : i1 to i32
    %cond3A_6 = arith.constant 0 : i32
    %cond3A_7 = arith.cmpi ne, %convert_element_type3A_5, %cond3A_6 : i32
    scf.if %cond3A_7 {
      "tpu.region"() ({
        %run_scoped3A = tpu.sem_alloc : memref<!tpu.dma_semaphore, #tpu.memory_space<semaphore_mem>>
        %dma_start3A_29 = arith.constant 0 : i32
        %dma_start3A_30 = arith.constant 0 : i32
        %dma_start3A_31 = tpu.memref_slice %arg4[%arg1, %dma_start3A_29, %dma_start3A_30] : memref<16x100x200xi32, #tpu.memory_space<hbm>> -> memref<1x100x200xi32, #tpu.memory_space<hbm>>
        %dma_start3A_32 = tpu.memref_squeeze %dma_start3A_31 : memref<1x100x200xi32, #tpu.memory_space<hbm>> -> memref<100x200xi32, #tpu.memory_space<hbm>>
        %dma_start3A_33 = arith.constant 0 : i32
        %dma_start3A_34 = arith.constant 0 : i32
        %dma_start3A_35 = tpu.memref_slice %arg4[%arg1, %dma_start3A_33, %dma_start3A_34] : memref<16x100x200xi32, #tpu.memory_space<hbm>> -> memref<1x100x200xi32, #tpu.memory_space<hbm>>
        %dma_start3A_36 = tpu.memref_squeeze %dma_start3A_35 : memref<1x100x200xi32, #tpu.memory_space<hbm>> -> memref<100x200xi32, #tpu.memory_space<hbm>>
        tpu.enqueue_dma source(%dma_start3A_36 : memref<100x200xi32, #tpu.memory_space<hbm>>) target(%arg8 : memref<100x200xi32, #tpu.memory_space<vmem>>) target_semaphore(%run_scoped3A : memref<!tpu.dma_semaphore, #tpu.memory_space<semaphore_mem>>)
        %dma_wait3A = arith.constant 0 : i32
        %dma_wait3A_37 = arith.constant 0 : i32
        %dma_wait3A_38 = tpu.memref_slice %arg4[%arg1, %dma_wait3A, %dma_wait3A_37] : memref<16x100x200xi32, #tpu.memory_space<hbm>> -> memref<1x100x200xi32, #tpu.memory_space<hbm>>
        %dma_wait3A_39 = tpu.memref_squeeze %dma_wait3A_38 : memref<1x100x200xi32, #tpu.memory_space<hbm>> -> memref<100x200xi32, #tpu.memory_space<hbm>>
        %dma_wait3A_40 = arith.constant 0 : i32
        %dma_wait3A_41 = arith.constant 0 : i32
        %dma_wait3A_42 = tpu.memref_slice %arg4[%arg1, %dma_wait3A_40, %dma_wait3A_41] : memref<16x100x200xi32, #tpu.memory_space<hbm>> -> memref<1x100x200xi32, #tpu.memory_space<hbm>>
        %dma_wait3A_43 = tpu.memref_squeeze %dma_wait3A_42 : memref<1x100x200xi32, #tpu.memory_space<hbm>> -> memref<100x200xi32, #tpu.memory_space<hbm>>
        tpu.wait_dma2 semaphore(%run_scoped3A : memref<!tpu.dma_semaphore, #tpu.memory_space<semaphore_mem>>) src(%dma_wait3A_43 : memref<100x200xi32, #tpu.memory_space<hbm>>) dst(%arg8 : memref<100x200xi32, #tpu.memory_space<vmem>>)
        tpu.yield
      }) : () -> ()
    } else {
    }
    "tpu.region"() ({
      %run_scoped3A = tpu.sem_alloc : memref<!tpu.dma_semaphore, #tpu.memory_space<semaphore_mem>>
      %dma_start3A_29 = arith.constant 0 : i32
      %dma_start3A_30 = arith.constant 0 : i32
      %dma_start3A_31 = tpu.memref_slice %arg5[%arg1, %dma_start3A_29, %dma_start3A_30] : memref<16x100x200xi32, #tpu.memory_space<hbm>> -> memref<1x100x200xi32, #tpu.memory_space<hbm>>
      %dma_start3A_32 = tpu.memref_squeeze %dma_start3A_31 : memref<1x100x200xi32, #tpu.memory_space<hbm>> -> memref<100x200xi32, #tpu.memory_space<hbm>>
      %dma_start3A_33 = arith.constant 0 : i32
      %dma_start3A_34 = arith.constant 0 : i32
      %dma_start3A_35 = tpu.memref_slice %arg5[%arg1, %dma_start3A_33, %dma_start3A_34] : memref<16x100x200xi32, #tpu.memory_space<hbm>> -> memref<1x100x200xi32, #tpu.memory_space<hbm>>
      %dma_start3A_36 = tpu.memref_squeeze %dma_start3A_35 : memref<1x100x200xi32, #tpu.memory_space<hbm>> -> memref<100x200xi32, #tpu.memory_space<hbm>>
      tpu.enqueue_dma source(%dma_start3A_36 : memref<100x200xi32, #tpu.memory_space<hbm>>) target(%arg9 : memref<100x200xi32, #tpu.memory_space<vmem>>) target_semaphore(%run_scoped3A : memref<!tpu.dma_semaphore, #tpu.memory_space<semaphore_mem>>)
      %dma_wait3A = arith.constant 0 : i32
      %dma_wait3A_37 = arith.constant 0 : i32
      %dma_wait3A_38 = tpu.memref_slice %arg5[%arg1, %dma_wait3A, %dma_wait3A_37] : memref<16x100x200xi32, #tpu.memory_space<hbm>> -> memref<1x100x200xi32, #tpu.memory_space<hbm>>
      %dma_wait3A_39 = tpu.memref_squeeze %dma_wait3A_38 : memref<1x100x200xi32, #tpu.memory_space<hbm>> -> memref<100x200xi32, #tpu.memory_space<hbm>>
      %dma_wait3A_40 = arith.constant 0 : i32
      %dma_wait3A_41 = arith.constant 0 : i32
      %dma_wait3A_42 = tpu.memref_slice %arg5[%arg1, %dma_wait3A_40, %dma_wait3A_41] : memref<16x100x200xi32, #tpu.memory_space<hbm>> -> memref<1x100x200xi32, #tpu.memory_space<hbm>>
      %dma_wait3A_43 = tpu.memref_squeeze %dma_wait3A_42 : memref<1x100x200xi32, #tpu.memory_space<hbm>> -> memref<100x200xi32, #tpu.memory_space<hbm>>
      tpu.wait_dma2 semaphore(%run_scoped3A : memref<!tpu.dma_semaphore, #tpu.memory_space<semaphore_mem>>) src(%dma_wait3A_43 : memref<100x200xi32, #tpu.memory_space<hbm>>) dst(%arg9 : memref<100x200xi32, #tpu.memory_space<vmem>>)
      tpu.yield
    }) : () -> ()
    %barrier3A = arith.constant 0 : index
    tpu.barrier barrier_id(%barrier3A)
    %dma_start3A = arith.constant 0 : i32
    %dma_start3A_8 = arith.constant 0 : i32
    %dma_start3A_9 = arith.constant 0 : i32
    %dma_start3A_10 = arith.constant 0 : i32
    %dma_start3A_11 = tpu.memref_slice %arg10[%dma_start3A_8, %dma_start3A_9, %dma_start3A_10] : memref<2x200x64xf32, #tpu.memory_space<vmem>> -> memref<1x200x64xf32, #tpu.memory_space<vmem>>
    %dma_start3A_12 = tpu.memref_squeeze %dma_start3A_11 : memref<1x200x64xf32, #tpu.memory_space<vmem>> -> memref<200x64xf32, #tpu.memory_space<vmem>>
    %dma_start3A_13 = arith.constant 0 : i32
    %dma_start3A_14 = tpu.memref_slice %arg8[%dma_start3A, %dma_start3A_13] : memref<100x200xi32, #tpu.memory_space<vmem>> -> memref<1x200xi32, #tpu.memory_space<vmem>>
    %dma_start3A_15 = tpu.memref_squeeze %dma_start3A_14 : memref<1x200xi32, #tpu.memory_space<vmem>> -> memref<200xi32, #tpu.memory_space<vmem>>
    %dma_start3A_16 = arith.constant 0 : i32
    %dma_start3A_17 = arith.constant 0 : i32
    %dma_start3A_18 = tpu.memref_slice %arg2[%dma_start3A_16, %dma_start3A_17] : memref<20000x64xf32, #tpu.memory_space<hbm>> -> memref<20000x64xf32, #tpu.memory_space<hbm>>
    tpu.enqueue_indirect_dma source(%dma_start3A_18 : memref<20000x64xf32, #tpu.memory_space<hbm>>) target(%dma_start3A_12 : memref<200x64xf32, #tpu.memory_space<vmem>>) offsets(%dma_start3A_15 : memref<200xi32, #tpu.memory_space<vmem>>) semaphore(%arg12 : memref<!tpu.dma_semaphore, #tpu.memory_space<semaphore_mem>>)
    %scan3A = arith.constant 0 : i32
    %scan3A_19 = arith.constant 0 : i32
    %scan3A_20 = arith.constant 50 : i32
    %scan3A_21 = arith.addi %scan3A_19, %scan3A_20 : i32
    %scan3A_22 = arith.constant 1 : i32
    scf.for %scan3A_29 = %scan3A_19 to %scan3A_21 step %scan3A_22  : i32 {
      %mul3A_30 = arith.constant 2 : i32
      %mul3A_31 = arith.muli %mul3A_30, %scan3A_29 : i32
      %add3A = arith.constant 1 : i32
      %add3A_32 = arith.addi %mul3A_31, %add3A : i32
      %dma_start3A_33 = arith.constant 1 : i32
      %dma_start3A_34 = arith.constant 0 : i32
      %dma_start3A_35 = arith.constant 0 : i32
      %dma_start3A_36 = tpu.memref_slice %arg10[%dma_start3A_33, %dma_start3A_34, %dma_start3A_35] : memref<2x200x64xf32, #tpu.memory_space<vmem>> -> memref<1x200x64xf32, #tpu.memory_space<vmem>>
      %dma_start3A_37 = tpu.memref_squeeze %dma_start3A_36 : memref<1x200x64xf32, #tpu.memory_space<vmem>> -> memref<200x64xf32, #tpu.memory_space<vmem>>
      %dma_start3A_38 = arith.constant 0 : i32
      %dma_start3A_39 = tpu.memref_slice %arg8[%add3A_32, %dma_start3A_38] : memref<100x200xi32, #tpu.memory_space<vmem>> -> memref<1x200xi32, #tpu.memory_space<vmem>>
      %dma_start3A_40 = tpu.memref_squeeze %dma_start3A_39 : memref<1x200xi32, #tpu.memory_space<vmem>> -> memref<200xi32, #tpu.memory_space<vmem>>
      %dma_start3A_41 = arith.constant 0 : i32
      %dma_start3A_42 = arith.constant 0 : i32
      %dma_start3A_43 = tpu.memref_slice %arg2[%dma_start3A_41, %dma_start3A_42] : memref<20000x64xf32, #tpu.memory_space<hbm>> -> memref<20000x64xf32, #tpu.memory_space<hbm>>
      tpu.enqueue_indirect_dma source(%dma_start3A_43 : memref<20000x64xf32, #tpu.memory_space<hbm>>) target(%dma_start3A_37 : memref<200x64xf32, #tpu.memory_space<vmem>>) offsets(%dma_start3A_40 : memref<200xi32, #tpu.memory_space<vmem>>) semaphore(%arg13 : memref<!tpu.dma_semaphore, #tpu.memory_space<semaphore_mem>>)
      %dma_wait3A = arith.constant 0 : i32
      %dma_wait3A_44 = arith.constant 0 : i32
      %dma_wait3A_45 = arith.constant 0 : i32
      %dma_wait3A_46 = tpu.memref_slice %arg10[%dma_wait3A, %dma_wait3A_44, %dma_wait3A_45] : memref<2x200x64xf32, #tpu.memory_space<vmem>> -> memref<1x200x64xf32, #tpu.memory_space<vmem>>
      %dma_wait3A_47 = tpu.memref_squeeze %dma_wait3A_46 : memref<1x200x64xf32, #tpu.memory_space<vmem>> -> memref<200x64xf32, #tpu.memory_space<vmem>>
      %dma_wait3A_48 = arith.constant 0 : i32
      %dma_wait3A_49 = tpu.memref_slice %arg8[%mul3A_31, %dma_wait3A_48] : memref<100x200xi32, #tpu.memory_space<vmem>> -> memref<1x200xi32, #tpu.memory_space<vmem>>
      %dma_wait3A_50 = tpu.memref_squeeze %dma_wait3A_49 : memref<1x200xi32, #tpu.memory_space<vmem>> -> memref<200xi32, #tpu.memory_space<vmem>>
      %dma_wait3A_51 = arith.constant 0 : i32
      %dma_wait3A_52 = arith.constant 0 : i32
      %dma_wait3A_53 = tpu.memref_slice %arg2[%dma_wait3A_51, %dma_wait3A_52] : memref<20000x64xf32, #tpu.memory_space<hbm>> -> memref<20000x64xf32, #tpu.memory_space<hbm>>
      tpu.wait_indirect_dma semaphore(%arg12 : memref<!tpu.dma_semaphore, #tpu.memory_space<semaphore_mem>>) src(%dma_wait3A_53 : memref<20000x64xf32, #tpu.memory_space<hbm>>) dst(%dma_wait3A_47 : memref<200x64xf32, #tpu.memory_space<vmem>>)
      %run_scoped3A = arith.constant 0 : i32
      "tpu.region"() ({
        %run_scoped3A_74 = tpu.sem_alloc : memref<!tpu.dma_semaphore, #tpu.memory_space<semaphore_mem>>
        %dma_start3A_75 = arith.constant 0 : i32
        %dma_start3A_76 = arith.constant 0 : i32
        %dma_start3A_77 = tpu.memref_slice %arg10[%run_scoped3A, %dma_start3A_75, %dma_start3A_76] : memref<2x200x64xf32, #tpu.memory_space<vmem>> -> memref<1x200x64xf32, #tpu.memory_space<vmem>>
        %dma_start3A_78 = tpu.memref_squeeze %dma_start3A_77 : memref<1x200x64xf32, #tpu.memory_space<vmem>> -> memref<200x64xf32, #tpu.memory_space<vmem>>
        %dma_start3A_79 = arith.constant 0 : i32
        %dma_start3A_80 = tpu.memref_slice %arg9[%mul3A_31, %dma_start3A_79] : memref<100x200xi32, #tpu.memory_space<vmem>> -> memref<1x200xi32, #tpu.memory_space<vmem>>
        %dma_start3A_81 = tpu.memref_squeeze %dma_start3A_80 : memref<1x200xi32, #tpu.memory_space<vmem>> -> memref<200xi32, #tpu.memory_space<vmem>>
        %dma_start3A_82 = arith.constant 0 : i32
        %dma_start3A_83 = arith.constant 0 : i32
        %dma_start3A_84 = tpu.memref_slice %arg11[%dma_start3A_82, %dma_start3A_83] : memref<10240x64xf32, #tpu.memory_space<vmem_shared>> -> memref<10240x64xf32, #tpu.memory_space<vmem_shared>>
        tpu.enqueue_indirect_dma source(%dma_start3A_78 : memref<200x64xf32, #tpu.memory_space<vmem>>) target(%dma_start3A_84 : memref<10240x64xf32, #tpu.memory_space<vmem_shared>>) offsets(%dma_start3A_81 : memref<200xi32, #tpu.memory_space<vmem>>) semaphore(%run_scoped3A_74 : memref<!tpu.dma_semaphore, #tpu.memory_space<semaphore_mem>>) {add = true}
        %dma_wait3A_85 = arith.constant 0 : i32
        %dma_wait3A_86 = arith.constant 0 : i32
        %dma_wait3A_87 = tpu.memref_slice %arg10[%run_scoped3A, %dma_wait3A_85, %dma_wait3A_86] : memref<2x200x64xf32, #tpu.memory_space<vmem>> -> memref<1x200x64xf32, #tpu.memory_space<vmem>>
        %dma_wait3A_88 = tpu.memref_squeeze %dma_wait3A_87 : memref<1x200x64xf32, #tpu.memory_space<vmem>> -> memref<200x64xf32, #tpu.memory_space<vmem>>
        %dma_wait3A_89 = arith.constant 0 : i32
        %dma_wait3A_90 = tpu.memref_slice %arg9[%mul3A_31, %dma_wait3A_89] : memref<100x200xi32, #tpu.memory_space<vmem>> -> memref<1x200xi32, #tpu.memory_space<vmem>>
        %dma_wait3A_91 = tpu.memref_squeeze %dma_wait3A_90 : memref<1x200xi32, #tpu.memory_space<vmem>> -> memref<200xi32, #tpu.memory_space<vmem>>
        %dma_wait3A_92 = arith.constant 0 : i32
        %dma_wait3A_93 = arith.constant 0 : i32
        %dma_wait3A_94 = tpu.memref_slice %arg11[%dma_wait3A_92, %dma_wait3A_93] : memref<10240x64xf32, #tpu.memory_space<vmem_shared>> -> memref<10240x64xf32, #tpu.memory_space<vmem_shared>>
        tpu.wait_indirect_dma semaphore(%run_scoped3A_74 : memref<!tpu.dma_semaphore, #tpu.memory_space<semaphore_mem>>) src(%dma_wait3A_88 : memref<200x64xf32, #tpu.memory_space<vmem>>) dst(%dma_wait3A_94 : memref<10240x64xf32, #tpu.memory_space<vmem_shared>>)
        tpu.yield
      }) : () -> ()
      %lt3A = arith.constant 49 : i32
      %lt3A_54 = arith.cmpi slt, %scan3A_29, %lt3A : i32
      %convert_element_type3A_55 = arith.extui %lt3A_54 : i1 to i32
      %cond3A_56 = arith.constant 0 : i32
      %cond3A_57 = arith.cmpi ne, %convert_element_type3A_55, %cond3A_56 : i32
      scf.if %cond3A_57 {
        %add3A_74 = arith.constant 2 : i32
        %add3A_75 = arith.addi %mul3A_31, %add3A_74 : i32
        %dma_start3A_76 = arith.constant 0 : i32
        %dma_start3A_77 = arith.constant 0 : i32
        %dma_start3A_78 = arith.constant 0 : i32
        %dma_start3A_79 = tpu.memref_slice %arg10[%dma_start3A_76, %dma_start3A_77, %dma_start3A_78] : memref<2x200x64xf32, #tpu.memory_space<vmem>> -> memref<1x200x64xf32, #tpu.memory_space<vmem>>
        %dma_start3A_80 = tpu.memref_squeeze %dma_start3A_79 : memref<1x200x64xf32, #tpu.memory_space<vmem>> -> memref<200x64xf32, #tpu.memory_space<vmem>>
        %dma_start3A_81 = arith.constant 0 : i32
        %dma_start3A_82 = tpu.memref_slice %arg8[%add3A_75, %dma_start3A_81] : memref<100x200xi32, #tpu.memory_space<vmem>> -> memref<1x200xi32, #tpu.memory_space<vmem>>
        %dma_start3A_83 = tpu.memref_squeeze %dma_start3A_82 : memref<1x200xi32, #tpu.memory_space<vmem>> -> memref<200xi32, #tpu.memory_space<vmem>>
        %dma_start3A_84 = arith.constant 0 : i32
        %dma_start3A_85 = arith.constant 0 : i32
        %dma_start3A_86 = tpu.memref_slice %arg2[%dma_start3A_84, %dma_start3A_85] : memref<20000x64xf32, #tpu.memory_space<hbm>> -> memref<20000x64xf32, #tpu.memory_space<hbm>>
        tpu.enqueue_indirect_dma source(%dma_start3A_86 : memref<20000x64xf32, #tpu.memory_space<hbm>>) target(%dma_start3A_80 : memref<200x64xf32, #tpu.memory_space<vmem>>) offsets(%dma_start3A_83 : memref<200xi32, #tpu.memory_space<vmem>>) semaphore(%arg12 : memref<!tpu.dma_semaphore, #tpu.memory_space<semaphore_mem>>)
      } else {
      }
      %add3A_58 = arith.constant 1 : i32
      %add3A_59 = arith.addi %mul3A_31, %add3A_58 : i32
      %dma_wait3A_60 = arith.constant 1 : i32
      %dma_wait3A_61 = arith.constant 0 : i32
      %dma_wait3A_62 = arith.constant 0 : i32
      %dma_wait3A_63 = tpu.memref_slice %arg10[%dma_wait3A_60, %dma_wait3A_61, %dma_wait3A_62] : memref<2x200x64xf32, #tpu.memory_space<vmem>> -> memref<1x200x64xf32, #tpu.memory_space<vmem>>
      %dma_wait3A_64 = tpu.memref_squeeze %dma_wait3A_63 : memref<1x200x64xf32, #tpu.memory_space<vmem>> -> memref<200x64xf32, #tpu.memory_space<vmem>>
      %dma_wait3A_65 = arith.constant 0 : i32
      %dma_wait3A_66 = tpu.memref_slice %arg8[%add3A_59, %dma_wait3A_65] : memref<100x200xi32, #tpu.memory_space<vmem>> -> memref<1x200xi32, #tpu.memory_space<vmem>>
      %dma_wait3A_67 = tpu.memref_squeeze %dma_wait3A_66 : memref<1x200xi32, #tpu.memory_space<vmem>> -> memref<200xi32, #tpu.memory_space<vmem>>
      %dma_wait3A_68 = arith.constant 0 : i32
      %dma_wait3A_69 = arith.constant 0 : i32
      %dma_wait3A_70 = tpu.memref_slice %arg2[%dma_wait3A_68, %dma_wait3A_69] : memref<20000x64xf32, #tpu.memory_space<hbm>> -> memref<20000x64xf32, #tpu.memory_space<hbm>>
      tpu.wait_indirect_dma semaphore(%arg13 : memref<!tpu.dma_semaphore, #tpu.memory_space<semaphore_mem>>) src(%dma_wait3A_70 : memref<20000x64xf32, #tpu.memory_space<hbm>>) dst(%dma_wait3A_64 : memref<200x64xf32, #tpu.memory_space<vmem>>)
      %add3A_71 = arith.constant 1 : i32
      %add3A_72 = arith.addi %mul3A_31, %add3A_71 : i32
      %run_scoped3A_73 = arith.constant 1 : i32
      "tpu.region"() ({
        %run_scoped3A_74 = tpu.sem_alloc : memref<!tpu.dma_semaphore, #tpu.memory_space<semaphore_mem>>
        %dma_start3A_75 = arith.constant 0 : i32
        %dma_start3A_76 = arith.constant 0 : i32
        %dma_start3A_77 = tpu.memref_slice %arg10[%run_scoped3A_73, %dma_start3A_75, %dma_start3A_76] : memref<2x200x64xf32, #tpu.memory_space<vmem>> -> memref<1x200x64xf32, #tpu.memory_space<vmem>>
        %dma_start3A_78 = tpu.memref_squeeze %dma_start3A_77 : memref<1x200x64xf32, #tpu.memory_space<vmem>> -> memref<200x64xf32, #tpu.memory_space<vmem>>
        %dma_start3A_79 = arith.constant 0 : i32
        %dma_start3A_80 = tpu.memref_slice %arg9[%add3A_72, %dma_start3A_79] : memref<100x200xi32, #tpu.memory_space<vmem>> -> memref<1x200xi32, #tpu.memory_space<vmem>>
        %dma_start3A_81 = tpu.memref_squeeze %dma_start3A_80 : memref<1x200xi32, #tpu.memory_space<vmem>> -> memref<200xi32, #tpu.memory_space<vmem>>
        %dma_start3A_82 = arith.constant 0 : i32
        %dma_start3A_83 = arith.constant 0 : i32
        %dma_start3A_84 = tpu.memref_slice %arg11[%dma_start3A_82, %dma_start3A_83] : memref<10240x64xf32, #tpu.memory_space<vmem_shared>> -> memref<10240x64xf32, #tpu.memory_space<vmem_shared>>
        tpu.enqueue_indirect_dma source(%dma_start3A_78 : memref<200x64xf32, #tpu.memory_space<vmem>>) target(%dma_start3A_84 : memref<10240x64xf32, #tpu.memory_space<vmem_shared>>) offsets(%dma_start3A_81 : memref<200xi32, #tpu.memory_space<vmem>>) semaphore(%run_scoped3A_74 : memref<!tpu.dma_semaphore, #tpu.memory_space<semaphore_mem>>) {add = true}
        %dma_wait3A_85 = arith.constant 0 : i32
        %dma_wait3A_86 = arith.constant 0 : i32
        %dma_wait3A_87 = tpu.memref_slice %arg10[%run_scoped3A_73, %dma_wait3A_85, %dma_wait3A_86] : memref<2x200x64xf32, #tpu.memory_space<vmem>> -> memref<1x200x64xf32, #tpu.memory_space<vmem>>
        %dma_wait3A_88 = tpu.memref_squeeze %dma_wait3A_87 : memref<1x200x64xf32, #tpu.memory_space<vmem>> -> memref<200x64xf32, #tpu.memory_space<vmem>>
        %dma_wait3A_89 = arith.constant 0 : i32
        %dma_wait3A_90 = tpu.memref_slice %arg9[%add3A_72, %dma_wait3A_89] : memref<100x200xi32, #tpu.memory_space<vmem>> -> memref<1x200xi32, #tpu.memory_space<vmem>>
        %dma_wait3A_91 = tpu.memref_squeeze %dma_wait3A_90 : memref<1x200xi32, #tpu.memory_space<vmem>> -> memref<200xi32, #tpu.memory_space<vmem>>
        %dma_wait3A_92 = arith.constant 0 : i32
        %dma_wait3A_93 = arith.constant 0 : i32
        %dma_wait3A_94 = tpu.memref_slice %arg11[%dma_wait3A_92, %dma_wait3A_93] : memref<10240x64xf32, #tpu.memory_space<vmem_shared>> -> memref<10240x64xf32, #tpu.memory_space<vmem_shared>>
        tpu.wait_indirect_dma semaphore(%run_scoped3A_74 : memref<!tpu.dma_semaphore, #tpu.memory_space<semaphore_mem>>) src(%dma_wait3A_88 : memref<200x64xf32, #tpu.memory_space<vmem>>) dst(%dma_wait3A_94 : memref<10240x64xf32, #tpu.memory_space<vmem_shared>>)
        tpu.yield
      }) : () -> ()
    }
    %scan3A_23 = arith.constant 50 : i32
    %barrier3A_24 = arith.constant 0 : index
    tpu.barrier barrier_id(%barrier3A_24)
    %mul3A_25 = arith.constant 640 : i32
    %mul3A_26 = arith.muli %arg1, %mul3A_25 : i32
    %mul3A_27 = arith.constant 640 : i32
    %mul3A_28 = arith.muli %arg1, %mul3A_27 : i32
    "tpu.region"() ({
      %run_scoped3A = tpu.sem_alloc : memref<!tpu.dma_semaphore, #tpu.memory_space<semaphore_mem>>
      %dma_start3A_29 = arith.constant 0 : i32
      %dma_start3A_30 = tpu.memref_slice %arg7[%arg0, %mul3A_28, %dma_start3A_29] : memref<2x10240x64xf32, #tpu.memory_space<hbm>> -> memref<1x640x64xf32, #tpu.memory_space<hbm>>
      %dma_start3A_31 = tpu.memref_squeeze %dma_start3A_30 : memref<1x640x64xf32, #tpu.memory_space<hbm>> -> memref<640x64xf32, #tpu.memory_space<hbm>>
      %dma_start3A_32 = arith.constant 0 : i32
      %dma_start3A_33 = tpu.memref_slice %arg11[%mul3A_26, %dma_start3A_32] : memref<10240x64xf32, #tpu.memory_space<vmem_shared>> -> memref<640x64xf32, #tpu.memory_space<vmem_shared>>
      tpu.enqueue_dma source(%dma_start3A_33 : memref<640x64xf32, #tpu.memory_space<vmem_shared>>) target(%dma_start3A_31 : memref<640x64xf32, #tpu.memory_space<hbm>>) target_semaphore(%run_scoped3A : memref<!tpu.dma_semaphore, #tpu.memory_space<semaphore_mem>>)
      %dma_wait3A = arith.constant 0 : i32
      %dma_wait3A_34 = tpu.memref_slice %arg7[%arg0, %mul3A_28, %dma_wait3A] : memref<2x10240x64xf32, #tpu.memory_space<hbm>> -> memref<1x640x64xf32, #tpu.memory_space<hbm>>
      %dma_wait3A_35 = tpu.memref_squeeze %dma_wait3A_34 : memref<1x640x64xf32, #tpu.memory_space<hbm>> -> memref<640x64xf32, #tpu.memory_space<hbm>>
      %dma_wait3A_36 = arith.constant 0 : i32
      %dma_wait3A_37 = tpu.memref_slice %arg11[%mul3A_26, %dma_wait3A_36] : memref<10240x64xf32, #tpu.memory_space<vmem_shared>> -> memref<640x64xf32, #tpu.memory_space<vmem_shared>>
      tpu.wait_dma2 semaphore(%run_scoped3A : memref<!tpu.dma_semaphore, #tpu.memory_space<semaphore_mem>>) src(%dma_wait3A_37 : memref<640x64xf32, #tpu.memory_space<vmem_shared>>) dst(%dma_wait3A_35 : memref<640x64xf32, #tpu.memory_space<hbm>>)
      tpu.yield
    }) : () -> ()
    return
  }
}

module attributes {stable_mosaic.version = 14 : i64} {
  func.func @_layer_body(%arg0: i32, %arg1: memref<5000x64xf32, #tpu.memory_space<vmem>>, %arg2: memref<5000x64xf32, #tpu.memory_space<vmem>>, %arg3: memref<5000x1xf32, #tpu.memory_space<vmem>>, %arg4: memref<5000x128xf32, #tpu.memory_space<vmem>>, %arg5: memref<128x128xf32, #tpu.memory_space<vmem>>, %arg6: memref<1x128xf32, #tpu.memory_space<vmem>>, %arg7: memref<128x128xf32, #tpu.memory_space<vmem>>, %arg8: memref<5000x128xf32, #tpu.memory_space<vmem>>) attributes {dimension_semantics = [#tpu.dimension_semantics<arbitrary>], iteration_bounds = array<i64: 2>, scalar_prefetch = 0 : i64, scratch_operands = 0 : i64, tpu.core_type = #tpu.core_type<tc>, window_params = [{transform_indices = @transform_0, window_bounds = array<i64: 5000, 64>}, {transform_indices = @transform_1, window_bounds = array<i64: 5000, 64>}, {transform_indices = @transform_2, window_bounds = array<i64: 5000, 1>}, {transform_indices = @transform_3, window_bounds = array<i64: 5000, 128>}, {pipeline_mode = #tpu.pipeline_mode<synchronous>, transform_indices = @transform_4, window_bounds = array<i64: 128, 128>}, {pipeline_mode = #tpu.pipeline_mode<synchronous>, transform_indices = @transform_5, window_bounds = array<i64: 1, 128>}, {pipeline_mode = #tpu.pipeline_mode<synchronous>, transform_indices = @transform_6, window_bounds = array<i64: 128, 128>}, {transform_indices = @transform_7, window_bounds = array<i64: 5000, 128>}]} {
    %get3A = arith.constant 0 : index
    %get3A_0 = arith.constant 0 : index
    %get3A_1 = vector.load %arg3[%get3A, %get3A_0] : memref<5000x1xf32, #tpu.memory_space<vmem>>, vector<5000x1xf32>
    %max3A = arith.constant 1.000000e+00 : f32
    %max3A_2 = vector.broadcast %max3A : f32 to vector<5000x1xf32>
    %max3A_3 = arith.maximumf %get3A_1, %max3A_2 : vector<5000x1xf32>
    %get3A_4 = arith.constant 0 : index
    %get3A_5 = arith.constant 0 : index
    %get3A_6 = vector.load %arg1[%get3A_4, %get3A_5] : memref<5000x64xf32, #tpu.memory_space<vmem>>, vector<5000x64xf32>
    %get3A_7 = arith.constant 0 : index
    %get3A_8 = arith.constant 0 : index
    %get3A_9 = vector.load %arg2[%get3A_7, %get3A_8] : memref<5000x64xf32, #tpu.memory_space<vmem>>, vector<5000x64xf32>
    %concatenate3A = tpu.concatenate %get3A_6, %get3A_9 in 1 : vector<5000x64xf32>, vector<5000x64xf32> -> vector<5000x128xf32>
    %div3A = vector.broadcast %max3A_3 : vector<5000x1xf32> to vector<5000x128xf32>
    %div3A_10 = arith.divf %concatenate3A, %div3A : vector<5000x128xf32>
    %get3A_11 = arith.constant 0 : index
    %get3A_12 = arith.constant 0 : index
    %get3A_13 = vector.load %arg5[%get3A_11, %get3A_12] : memref<128x128xf32, #tpu.memory_space<vmem>>, vector<128x128xf32>
    %dot_general3A = arith.constant dense<0.000000e+00> : vector<5000x128xf32>
    %dot_general3A_14 = tpu.matmul %div3A_10, %get3A_13, %dot_general3A {dimension_numbers = #tpu.dot_dimension_numbers<[1], [0], [0], [1], [0, 0, 1, 1], [], []>, transpose_lhs_hint = false} : vector<5000x128xf32>, vector<128x128xf32>, vector<5000x128xf32> -> vector<5000x128xf32>
    %get3A_15 = arith.constant 0 : index
    %get3A_16 = arith.constant 0 : index
    %get3A_17 = vector.load %arg6[%get3A_15, %get3A_16] : memref<1x128xf32, #tpu.memory_space<vmem>>, vector<1x128xf32>
    %add3A = vector.broadcast %get3A_17 : vector<1x128xf32> to vector<5000x128xf32>
    %add3A_18 = arith.addf %dot_general3A_14, %add3A : vector<5000x128xf32>
    %get3A_19 = arith.constant 0 : index
    %get3A_20 = arith.constant 0 : index
    %get3A_21 = vector.load %arg4[%get3A_19, %get3A_20] : memref<5000x128xf32, #tpu.memory_space<vmem>>, vector<5000x128xf32>
    %get3A_22 = arith.constant 0 : index
    %get3A_23 = arith.constant 0 : index
    %get3A_24 = vector.load %arg7[%get3A_22, %get3A_23] : memref<128x128xf32, #tpu.memory_space<vmem>>, vector<128x128xf32>
    %dot_general3A_25 = arith.constant dense<0.000000e+00> : vector<5000x128xf32>
    %dot_general3A_26 = tpu.matmul %get3A_21, %get3A_24, %dot_general3A_25 {dimension_numbers = #tpu.dot_dimension_numbers<[1], [0], [0], [1], [0, 0, 1, 1], [], []>, transpose_lhs_hint = false} : vector<5000x128xf32>, vector<128x128xf32>, vector<5000x128xf32> -> vector<5000x128xf32>
    %add3A_27 = arith.addf %add3A_18, %dot_general3A_26 : vector<5000x128xf32>
    %max3A_28 = arith.constant 0.000000e+00 : f32
    %max3A_29 = vector.broadcast %max3A_28 : f32 to vector<5000x128xf32>
    %max3A_30 = arith.maximumf %add3A_27, %max3A_29 : vector<5000x128xf32>
    %swap3A = arith.constant 0 : index
    %swap3A_31 = arith.constant 0 : index
    %swap3A_32 = vector.load %arg8[%swap3A, %swap3A_31] : memref<5000x128xf32, #tpu.memory_space<vmem>>, vector<5000x128xf32>
    tpu.vector_store %arg8[%swap3A, %swap3A_31], %max3A_30 {strides = array<i32>} : memref<5000x128xf32, #tpu.memory_space<vmem>>, vector<5000x128xf32>,
    return
  }
  func.func @transform_0(%arg0: i32) -> (i32, i32) {
    %c0_i32 = arith.constant 0 : i32
    %c0_i32_0 = arith.constant 0 : i32
    return %arg0, %c0_i32 : i32, i32
  }
  func.func @transform_1(%arg0: i32) -> (i32, i32) {
    %c0_i32 = arith.constant 0 : i32
    %c0_i32_0 = arith.constant 0 : i32
    return %arg0, %c0_i32 : i32, i32
  }
  func.func @transform_2(%arg0: i32) -> (i32, i32) {
    %c0_i32 = arith.constant 0 : i32
    %c0_i32_0 = arith.constant 0 : i32
    return %arg0, %c0_i32 : i32, i32
  }
  func.func @transform_3(%arg0: i32) -> (i32, i32) {
    %c0_i32 = arith.constant 0 : i32
    %c0_i32_0 = arith.constant 0 : i32
    return %arg0, %c0_i32 : i32, i32
  }
  func.func @transform_4(%arg0: i32) -> (i32, i32) {
    %c0_i32 = arith.constant 0 : i32
    %c0_i32_0 = arith.constant 0 : i32
    %c0_i32_1 = arith.constant 0 : i32
    return %c0_i32, %c0_i32_0 : i32, i32
  }
  func.func @transform_5(%arg0: i32) -> (i32, i32) {
    %c0_i32 = arith.constant 0 : i32
    %c0_i32_0 = arith.constant 0 : i32
    %c0_i32_1 = arith.constant 0 : i32
    return %c0_i32, %c0_i32_0 : i32, i32
  }
  func.func @transform_6(%arg0: i32) -> (i32, i32) {
    %c0_i32 = arith.constant 0 : i32
    %c0_i32_0 = arith.constant 0 : i32
    %c0_i32_1 = arith.constant 0 : i32
    return %c0_i32, %c0_i32_0 : i32, i32
  }
  func.func @transform_7(%arg0: i32) -> (i32, i32) {
    %c0_i32 = arith.constant 0 : i32
    %c0_i32_0 = arith.constant 0 : i32
    return %arg0, %c0_i32 : i32, i32
  }
}

module attributes {stable_mosaic.version = 14 : i64} {
  func.func @_layer_body(%arg0: i32, %arg1: memref<5000x64xf32, #tpu.memory_space<vmem>>, %arg2: memref<5000x64xf32, #tpu.memory_space<vmem>>, %arg3: memref<5000x1xf32, #tpu.memory_space<vmem>>, %arg4: memref<5000x128xf32, #tpu.memory_space<vmem>>, %arg5: memref<128x128xf32, #tpu.memory_space<vmem>>, %arg6: memref<1x128xf32, #tpu.memory_space<vmem>>, %arg7: memref<128x128xf32, #tpu.memory_space<vmem>>, %arg8: memref<5000x128xf32, #tpu.memory_space<vmem>>) attributes {dimension_semantics = [#tpu.dimension_semantics<arbitrary>], iteration_bounds = array<i64: 2>, scalar_prefetch = 0 : i64, scratch_operands = 0 : i64, tpu.core_type = #tpu.core_type<tc>, window_params = [{transform_indices = @transform_0, window_bounds = array<i64: 5000, 64>}, {transform_indices = @transform_1, window_bounds = array<i64: 5000, 64>}, {transform_indices = @transform_2, window_bounds = array<i64: 5000, 1>}, {transform_indices = @transform_3, window_bounds = array<i64: 5000, 128>}, {pipeline_mode = #tpu.pipeline_mode<synchronous>, transform_indices = @transform_4, window_bounds = array<i64: 128, 128>}, {pipeline_mode = #tpu.pipeline_mode<synchronous>, transform_indices = @transform_5, window_bounds = array<i64: 1, 128>}, {pipeline_mode = #tpu.pipeline_mode<synchronous>, transform_indices = @transform_6, window_bounds = array<i64: 128, 128>}, {transform_indices = @transform_7, window_bounds = array<i64: 5000, 128>}]} {
    %get3A = arith.constant 0 : index
    %get3A_0 = arith.constant 0 : index
    %get3A_1 = vector.load %arg3[%get3A, %get3A_0] : memref<5000x1xf32, #tpu.memory_space<vmem>>, vector<5000x1xf32>
    %max3A = arith.constant 1.000000e+00 : f32
    %max3A_2 = vector.broadcast %max3A : f32 to vector<5000x1xf32>
    %max3A_3 = arith.maximumf %get3A_1, %max3A_2 : vector<5000x1xf32>
    %get3A_4 = arith.constant 0 : index
    %get3A_5 = arith.constant 0 : index
    %get3A_6 = vector.load %arg1[%get3A_4, %get3A_5] : memref<5000x64xf32, #tpu.memory_space<vmem>>, vector<5000x64xf32>
    %get3A_7 = arith.constant 0 : index
    %get3A_8 = arith.constant 0 : index
    %get3A_9 = vector.load %arg2[%get3A_7, %get3A_8] : memref<5000x64xf32, #tpu.memory_space<vmem>>, vector<5000x64xf32>
    %concatenate3A = tpu.concatenate %get3A_6, %get3A_9 in 1 : vector<5000x64xf32>, vector<5000x64xf32> -> vector<5000x128xf32>
    %div3A = vector.broadcast %max3A_3 : vector<5000x1xf32> to vector<5000x128xf32>
    %div3A_10 = arith.divf %concatenate3A, %div3A : vector<5000x128xf32>
    %get3A_11 = arith.constant 0 : index
    %get3A_12 = arith.constant 0 : index
    %get3A_13 = vector.load %arg5[%get3A_11, %get3A_12] : memref<128x128xf32, #tpu.memory_space<vmem>>, vector<128x128xf32>
    %dot_general3A = arith.constant dense<0.000000e+00> : vector<5000x128xf32>
    %dot_general3A_14 = tpu.matmul %div3A_10, %get3A_13, %dot_general3A {dimension_numbers = #tpu.dot_dimension_numbers<[1], [0], [0], [1], [0, 0, 1, 1], [], []>, transpose_lhs_hint = false} : vector<5000x128xf32>, vector<128x128xf32>, vector<5000x128xf32> -> vector<5000x128xf32>
    %get3A_15 = arith.constant 0 : index
    %get3A_16 = arith.constant 0 : index
    %get3A_17 = vector.load %arg6[%get3A_15, %get3A_16] : memref<1x128xf32, #tpu.memory_space<vmem>>, vector<1x128xf32>
    %add3A = vector.broadcast %get3A_17 : vector<1x128xf32> to vector<5000x128xf32>
    %add3A_18 = arith.addf %dot_general3A_14, %add3A : vector<5000x128xf32>
    %get3A_19 = arith.constant 0 : index
    %get3A_20 = arith.constant 0 : index
    %get3A_21 = vector.load %arg4[%get3A_19, %get3A_20] : memref<5000x128xf32, #tpu.memory_space<vmem>>, vector<5000x128xf32>
    %get3A_22 = arith.constant 0 : index
    %get3A_23 = arith.constant 0 : index
    %get3A_24 = vector.load %arg7[%get3A_22, %get3A_23] : memref<128x128xf32, #tpu.memory_space<vmem>>, vector<128x128xf32>
    %dot_general3A_25 = arith.constant dense<0.000000e+00> : vector<5000x128xf32>
    %dot_general3A_26 = tpu.matmul %get3A_21, %get3A_24, %dot_general3A_25 {dimension_numbers = #tpu.dot_dimension_numbers<[1], [0], [0], [1], [0, 0, 1, 1], [], []>, transpose_lhs_hint = false} : vector<5000x128xf32>, vector<128x128xf32>, vector<5000x128xf32> -> vector<5000x128xf32>
    %add3A_27 = arith.addf %add3A_18, %dot_general3A_26 : vector<5000x128xf32>
    %swap3A = arith.constant 0 : index
    %swap3A_28 = arith.constant 0 : index
    %swap3A_29 = vector.load %arg8[%swap3A, %swap3A_28] : memref<5000x128xf32, #tpu.memory_space<vmem>>, vector<5000x128xf32>
    tpu.vector_store %arg8[%swap3A, %swap3A_28], %add3A_27 {strides = array<i32>} : memref<5000x128xf32, #tpu.memory_space<vmem>>, vector<5000x128xf32>,
    return
  }
  func.func @transform_0(%arg0: i32) -> (i32, i32) {
    %c0_i32 = arith.constant 0 : i32
    %c0_i32_0 = arith.constant 0 : i32
    return %arg0, %c0_i32 : i32, i32
  }
  func.func @transform_1(%arg0: i32) -> (i32, i32) {
    %c0_i32 = arith.constant 0 : i32
    %c0_i32_0 = arith.constant 0 : i32
    return %arg0, %c0_i32 : i32, i32
  }
  func.func @transform_2(%arg0: i32) -> (i32, i32) {
    %c0_i32 = arith.constant 0 : i32
    %c0_i32_0 = arith.constant 0 : i32
    return %arg0, %c0_i32 : i32, i32
  }
  func.func @transform_3(%arg0: i32) -> (i32, i32) {
    %c0_i32 = arith.constant 0 : i32
    %c0_i32_0 = arith.constant 0 : i32
    return %arg0, %c0_i32 : i32, i32
  }
  func.func @transform_4(%arg0: i32) -> (i32, i32) {
    %c0_i32 = arith.constant 0 : i32
    %c0_i32_0 = arith.constant 0 : i32
    %c0_i32_1 = arith.constant 0 : i32
    return %c0_i32, %c0_i32_0 : i32, i32
  }
  func.func @transform_5(%arg0: i32) -> (i32, i32) {
    %c0_i32 = arith.constant 0 : i32
    %c0_i32_0 = arith.constant 0 : i32
    %c0_i32_1 = arith.constant 0 : i32
    return %c0_i32, %c0_i32_0 : i32, i32
  }
  func.func @transform_6(%arg0: i32) -> (i32, i32) {
    %c0_i32 = arith.constant 0 : i32
    %c0_i32_0 = arith.constant 0 : i32
    %c0_i32_1 = arith.constant 0 : i32
    return %c0_i32, %c0_i32_0 : i32, i32
  }
  func.func @transform_7(%arg0: i32) -> (i32, i32) {
    %c0_i32 = arith.constant 0 : i32
    %c0_i32_0 = arith.constant 0 : i32
    return %arg0, %c0_i32 : i32, i32
  }
}

module attributes {stable_mosaic.version = 14 : i64} {
  func.func @_pool_body(%arg0: i32, %arg1: memref<5000x128xf32, #tpu.memory_space<vmem>>, %arg2: memref<5000x1xi32, #tpu.memory_space<vmem>>, %arg3: memref<128x10xf32, #tpu.memory_space<vmem>>, %arg4: memref<1x10xf32, #tpu.memory_space<vmem>>, %arg5: memref<8x10xf32, #tpu.memory_space<vmem>>, %arg6: memref<8x128xf32, #tpu.memory_space<vmem>>, %arg7: memref<8x1xf32, #tpu.memory_space<vmem>>) attributes {dimension_semantics = [#tpu.dimension_semantics<arbitrary>], iteration_bounds = array<i64: 2>, scalar_prefetch = 0 : i64, scratch_operands = 2 : i64, tpu.core_type = #tpu.core_type<tc>, window_params = [{transform_indices = @transform_0, window_bounds = array<i64: 5000, 128>}, {transform_indices = @transform_1, window_bounds = array<i64: 5000, 1>}, {pipeline_mode = #tpu.pipeline_mode<synchronous>, transform_indices = @transform_2, window_bounds = array<i64: 128, 10>}, {pipeline_mode = #tpu.pipeline_mode<synchronous>, transform_indices = @transform_3, window_bounds = array<i64: 1, 10>}, {pipeline_mode = #tpu.pipeline_mode<synchronous>, transform_indices = @transform_4, window_bounds = array<i64: 8, 10>}]} {
    %eq3A = arith.constant 0 : i32
    %eq3A_0 = arith.cmpi eq, %arg0, %eq3A : i32
    %convert_element_type3A = arith.extui %eq3A_0 : i1 to i32
    %cond3A = arith.constant 0 : i32
    %cond3A_1 = arith.cmpi ne, %convert_element_type3A, %cond3A : i32
    scf.if %cond3A_1 {
      %broadcast_in_dim3A_32 = arith.constant 0.000000e+00 : f32
      %broadcast_in_dim3A_33 = vector.broadcast %broadcast_in_dim3A_32 : f32 to vector<8x128xf32>
      %swap3A_34 = arith.constant 0 : index
      %swap3A_35 = arith.constant 0 : index
      %swap3A_36 = vector.load %arg6[%swap3A_34, %swap3A_35] : memref<8x128xf32, #tpu.memory_space<vmem>>, vector<8x128xf32>
      tpu.vector_store %arg6[%swap3A_34, %swap3A_35], %broadcast_in_dim3A_33 {strides = array<i32>} : memref<8x128xf32, #tpu.memory_space<vmem>>, vector<8x128xf32>,
      %broadcast_in_dim3A_37 = arith.constant 0.000000e+00 : f32
      %broadcast_in_dim3A_38 = vector.broadcast %broadcast_in_dim3A_37 : f32 to vector<8x1xf32>
      %swap3A_39 = arith.constant 0 : index
      %swap3A_40 = arith.constant 0 : index
      %swap3A_41 = vector.load %arg7[%swap3A_39, %swap3A_40] : memref<8x1xf32, #tpu.memory_space<vmem>>, vector<8x1xf32>
      tpu.vector_store %arg7[%swap3A_39, %swap3A_40], %broadcast_in_dim3A_38 {strides = array<i32>} : memref<8x1xf32, #tpu.memory_space<vmem>>, vector<8x1xf32>,
    } else {
    }
    %get3A = arith.constant 0 : index
    %get3A_2 = arith.constant 0 : index
    %get3A_3 = vector.load %arg2[%get3A, %get3A_2] : memref<5000x1xi32, #tpu.memory_space<vmem>>, vector<5000x1xi32>
    %iota3A = tpu.iota {dimensions = array<i32: 1>} : vector<5000x8xi32>
    %eq3A_4 = vector.broadcast %get3A_3 : vector<5000x1xi32> to vector<5000x8xi32>
    %eq3A_5 = arith.cmpi eq, %eq3A_4, %iota3A : vector<5000x8xi32>
    %convert_element_type3A_6 = arith.extui %eq3A_5 : vector<5000x8xi1> to vector<5000x8xi32>
    %convert_element_type3A_7 = arith.sitofp %convert_element_type3A_6 : vector<5000x8xi32> to vector<5000x8xf32>
    %get3A_8 = arith.constant 0 : index
    %get3A_9 = arith.constant 0 : index
    %get3A_10 = vector.load %arg6[%get3A_8, %get3A_9] : memref<8x128xf32, #tpu.memory_space<vmem>>, vector<8x128xf32>
    %get3A_11 = arith.constant 0 : index
    %get3A_12 = arith.constant 0 : index
    %get3A_13 = vector.load %arg1[%get3A_11, %get3A_12] : memref<5000x128xf32, #tpu.memory_space<vmem>>, vector<5000x128xf32>
    %dot_general3A = arith.constant dense<0.000000e+00> : vector<8x128xf32>
    %dot_general3A_14 = tpu.matmul %convert_element_type3A_7, %get3A_13, %dot_general3A {dimension_numbers = #tpu.dot_dimension_numbers<[0], [0], [1], [1], [0, 1, 1, 1], [], []>, transpose_lhs_hint = false} : vector<5000x8xf32>, vector<5000x128xf32>, vector<8x128xf32> -> vector<8x128xf32>
    %add3A = arith.addf %get3A_10, %dot_general3A_14 : vector<8x128xf32>
    %swap3A = arith.constant 0 : index
    %swap3A_15 = arith.constant 0 : index
    %swap3A_16 = vector.load %arg6[%swap3A, %swap3A_15] : memref<8x128xf32, #tpu.memory_space<vmem>>, vector<8x128xf32>
    tpu.vector_store %arg6[%swap3A, %swap3A_15], %add3A {strides = array<i32>} : memref<8x128xf32, #tpu.memory_space<vmem>>, vector<8x128xf32>,
    %get3A_17 = arith.constant 0 : index
    %get3A_18 = arith.constant 0 : index
    %get3A_19 = vector.load %arg7[%get3A_17, %get3A_18] : memref<8x1xf32, #tpu.memory_space<vmem>>, vector<8x1xf32>
    %broadcast_in_dim3A = arith.constant 1.000000e+00 : f32
    %broadcast_in_dim3A_20 = vector.broadcast %broadcast_in_dim3A : f32 to vector<5000x1xf32>
    %dot_general3A_21 = arith.constant dense<0.000000e+00> : vector<8x1xf32>
    %dot_general3A_22 = tpu.matmul %convert_element_type3A_7, %broadcast_in_dim3A_20, %dot_general3A_21 {dimension_numbers = #tpu.dot_dimension_numbers<[0], [0], [1], [1], [0, 1, 1, 1], [], []>, transpose_lhs_hint = false} : vector<5000x8xf32>, vector<5000x1xf32>, vector<8x1xf32> -> vector<8x1xf32>
    %add3A_23 = arith.addf %get3A_19, %dot_general3A_22 : vector<8x1xf32>
    %swap3A_24 = arith.constant 0 : index
    %swap3A_25 = arith.constant 0 : index
    %swap3A_26 = vector.load %arg7[%swap3A_24, %swap3A_25] : memref<8x1xf32, #tpu.memory_space<vmem>>, vector<8x1xf32>
    tpu.vector_store %arg7[%swap3A_24, %swap3A_25], %add3A_23 {strides = array<i32>} : memref<8x1xf32, #tpu.memory_space<vmem>>, vector<8x1xf32>,
    %eq3A_27 = arith.constant 1 : i32
    %eq3A_28 = arith.cmpi eq, %arg0, %eq3A_27 : i32
    %convert_element_type3A_29 = arith.extui %eq3A_28 : i1 to i32
    %cond3A_30 = arith.constant 0 : i32
    %cond3A_31 = arith.cmpi ne, %convert_element_type3A_29, %cond3A_30 : i32
    scf.if %cond3A_31 {
      %get3A_32 = arith.constant 0 : index
      %get3A_33 = arith.constant 0 : index
      %get3A_34 = vector.load %arg6[%get3A_32, %get3A_33] : memref<8x128xf32, #tpu.memory_space<vmem>>, vector<8x128xf32>
      %get3A_35 = arith.constant 0 : index
      %get3A_36 = arith.constant 0 : index
      %get3A_37 = vector.load %arg7[%get3A_35, %get3A_36] : memref<8x1xf32, #tpu.memory_space<vmem>>, vector<8x1xf32>
      %max3A = arith.constant 1.000000e+00 : f32
      %max3A_38 = vector.broadcast %max3A : f32 to vector<8x1xf32>
      %max3A_39 = arith.maximumf %get3A_37, %max3A_38 : vector<8x1xf32>
      %div3A = vector.broadcast %max3A_39 : vector<8x1xf32> to vector<8x128xf32>
      %div3A_40 = arith.divf %get3A_34, %div3A : vector<8x128xf32>
      %get3A_41 = arith.constant 0 : index
      %get3A_42 = arith.constant 0 : index
      %get3A_43 = vector.load %arg3[%get3A_41, %get3A_42] : memref<128x10xf32, #tpu.memory_space<vmem>>, vector<128x10xf32>
      %dot_general3A_44 = arith.constant dense<0.000000e+00> : vector<8x10xf32>
      %dot_general3A_45 = tpu.matmul %div3A_40, %get3A_43, %dot_general3A_44 {dimension_numbers = #tpu.dot_dimension_numbers<[1], [0], [0], [1], [0, 0, 1, 1], [], []>, transpose_lhs_hint = false} : vector<8x128xf32>, vector<128x10xf32>, vector<8x10xf32> -> vector<8x10xf32>
      %get3A_46 = arith.constant 0 : index
      %get3A_47 = arith.constant 0 : index
      %get3A_48 = vector.load %arg4[%get3A_46, %get3A_47] : memref<1x10xf32, #tpu.memory_space<vmem>>, vector<1x10xf32>
      %add3A_49 = vector.broadcast %get3A_48 : vector<1x10xf32> to vector<8x10xf32>
      %add3A_50 = arith.addf %dot_general3A_45, %add3A_49 : vector<8x10xf32>
      %swap3A_51 = arith.constant 0 : index
      %swap3A_52 = arith.constant 0 : index
      %swap3A_53 = vector.load %arg5[%swap3A_51, %swap3A_52] : memref<8x10xf32, #tpu.memory_space<vmem>>, vector<8x10xf32>
      tpu.vector_store %arg5[%swap3A_51, %swap3A_52], %add3A_50 {strides = array<i32>} : memref<8x10xf32, #tpu.memory_space<vmem>>, vector<8x10xf32>,
    } else {
    }
    return
  }
  func.func @transform_0(%arg0: i32) -> (i32, i32) {
    %c0_i32 = arith.constant 0 : i32
    %c0_i32_0 = arith.constant 0 : i32
    return %arg0, %c0_i32 : i32, i32
  }
  func.func @transform_1(%arg0: i32) -> (i32, i32) {
    %c0_i32 = arith.constant 0 : i32
    %c0_i32_0 = arith.constant 0 : i32
    return %arg0, %c0_i32 : i32, i32
  }
  func.func @transform_2(%arg0: i32) -> (i32, i32) {
    %c0_i32 = arith.constant 0 : i32
    %c0_i32_0 = arith.constant 0 : i32
    %c0_i32_1 = arith.constant 0 : i32
    return %c0_i32, %c0_i32_0 : i32, i32
  }
  func.func @transform_3(%arg0: i32) -> (i32, i32) {
    %c0_i32 = arith.constant 0 : i32
    %c0_i32_0 = arith.constant 0 : i32
    %c0_i32_1 = arith.constant 0 : i32
    return %c0_i32, %c0_i32_0 : i32, i32
  }
  func.func @transform_4(%arg0: i32) -> (i32, i32) {
    %c0_i32 = arith.constant 0 : i32
    %c0_i32_0 = arith.constant 0 : i32
    %c0_i32_1 = arith.constant 0 : i32
    return %c0_i32, %c0_i32_0 : i32, i32
  }
}

</mosaic_0001>

<sc_bundles>
// kernel: kernel.11.cloned.1.call-start
scs
__scs_entry_jumppad:
0x0: {  	(pc) =	sbr.rel $0x88, $3  }
0x1: {  	(tag) =	ssettag $0x0;
	lr =	simm.s32 $0x1  }
0x2: {  	[smem:$0x3F90] =	sst lr;
	_ =	strace $0xD0000000  }
0x3: {  	_ = 	snop  }
0x4: {  	_ = 	snop  }
0x5: {  	_ = 	snop  }
0x6: {  	_ = 	snop  }
0x7: {  	_ = 	snop  }
__scs_overlays_trampoline_lowered:
0x8: {  	[smem:$0x3F9F] =	sst s0  }
0x9: {  	[smem:$0x3FA0] =	sst s1  }
0xa: {  	[smem:$0x3FA1] =	sst s2  }
0xb: {  	[smem:$0x3FA2] =	sst s3  }
0xc: {  	[smem:$0x3FA3] =	sst s4  }
0xd: {  	[smem:$0x3FA4] =	sst s5  }
0xe: {  	[smem:$0x3FA5] =	sst s6  }
0xf: {  	[smem:$0x3FA6] =	sst s7  }
0x10: {  	[smem:$0x3FA7] =	sst s8  }
0x11: {  	[smem:$0x3FA8] =	sst s9;
	s0 =	simm.s32 @!p0 $0x0  }
0x12: {  	s1 =	sld [smem:$0x3F8E];
	s0 =	simm.s32 @p0 $0x1  }
0x13: {  	[smem:$0x3FA9] =	sst s0;
	s0 =	simm.s32 @!p1 $0x0  }
0x14: {  	s2 =	sld [smem:$0x3F8D];
	s0 =	simm.s32 @p1 $0x1  }
0x15: {  	[smem:$0x3FAA] =	sst s0;
	s0 =	simm.s32 @!p2 $0x0  }
0x16: {  	s3 =	sld [smem:$0x3FDB];
	s0 =	simm.s32 @p2 $0x1  }
0x17: {  	s4 =	simm.s32 $0x1BF5;
	[smem:$0x3FAC] =	sst s0  }
0x18: {  	s0 =	sld [smem:$0x3F8F];
	_ =	swait.ge [sflag:s4], $0x0  }
0x19: {  	s7 =	sld [smem:$0x3F90]  }
0x1a: {  	s8 =	sadd.s32 $0xFFFFE003, lr  }
0x1b: {  	s9 =	sadd.s32 $0xFFFFFEF7, lr;
	s5 =	simm.s32 $0xFFFFFFFF;
	p2 =	slt.u32 s8, $0xFFFFF086  }
0x1c: {  	p1 =	slt.u32 s9, $0xF7A;
	s5 =	simm.s32 @!p2 $0x0  }
0x1d: {  	s5 =	simm.s32 @p1 $0x1;
	p0 =	seq.s32 s7, s2  }
0x1e: {  	s7 =	smul.u32 @!p0 $0xF7A, s2;
	p2 =	seq.s32 @!p0 s5, $0x0  }
0x1f: {  	s9 =	smul.u32 $0xF7A, s1;
	s8 =	simm.s32 @!p0 $0x1BF5;
	p2 =	por !p2, p0  }
0x20: {  	[sflag:s8] =	ssyncset.s32 @!p0 $0xFFFFF086;
	s6 =	sadd.s32 @!p0 s3, s7;
	s7 =	simm.s32 @!p0 $0x108  }
0x21: {  	s3 =	sadd.s32 s3, s9;
	s6 =	sadd.s32 @!p0 $0x88, s6;
	s7 =	simm.s32 @p2 $0x1082  }
0x22: {  	[simem:s7], [sflag:s8] =	dma.local @!p0 [hbm:s6], $0xF7A  }
0x23: {  	s9 =	sor.u32 $0xD0000000, s2;
	s6 =	simm.s32 $0x108;
	_ =	swait.ge @!p0 [sflag:s8], $0x0  }
0x24: {  	s3 =	sadd.s32 $0x88, s3;
	s6 =	simm.s32 @!p1 $0x1082;
	[sflag:s4] =	ssyncset.s32 $0xFFFFF086  }
0x25: {  	[simem:s6], [sflag:s4] =	dma.local [hbm:s3], $0xF7A  }
0x26: {  	[smem:$0x3F90] =	sst s1;
	(tag) =	ssettag s2;
	_ =	strace s9  }
0x27: {  	s1 =	sld [smem:$0x3FA0]  }
0x28: {  	s2 =	sld [smem:$0x3FA1]  }
0x29: {  	s4 =	sld [smem:$0x3FA3]  }
0x2a: {  	p0 =	seq.s32 s5, $0x0;
	s5 =	sld [smem:$0x3FA4]  }
0x2b: {  	s6 =	sld [smem:$0x3FA5]  }
0x2c: {  	s7 =	sld [smem:$0x3FA6]  }
0x2d: {  	s3 =	simm.s32 $0x108;
	s8 =	sld [smem:$0x3FA7]  }
0x2e: {  	s3 =	simm.s32 @!p0 $0x1082;
	s9 =	sld [smem:$0x3FA8]  }
0x2f: {  	lr =	sadd.s32 s0, s3;
	s0 =	sld [smem:$0x3F9F]  }
0x30: {  	s3 =	sld [smem:$0x3FA2]  }
0x31: {  	[smem:$0x3FAB] =	sst s10  }
0x32: {  	s10 =	sld [smem:$0x3FA9];
	_ =	sdelay $0x3  }
0x33: {  	p0 =	seq.s32 s10, $0x1;
	s10 =	sld [smem:$0x3FAB];
	_ =	sdelay $0x3  }
0x34: {  	[smem:$0x3FAB] =	sst s10  }
0x35: {  	s10 =	sld [smem:$0x3FAA];
	_ =	sdelay $0x3  }
0x36: {  	p1 =	seq.s32 s10, $0x1;
	s10 =	sld [smem:$0x3FAB];
	_ =	sdelay $0x3  }
0x37: {  	[smem:$0x3FAB] =	sst s10  }
0x38: {  	s10 =	sld [smem:$0x3FAC]  }
0x39: {  	_ = 	snop;
	(pc) =	sbr.ind lr, $3  }
0x3a: {  	_ = 	snop  }
0x3b: {  	_ = 	snop  }
0x3c: {  	p2 =	seq.s32 s10, $0x1;
	s10 =	sld [smem:$0x3FAB]  }
0x3d: {  	_ =	shalt  }
0x3e: {  	_ =	shalt  }
0x3f: {  	_ =	shalt  }
0x40: {  	_ =	shalt  }
0x41: {  	_ =	shalt  }
0x42: {  	_ =	shalt  }
0x43: {  	_ =	shalt  }
0x44: {  	_ =	shalt  }
0x45: {  	_ =	shalt  }
0x46: {  	_ =	shalt  }
0x47: {  	_ =	shalt  }
0x48: {  	_ =	shalt  }
0x49: {  	_ =	shalt  }
0x4a: {  	_ =	shalt  }
0x4b: {  	_ =	shalt  }
0x4c: {  	_ =	shalt  }
0x4d: {  	_ =	shalt  }
0x4e: {  	_ =	shalt  }
0x4f: {  	_ =	shalt  }
0x50: {  	_ =	shalt  }
0x51: {  	_ =	shalt  }
0x52: {  	_ =	shalt  }
0x53: {  	_ =	shalt  }
0x54: {  	_ =	shalt  }
0x55: {  	_ =	shalt  }
0x56: {  	_ =	shalt  }
0x57: {  	_ =	shalt  }
0x58: {  	_ =	shalt  }
0x59: {  	_ =	shalt  }
0x5a: {  	_ =	shalt  }
0x5b: {  	_ =	shalt  }
0x5c: {  	_ =	shalt  }
0x5d: {  	_ =	shalt  }
0x5e: {  	_ =	shalt  }
0x5f: {  	_ =	shalt  }
0x60: {  	_ =	shalt  }
0x61: {  	_ =	shalt  }
0x62: {  	_ =	shalt  }
0x63: {  	_ =	shalt  }
0x64: {  	_ =	shalt  }
0x65: {  	_ =	shalt  }
0x66: {  	_ =	shalt  }
0x67: {  	_ =	shalt  }
0x68: {  	_ =	shalt  }
0x69: {  	_ =	shalt  }
0x6a: {  	_ =	shalt  }
0x6b: {  	_ =	shalt  }
0x6c: {  	_ =	shalt  }
0x6d: {  	_ =	shalt  }
0x6e: {  	_ =	shalt  }
0x6f: {  	_ =	shalt  }
0x70: {  	_ =	shalt  }
0x71: {  	_ =	shalt  }
0x72: {  	_ =	shalt  }
0x73: {  	_ =	shalt  }
0x74: {  	_ =	shalt  }
0x75: {  	_ =	shalt  }
0x76: {  	_ =	shalt  }
0x77: {  	_ =	shalt  }
0x78: {  	_ =	shalt  }
0x79: {  	_ =	shalt  }
0x7a: {  	_ =	shalt  }
0x7b: {  	_ =	shalt  }
0x7c: {  	_ =	shalt  }
0x7d: {  	_ =	shalt  }
0x7e: {  	_ =	shalt  }
0x7f: {  	_ =	shalt  }
0x80: {  	_ =	shalt  }
0x81: {  	_ =	shalt  }
0x82: {  	_ =	shalt  }
0x83: {  	_ =	shalt  }
0x84: {  	_ =	shalt  }
0x85: {  	_ =	shalt  }
0x86: {  	_ =	shalt  }
0x87: {  	_ =	shalt  }
.Lfunc_end0:
.L_simem_size_0:
called_computation_lowered:
.L_overlay_start_0:
0x88: {  	s2 =	sld [smem:$0x3FD9]  }
0x89: {  	s3 =	sld [smem:$0x3FFE];
	_ =	sdelay $0x1  }
0x8a: {  	s1 =	srdreg.scid  }
0x8b: {  	s0 =	sand.u32 $0x1, s1  }
0x8c: {  	s17 =	sshll.u32 s0, $0xA;
	s2 =	sadd.s32 s3, s2  }
0x8d: {  	s2 =	sadd.s32 s2, s17  }
0x8e: {  	[smem:$0x3FB7] =	sst s2  }
0x8f: {  	_ = 	snop  }
0x90: {  	s2 =	sld [smem:$0x3FC9];
	(tm) =	ssettm $0x1  }
0x91: {  	s18 =	sld [smem:$0x3FFB];
	_ =	sdelay $0x3  }
0x92: {  	_ =	strace s18  }
0x93: {  	s3 =	sld [smem:$0x3FFC];
	_ =	sdelay $0x3  }
0x94: {  	_ =	strace s3  }
0x95: {  	s3 =	sld [smem:$0x3FFD];
	_ =	sdelay $0x3  }
0x96: {  	_ =	strace s3  }
0x97: {  	_ =	strace $0x8FFFFFFF  }
0x98: {  	s19 =	sld [smem:$0x3FDB];
	_ =	sdelay $0x1  }
0x99: {  	s4 =	simm.s32 $_scs_section_size  }
0x9a: {  	s5 =	simm.s32 $_size__tile_overlayer_lowered;
	s6 =	simm.s32 $_tile_overlayer_lowered  }
0x9b: {  	s22 =	simm.s32 $0x1BFF;
	s21 =	sshll.u32 s6, $0x1;
	s3 =	sadd.s32 s4, s19  }
0x9c: {  	s7 =	simm.s32 $0x0;
	s20 =	sshll.u32 s5, $0x1;
	s5 =	sadd.s32 s21, s3  }
0x9d: {  	[timem:s7], [sflag:s22] =	dma.local [hbm:s5], s20  }
0x9e: {  	_ =	swait.ge [sflag:s22], s20  }
0x9f: {  	s4 =	ssub.s32 $0x0, s20;
	[sflag:s22] =	ssyncset.done $0x0  }
0xa0: {  	[sflag:s22] =	ssyncadd.s32 s4;
	_ =	sdelay $0x1  }
0xa1: {  	s23 =	simm.s32 $0x1B8B  }
0xa2: {  	_ =	swait.ge [sflag:s23], $0x1  }
0xa3: {  	[sflag:s23] =	ssyncset.done $0x0  }
0xa4: {  	s25 =	simm.s32 $0x1B8E;
	s24 =	sld [smem:$0x3FFE];
	[sflag:s23] =	ssyncadd.s32 $0xFFFFFFFF  }
0xa5: {  	s26 =	simm.s32 $execute0_lowered;
	[smem:$0x3FD2] =	sst s25  }
0xa6: {  	s5 =	sshll.u32 s26, $0x1;
	_ =	strace $0x80000046;
	[dreg:$0x1] =	wrdreg $0xFFFFFFFF  }
0xa7: {  	s28 =	simm.s32 $_size_execute0_lowered;
	s3 =	sadd.s32 s3, s5;
	[dreg:$0x0] =	wrdreg $0x0  }
0xa8: {  	s5 =	sshll.u32 s28, $0x1;
	[dreg:$0x2] =	wrdreg s3  }
0xa9: {  	[dreg:$0x3] =	wrdreg s5  }
0xaa: {  	[dreg:$0x4] =	wrdreg $0xC0  }
0xab: {  	_ =	task [dreg:s7], $0x5FFFF  }
0xac: {  	[dreg:$0x1] =	wrdreg $0xFFFFFFFF  }
0xad: {  	[dreg:$0x0] =	wrdreg $0x60  }
0xae: {  	[dreg:$0x2] =	wrdreg s2  }
0xaf: {  	[dreg:$0x3] =	wrdreg s24  }
0xb0: {  	[dreg:$0x4] =	wrdreg $0x100400  }
0xb1: {  	[dreg:$0x5] =	wrdreg $0x1ACC00  }
0xb2: {  	[dreg:$0x6] =	wrdreg $0x9  }
0xb3: {  	_ =	task.clear_ibuf [dreg:s7], $0x7FFFF;
	_ =	strace $0x90000046  }
0xb4: {  	s29 =	simm.s32 $0x9;
	_ =	strace $0x80000048  }
0xb5: {  	_ =	swait.ge [sflag:s29], $0x1  }
0xb6: {  	[sflag:s29] =	ssyncadd.s32 $0xFFFFFFFF  }
0xb7: {  	_ =	strace $0x90000048  }
0xb8: {  	_ =	sfence  }
0xb9: {  	s30 =	sld [smem:$0x0];
	_ =	sdelay $0x2  }
0xba: {  	s31 =	sshll.u32 s1, $0xD;
	s1 =	sshrl.u32 s1, $0x2  }
0xbb: {  	s3 =	sand.u32 $0x4000, s31;
	s1 =	sadd.s32 s1, s30  }
0xbc: {  	s0 =	sor.u32 s3, s0;
	s1 =	sshll.u32 s1, $0x11  }
0xbd: {  	s0 =	sor.u32 s1, s0  }
0xbe: {  	s0 =	sadd.s32 $0x8F2B, s0  }
0xbf: {  	[sflag:s0] =	ssyncadd.remote.s32 $0x1  }
0xc0: {  	_ =	sfence.sel $0xFFFF  }
0xc1: {  	[dreg:$0x0] =	wrdreg $0xFFFFFFFF;
	(pc) =	sbr.abs _section_cstart, $3  }
0xc2: {  	[dreg:$0x1] =	wrdreg $0xFFFFFFFF  }
0xc3: {  	_ =	task.clear_ibuf [dreg:s7], $0x2FFFF;
	_ =	strace $0x9FFFFFFF  }
0xc4: {  	(tm) =	ssettm $0x7FFFFFFF  }
0xc5: {  	_ =	shalt  }
tec
execute0_lowered:
.L_overlay_start_1:
0x0: {  	(tag) =	ssettag $0x1  }
0x1: {  	s1 =	rddreg [dreg:$0x0]  }
0x2: {  	s0 =	rddreg [dreg:$0x1]  }
0x3: {  	s3 =	rddreg [dreg:$0x2]  }
0x4: {  	s4 =	rddreg [dreg:$0x3]  }
0x5: {  	s14 =	stileid.u32;
	s6 =	srdreg.scid  }
0x6: {  	s5 =	simm.s32 $0x0;
	s16 =	simm.s32 $0x3;
	s19 =	simm.s32 $0xC8  }
0x7: {  	s20 =	simm.s32 $0x9C40;
	s22 =	simm.s32 $0x1;
	s23 =	simm.s32 $0x4  }
0x8: {  	s24 =	simm.s32 $0x2;
	s26 =	simm.s32 $0x9AB0;
	s2 =	smul.u32 $0x9C4, s14  }
0x9: {  	s21 =	sand.u32 $0x1, s6;
	s8 =	smul.u32 $0xA000, s14;
	[smem:$0x7FF] =	sst s5  }
0xa: {  	s6 =	sadd.s32 $0x21600, s0;
	s10 =	smul.u32 $0x2800, s14;
	s31 =	sshll.u32 s14, $0x6  }
0xb: {  	s14 =	simm.s32 $0xDA00;
	s7 =	smul.u32 $0xA0000, s21;
	_ =	strace $0x80000047  }
0xc: {  	s11 =	ssub.s32 $0x2, s21;
	p0 =	seq.s32 s21, $0x0;
	s2 =	sadd.s32 s2, s0  }
0xd: {  	s30 =	sshrl.u32 s10, $0x3;
	s13 =	sshrl.u32 s11, $0x1;
	s15 =	sadd.s32 s8, s3  }
0xe: {  	s14 =	simm.s32 @!p0 $0x17800;
	p0 =	sne.s32 s21, $0x0;
	s21 =	simm.s32 $0xCE40  }
0xf: {  	s9 =	sadd.s32 s8, s7;
	s7 =	sadd.s32 $0x22A00, s0;
	s13 =	ssub.s32 s11, s13  }
0x10: {  	s8 =	sor.u32 $0x1C03, s31;
	s14 =	sadd.s32 s14, s2;
	s9 =	sshrl.u32 s9, $0x3  }
0x11: {  	s15 =	sshrl.u32 s15, $0x3;
	s13 =	smax.u32 s13, $0x1;
	s12 =	sadd.s32 s9, s0  }
0x12: {  	s0 =	sadd.s32 s30, s0;
	s9 =	sadd.s32 s10, s4;
	s10 =	sadd.s32 $0x3C00, s2  }
0x13: {  	v0 =	vimm.f32 $1.000000000e+00;
	s11 =	sadd.s32 $0x28000, s12;
	s12 =	sadd.s32 $0x23000, s0;
	s17 =	sshrl.u32 s9, $0x3  }
.LBB2_1:
0x14: {  	[spmem:s15], [sflag:s8] =	dma.local [hbm:s6], $0x1400  }
0x15: {  	_ =	swait.ge [sflag:s16], $0x1400  }
0x16: {  	[sflag:s16] =	ssyncset.done $0x0  }
0x17: {  	[sflag:s16] =	ssyncadd.s32 $0xFFFFEC00  }
0x18: {  	[spmem:s17], [sflag:s8] =	dma.local [hbm:s7], $0x500  }
0x19: {  	_ =	swait.ge [sflag:s16], $0x500  }
0x1a: {  	[sflag:s16] =	ssyncset.done $0x0  }
0x1b: {  	s0 =	simm.s32 $0x40;
	s2 =	simm.s32 $0x0;
	[sflag:s16] =	ssyncadd.s32 $0xFFFFFB00  }
.LBB2_2:
0x1c: {  	p1 =	sne.s32 s0, $0x31C0;
	[tilespmem:s2+$0x1A040] =	vst v0;
	s2 =	smov.u32 s0;
	s0 =	sadd.s32 $0x40, s0  }
.Ltmp0:
0x1d: {  	(pc) =	sbr.rel @p1 .LBB2_2-.Ltmp0, $2  }
0x1e: {  	_ =	sdelay $0x2  }
0x1f: {  	s2 =	sshra.s32 s2, $0x2  }
0x20: {  	[tilespmem:s2+$0x1A040] =	vst v0;
	s0 =	simm.s32 $0x0  }
0x21: {  	[tilespmem:s0], [sflag:$0x3] =	stream.linear.gather [hbm4b:s14+s0], $0x4E20, $0x38;
	[tilespmem:$0x1D4C0] =	vst v63  }
0x22: {  	_ =	swait.ge [sflag:s16], $0x4E20  }
0x23: {  	[sflag:s16] =	ssyncset.done $0x0  }
0x24: {  	s25 =	simm.s32 $0x4E20;
	[sflag:s16] =	ssyncadd.s32 $0xFFFFB1E0  }
0x25: {  	[tilespmem:s25], [sflag:$0x3] =	stream.linear.gather [hbm4b:s10+s0], $0x4E20, $0x38;
	[tilespmem:$0x1D4C0] =	vst v63  }
0x26: {  	_ =	swait.ge [sflag:s16], $0x4E20  }
0x27: {  	[sflag:s16] =	ssyncset.done $0x0  }
0x28: {  	[sflag:s16] =	ssyncadd.s32 $0xFFFFB1E0  }
0x29: {  	[bflag:$0x0] =	sbarrier.arrive $0xFFFF  }
0x2a: {  	[tilespmem:s20], [sflag:$0x1] =	stream.indirect.gather [hbm4b:s1+s19], $0x40, s0, s19, $0xb8;
	[tilespmem:$0x1D4C0] =	vst v63  }
0x2b: {  	s18 =	simm.s32 $0xC8  }
0x2c: {  	[tilespmem:s21], [sflag:$0x2] =	stream.indirect.gather [hbm4b:s1+s19], $0x40, s18, s19, $0xb8;
	[tilespmem:$0x1D4C0] =	vst v63  }
0x2d: {  	_ =	swait.ge [sflag:s22], $0x3200  }
0x2e: {  	[sflag:s22] =	ssyncset.done $0x0  }
0x2f: {  	s0 =	simm.s32 $0x4E20;
	[sflag:s22] =	ssyncadd.s32 $0xFFFFCE00  }
0x30: {  	[spmem:s3] =	stream.indirect.scatter.add.f32 [tilespmem:s20], [sflag:$0x4], $0x40, s0, s19, $0xb8;
	[tilespmem:$0x1D4C0] =	vst v63  }
0x31: {  	_ =	swait.ge [sflag:s23], $0x3200  }
0x32: {  	s28 =	simm.s32 @!p0 $0x4;
	[sflag:s23] =	ssyncset.done $0x0  }
0x33: {  	s29 =	simm.s32 @!p0 $0xC8;
	s30 =	simm.s32 @!p0 $0x1A040;
	[sflag:s23] =	ssyncadd.s32 $0xFFFFCE00  }
0x34: {  	[spmem:s4] =	stream.indirect.scatter.add.f32 @!p0 [tilespmem:s30], [sflag:$0x4], $0x10, s0, s29, $0xb8;
	[tilespmem:$0x1D4C0] =	vst v63  }
0x35: {  	_ =	swait.ge @!p0 [sflag:s28], $0xC80  }
0x36: {  	[sflag:s28] =	ssyncset.done @!p0 $0x0  }
0x37: {  	s25 =	simm.s32 $0x190;
	[sflag:s28] =	ssyncadd.s32 @!p0 $0xFFFFF380  }
0x38: {  	[tilespmem:s20], [sflag:$0x1] =	stream.indirect.gather [hbm4b:s1+s19], $0x40, s25, s19, $0xb8;
	[tilespmem:$0x1D4C0] =	vst v63  }
0x39: {  	_ =	swait.ge [sflag:s24], $0x3200  }
0x3a: {  	[sflag:s24] =	ssyncset.done $0x0  }
0x3b: {  	s2 =	simm.s32 $0x4EE8;
	[sflag:s24] =	ssyncadd.s32 $0xFFFFCE00  }
0x3c: {  	[spmem:s3] =	stream.indirect.scatter.add.f32 [tilespmem:s21], [sflag:$0x4], $0x40, s2, s19, $0xb8;
	[tilespmem:$0x1D4C0] =	vst v63  }
0x3d: {  	_ =	swait.ge [sflag:s23], $0x3200  }
0x3e: {  	[sflag:s23] =	ssyncset.done $0x0  }
0x3f: {  	s0 =	simm.s32 @!p0 $0x3;
	[sflag:s23] =	ssyncadd.s32 $0xFFFFCE00  }
0x40: {  	[spmem:s4] =	stream.indirect.scatter.add.f32 @!p0 [tilespmem:s30], [sflag:$0x3], $0x10, s2, s29, $0xb8;
	[tilespmem:$0x1D4C0] =	vst v63  }
0x41: {  	_ =	swait.ge @!p0 [sflag:s0], $0xC80  }
0x42: {  	s31 =	simm.s32 $0x190;
	s2 =	simm.s32 $0xC80;
	[sflag:s0] =	ssyncset.done @!p0 $0x0  }
.LBB2_4:
0x43: {  	s18 =	sadd.s32 $0xC8, s31  }
0x44: {  	[sflag:s0] =	ssyncadd.s32 @!p0 $0xFFFFF380;
	s25 =	smov.u32 s2;
	s2 =	sadd.s32 $0x640, s2  }
0x45: {  	[tilespmem:s21], [sflag:$0x2] =	stream.indirect.gather [hbm4b:s1+s19], $0x40, s18, s19, $0xb8;
	[tilespmem:$0x1D4C0] =	vst v63  }
0x46: {  	p1 =	sne.s32 s2, $0x13240;
	_ =	swait.ge [sflag:s22], $0x3200  }
0x47: {  	[sflag:s22] =	ssyncset.done $0x0  }
0x48: {  	s18 =	sadd.s32 $0x4E20, s31;
	[sflag:s22] =	ssyncadd.s32 $0xFFFFCE00  }
0x49: {  	[spmem:s3] =	stream.indirect.scatter.add.f32 [tilespmem:s20], [sflag:$0x4], $0x40, s18, s19, $0xb8;
	[tilespmem:$0x1D4C0] =	vst v63  }
0x4a: {  	_ =	swait.ge [sflag:s23], $0x3200  }
0x4b: {  	[sflag:s23] =	ssyncset.done $0x0  }
0x4c: {  	[sflag:s23] =	ssyncadd.s32 $0xFFFFCE00  }
0x4d: {  	[spmem:s4] =	stream.indirect.scatter.add.f32 @!p0 [tilespmem:s30], [sflag:$0x4], $0x10, s18, s29, $0xb8;
	[tilespmem:$0x1D4C0] =	vst v63  }
0x4e: {  	_ =	swait.ge @!p0 [sflag:s28], $0xC80  }
0x4f: {  	[sflag:s28] =	ssyncset.done @!p0 $0x0  }
0x50: {  	s18 =	sadd.s32 $0x190, s31;
	[sflag:s28] =	ssyncadd.s32 @!p0 $0xFFFFF380  }
0x51: {  	[tilespmem:s20], [sflag:$0x1] =	stream.indirect.gather [hbm4b:s1+s19], $0x40, s18, s19, $0xb8;
	[tilespmem:$0x1D4C0] =	vst v63  }
0x52: {  	_ =	swait.ge [sflag:s24], $0x3200  }
0x53: {  	[sflag:s24] =	ssyncset.done $0x0  }
0x54: {  	s18 =	sadd.s32 $0x4EE8, s31;
	[sflag:s24] =	ssyncadd.s32 $0xFFFFCE00  }
0x55: {  	[spmem:s3] =	stream.indirect.scatter.add.f32 [tilespmem:s21], [sflag:$0x4], $0x40, s18, s19, $0xb8;
	[tilespmem:$0x1D4C0] =	vst v63  }
0x56: {  	_ =	swait.ge [sflag:s23], $0x3200  }
.Ltmp1:
0x57: {  	[sflag:s23] =	ssyncset.done $0x0;
	(pc) =	sbr.rel @p1 .LBB2_4-.Ltmp1, $4  }
0x58: {  	[sflag:s23] =	ssyncadd.s32 $0xFFFFCE00  }
0x59: {  	[spmem:s4] =	stream.indirect.scatter.add.f32 @!p0 [tilespmem:s30], [sflag:$0x3], $0x10, s18, s29, $0xb8;
	[tilespmem:$0x1D4C0] =	vst v63  }
0x5a: {  	_ =	swait.ge @!p0 [sflag:s0], $0xC80  }
0x5b: {  	s31 =	sshra.s32 s25, $0x2;
	[sflag:s0] =	ssyncset.done @!p0 $0x0  }
0x5c: {  	s2 =	sadd.s32 $0xC8, s31;
	[sflag:s0] =	ssyncadd.s32 @!p0 $0xFFFFF380  }
0x5d: {  	[tilespmem:s21], [sflag:$0x2] =	stream.indirect.gather [hbm4b:s1+s19], $0x40, s2, s19, $0xb8;
	[tilespmem:$0x1D4C0] =	vst v63  }
0x5e: {  	_ =	swait.ge [sflag:s22], $0x3200  }
0x5f: {  	[sflag:s22] =	ssyncset.done $0x0  }
0x60: {  	s0 =	sadd.s32 $0x4E20, s31;
	[sflag:s22] =	ssyncadd.s32 $0xFFFFCE00  }
0x61: {  	[spmem:s3] =	stream.indirect.scatter.add.f32 [tilespmem:s20], [sflag:$0x4], $0x40, s0, s19, $0xb8;
	[tilespmem:$0x1D4C0] =	vst v63  }
0x62: {  	_ =	swait.ge [sflag:s23], $0x3200  }
0x63: {  	s18 =	simm.s32 @!p0 $0xC8;
	[sflag:s23] =	ssyncset.done $0x0  }
0x64: {  	s25 =	simm.s32 @!p0 $0x1A040;
	s2 =	simm.s32 @!p0 $0x4;
	[sflag:s23] =	ssyncadd.s32 $0xFFFFCE00  }
0x65: {  	[spmem:s4] =	stream.indirect.scatter.add.f32 @!p0 [tilespmem:s25], [sflag:$0x4], $0x10, s0, s18, $0xb8;
	[tilespmem:$0x1D4C0] =	vst v63  }
0x66: {  	_ =	swait.ge @!p0 [sflag:s2], $0xC80  }
0x67: {  	[sflag:s2] =	ssyncset.done @!p0 $0x0  }
0x68: {  	s30 =	sadd.s32 $0x190, s31;
	[sflag:s2] =	ssyncadd.s32 @!p0 $0xFFFFF380  }
0x69: {  	[tilespmem:s20], [sflag:$0x1] =	stream.indirect.gather [hbm4b:s1+s19], $0x40, s30, s19, $0xb8;
	[tilespmem:$0x1D4C0] =	vst v63  }
0x6a: {  	_ =	swait.ge [sflag:s24], $0x3200  }
0x6b: {  	[sflag:s24] =	ssyncset.done $0x0  }
0x6c: {  	s0 =	sadd.s32 $0x4EE8, s31;
	[sflag:s24] =	ssyncadd.s32 $0xFFFFCE00  }
0x6d: {  	[spmem:s3] =	stream.indirect.scatter.add.f32 [tilespmem:s21], [sflag:$0x4], $0x40, s0, s19, $0xb8;
	[tilespmem:$0x1D4C0] =	vst v63  }
0x6e: {  	_ =	swait.ge [sflag:s23], $0x3200  }
0x6f: {  	[sflag:s23] =	ssyncset.done $0x0  }
0x70: {  	s28 =	simm.s32 @!p0 $0x3;
	[sflag:s23] =	ssyncadd.s32 $0xFFFFCE00  }
0x71: {  	[spmem:s4] =	stream.indirect.scatter.add.f32 @!p0 [tilespmem:s25], [sflag:$0x3], $0x10, s0, s18, $0xb8;
	[tilespmem:$0x1D4C0] =	vst v63  }
0x72: {  	_ =	swait.ge @!p0 [sflag:s28], $0xC80  }
0x73: {  	[sflag:s28] =	ssyncset.done @!p0 $0x0  }
0x74: {  	s31 =	simm.s32 $0x4D58;
	[sflag:s28] =	ssyncadd.s32 @!p0 $0xFFFFF380  }
0x75: {  	[tilespmem:s21], [sflag:$0x2] =	stream.indirect.gather [hbm4b:s1+s19], $0x40, s31, s19, $0xb8;
	[tilespmem:$0x1D4C0] =	vst v63  }
0x76: {  	_ =	swait.ge [sflag:s22], $0x3200  }
0x77: {  	[sflag:s22] =	ssyncset.done $0x0  }
0x78: {  	[sflag:s22] =	ssyncadd.s32 $0xFFFFCE00  }
0x79: {  	[spmem:s3] =	stream.indirect.scatter.add.f32 [tilespmem:s20], [sflag:$0x4], $0x40, s26, s19, $0xb8;
	[tilespmem:$0x1D4C0] =	vst v63  }
0x7a: {  	_ =	swait.ge [sflag:s23], $0x3200  }
0x7b: {  	[sflag:s23] =	ssyncset.done $0x0  }
0x7c: {  	s0 =	simm.s32 @p0 $0x2;
	[sflag:s23] =	ssyncadd.s32 $0xFFFFCE00  }
0x7d: {  	_ =	swait.ge @p0 [sflag:s0], $0x3200  }
0x7e: {  	s29 =	simm.s32 @p0 $0x9B78;
	[sflag:s0] =	ssyncset.done @p0 $0x0  }
0x7f: {  	s30 =	simm.s32 @p0 $0xCE40;
	[sflag:s0] =	ssyncadd.s32 @p0 $0xFFFFCE00;
	s0 =	simm.s32 @p0 $0xC8  }
0x80: {  	[spmem:s3] =	stream.indirect.scatter.add.f32 @p0 [tilespmem:s30], [sflag:$0x4], $0x40, s29, s0, $0xb8;
	[tilespmem:$0x1D4C0] =	vst v63  }
0x81: {  	s0 =	simm.s32 @p0 $0x4  }
0x82: {  	_ =	swait.ge @p0 [sflag:s0], $0x3200  }
0x83: {  	[sflag:s0] =	ssyncset.done @p0 $0x0  }
0x84: {  	[sflag:s0] =	ssyncadd.s32 @p0 $0xFFFFCE00;
	s0 =	simm.s32 @!p0 $0x9AB0  }
0x85: {  	[spmem:s4] =	stream.indirect.scatter.add.f32 @!p0 [tilespmem:s25], [sflag:$0x4], $0x10, s0, s18, $0xb8;
	[tilespmem:$0x1D4C0] =	vst v63  }
0x86: {  	_ =	swait.ge @!p0 [sflag:s2], $0xC80  }
0x87: {  	[sflag:s2] =	ssyncset.done @!p0 $0x0  }
0x88: {  	s0 =	simm.s32 @!p0 $0x2;
	[sflag:s2] =	ssyncadd.s32 @!p0 $0xFFFFF380  }
0x89: {  	_ =	swait.ge @!p0 [sflag:s0], $0x3200  }
0x8a: {  	[sflag:s0] =	ssyncset.done @!p0 $0x0  }
0x8b: {  	s29 =	simm.s32 @!p0 $0xCE40;
	[sflag:s0] =	ssyncadd.s32 @!p0 $0xFFFFCE00;
	s0 =	simm.s32 @!p0 $0x9B78  }
0x8c: {  	[spmem:s3] =	stream.indirect.scatter.add.f32 @!p0 [tilespmem:s29], [sflag:$0x4], $0x40, s0, s18, $0xb8;
	[tilespmem:$0x1D4C0] =	vst v63  }
0x8d: {  	_ =	swait.ge @!p0 [sflag:s2], $0x3200  }
0x8e: {  	[sflag:s2] =	ssyncset.done @!p0 $0x0  }
0x8f: {  	[sflag:s2] =	ssyncadd.s32 @!p0 $0xFFFFCE00  }
0x90: {  	[spmem:s4] =	stream.indirect.scatter.add.f32 @!p0 [tilespmem:s25], [sflag:$0x3], $0x10, s0, s18, $0xb8;
	[tilespmem:$0x1D4C0] =	vst v63  }
0x91: {  	_ =	swait.ge @!p0 [sflag:s28], $0xC80  }
0x92: {  	[sflag:s28] =	ssyncset.done @!p0 $0x0  }
0x93: {  	[sflag:s28] =	ssyncadd.s32 @!p0 $0xFFFFF380  }
0x94: {  	[bflag:$0x0] =	sbarrier.arrive $0xFFFF  }
0x95: {  	[hbm:s11], [sflag:s8] =	dma.local [spmem:s15], $0x1400  }
0x96: {  	s5 =	sadd.s32 $0x1, s5;
	_ =	swait.ge [sflag:s16], $0x1400  }
0x97: {  	p1 =	sne.s32 s5, s13;
	[sflag:s16] =	ssyncset.done $0x0  }
.Ltmp2:
0x98: {  	s0 =	sshrl.u32 @!p0 s9, $0x3;
	[sflag:s16] =	ssyncadd.s32 $0xFFFFEC00;
	(pc) =	sbr.rel @p1 .LBB2_1-.Ltmp2, $4  }
0x99: {  	[hbm:s12], [sflag:s8] =	dma.local @!p0 [spmem:s0], $0x500  }
0x9a: {  	_ =	swait.ge @!p0 [sflag:s28], $0x500  }
0x9b: {  	[sflag:s28] =	ssyncset.done @!p0 $0x0  }
0x9c: {  	[sflag:s28] =	ssyncadd.s32 @!p0 $0xFFFFFB00  }
0x9d: {  	_ =	sfence.sel $0x180000  }
0x9e: {  	[bflag:$0x0] =	sbarrier.arrive $0xFFFF  }
0x9f: {  	_ =	strace $0x90000047  }
0xa0: {  	s0 =	stileid.u32;
	[bflag:$0x2] =	sbarrier.arrive $0xFFFF  }
0xa1: {  	p0 =	sne.s32 s0, $0x0;
	s0 =	rddreg [dreg:$0x4]  }
0xa2: {  	s0 =	sadd.s32 @!p0 $0x100000, s0  }
0xa3: {  	[sflag:s0] =	ssyncadd.tile.s32 @!p0 $0x1;
	_ =	shalt  }
.Lfunc_end2:
_tile_overlayer_lowered:
.L_overlay_start_2:
0xa4: {  	(tag) =	ssettag $0x2  }
0xa5: {  	s0 =	rddreg [dreg:$0x0];
	s2 =	stileid.u32  }
0xa6: {  	s1 =	rddreg [dreg:$0x1];
	p0 =	sne.s32 s2, $0x0  }
0xa7: {  	s3 =	rddreg [dreg:$0x2];
	[bflag:$0x3] =	sbarrier.arrive $0xFFFF;
	s2 =	simm.s32 @!p0 $0x1C03  }
0xa8: {  	[timem:s3], [sflag:s2] =	dma.local @!p0 [hbm:s0], s1  }
0xa9: {  	s0 =	simm.s32 @!p0 $0x3  }
0xaa: {  	_ =	swait.ge @!p0 [sflag:s0], s1  }
0xab: {  	s1 =	ssub.s32 @!p0 $0x0, s1;
	[sflag:s0] =	ssyncset.done @!p0 $0x0  }
0xac: {  	[sflag:s0] =	ssyncadd.s32 @!p0 s1  }
0xad: {  	[bflag:$0x3] =	sbarrier.arrive $0xFFFF  }
0xae: {  	_ =	shalt  }

// kernel: kernel.14.cloned.1.call-start
scs
__scs_entry_jumppad:
0x0: {  	(pc) =	sbr.rel $0x88, $3  }
0x1: {  	(tag) =	ssettag $0x0;
	lr =	simm.s32 $0x1  }
0x2: {  	[smem:$0x3F90] =	sst lr;
	_ =	strace $0xD0000000  }
0x3: {  	_ = 	snop  }
0x4: {  	_ = 	snop  }
0x5: {  	_ = 	snop  }
0x6: {  	_ = 	snop  }
0x7: {  	_ = 	snop  }
__scs_overlays_trampoline_lowered:
0x8: {  	[smem:$0x3F9F] =	sst s0  }
0x9: {  	[smem:$0x3FA0] =	sst s1  }
0xa: {  	[smem:$0x3FA1] =	sst s2  }
0xb: {  	[smem:$0x3FA2] =	sst s3  }
0xc: {  	[smem:$0x3FA3] =	sst s4  }
0xd: {  	[smem:$0x3FA4] =	sst s5  }
0xe: {  	[smem:$0x3FA5] =	sst s6  }
0xf: {  	[smem:$0x3FA6] =	sst s7  }
0x10: {  	[smem:$0x3FA7] =	sst s8  }
0x11: {  	[smem:$0x3FA8] =	sst s9;
	s0 =	simm.s32 @!p0 $0x0  }
0x12: {  	s1 =	sld [smem:$0x3F8E];
	s0 =	simm.s32 @p0 $0x1  }
0x13: {  	[smem:$0x3FA9] =	sst s0;
	s0 =	simm.s32 @!p1 $0x0  }
0x14: {  	s2 =	sld [smem:$0x3F8D];
	s0 =	simm.s32 @p1 $0x1  }
0x15: {  	[smem:$0x3FAA] =	sst s0;
	s0 =	simm.s32 @!p2 $0x0  }
0x16: {  	s3 =	sld [smem:$0x3FDB];
	s0 =	simm.s32 @p2 $0x1  }
0x17: {  	s4 =	simm.s32 $0x1BF5;
	[smem:$0x3FAC] =	sst s0  }
0x18: {  	s0 =	sld [smem:$0x3F8F];
	_ =	swait.ge [sflag:s4], $0x0  }
0x19: {  	s7 =	sld [smem:$0x3F90]  }
0x1a: {  	s8 =	sadd.s32 $0xFFFFE003, lr  }
0x1b: {  	s9 =	sadd.s32 $0xFFFFFEF7, lr;
	s5 =	simm.s32 $0xFFFFFFFF;
	p2 =	slt.u32 s8, $0xFFFFF086  }
0x1c: {  	p1 =	slt.u32 s9, $0xF7A;
	s5 =	simm.s32 @!p2 $0x0  }
0x1d: {  	s5 =	simm.s32 @p1 $0x1;
	p0 =	seq.s32 s7, s2  }
0x1e: {  	s7 =	smul.u32 @!p0 $0xF7A, s2;
	p2 =	seq.s32 @!p0 s5, $0x0  }
0x1f: {  	s9 =	smul.u32 $0xF7A, s1;
	s8 =	simm.s32 @!p0 $0x1BF5;
	p2 =	por !p2, p0  }
0x20: {  	[sflag:s8] =	ssyncset.s32 @!p0 $0xFFFFF086;
	s6 =	sadd.s32 @!p0 s3, s7;
	s7 =	simm.s32 @!p0 $0x108  }
0x21: {  	s3 =	sadd.s32 s3, s9;
	s6 =	sadd.s32 @!p0 $0x88, s6;
	s7 =	simm.s32 @p2 $0x1082  }
0x22: {  	[simem:s7], [sflag:s8] =	dma.local @!p0 [hbm:s6], $0xF7A  }
0x23: {  	s9 =	sor.u32 $0xD0000000, s2;
	s6 =	simm.s32 $0x108;
	_ =	swait.ge @!p0 [sflag:s8], $0x0  }
0x24: {  	s3 =	sadd.s32 $0x88, s3;
	s6 =	simm.s32 @!p1 $0x1082;
	[sflag:s4] =	ssyncset.s32 $0xFFFFF086  }
0x25: {  	[simem:s6], [sflag:s4] =	dma.local [hbm:s3], $0xF7A  }
0x26: {  	[smem:$0x3F90] =	sst s1;
	(tag) =	ssettag s2;
	_ =	strace s9  }
0x27: {  	s1 =	sld [smem:$0x3FA0]  }
0x28: {  	s2 =	sld [smem:$0x3FA1]  }
0x29: {  	s4 =	sld [smem:$0x3FA3]  }
0x2a: {  	p0 =	seq.s32 s5, $0x0;
	s5 =	sld [smem:$0x3FA4]  }
0x2b: {  	s6 =	sld [smem:$0x3FA5]  }
0x2c: {  	s7 =	sld [smem:$0x3FA6]  }
0x2d: {  	s3 =	simm.s32 $0x108;
	s8 =	sld [smem:$0x3FA7]  }
0x2e: {  	s3 =	simm.s32 @!p0 $0x1082;
	s9 =	sld [smem:$0x3FA8]  }
0x2f: {  	lr =	sadd.s32 s0, s3;
	s0 =	sld [smem:$0x3F9F]  }
0x30: {  	s3 =	sld [smem:$0x3FA2]  }
0x31: {  	[smem:$0x3FAB] =	sst s10  }
0x32: {  	s10 =	sld [smem:$0x3FA9];
	_ =	sdelay $0x3  }
0x33: {  	p0 =	seq.s32 s10, $0x1;
	s10 =	sld [smem:$0x3FAB];
	_ =	sdelay $0x3  }
0x34: {  	[smem:$0x3FAB] =	sst s10  }
0x35: {  	s10 =	sld [smem:$0x3FAA];
	_ =	sdelay $0x3  }
0x36: {  	p1 =	seq.s32 s10, $0x1;
	s10 =	sld [smem:$0x3FAB];
	_ =	sdelay $0x3  }
0x37: {  	[smem:$0x3FAB] =	sst s10  }
0x38: {  	s10 =	sld [smem:$0x3FAC]  }
0x39: {  	_ = 	snop;
	(pc) =	sbr.ind lr, $3  }
0x3a: {  	_ = 	snop  }
0x3b: {  	_ = 	snop  }
0x3c: {  	p2 =	seq.s32 s10, $0x1;
	s10 =	sld [smem:$0x3FAB]  }
0x3d: {  	_ =	shalt  }
0x3e: {  	_ =	shalt  }
0x3f: {  	_ =	shalt  }
0x40: {  	_ =	shalt  }
0x41: {  	_ =	shalt  }
0x42: {  	_ =	shalt  }
0x43: {  	_ =	shalt  }
0x44: {  	_ =	shalt  }
0x45: {  	_ =	shalt  }
0x46: {  	_ =	shalt  }
0x47: {  	_ =	shalt  }
0x48: {  	_ =	shalt  }
0x49: {  	_ =	shalt  }
0x4a: {  	_ =	shalt  }
0x4b: {  	_ =	shalt  }
0x4c: {  	_ =	shalt  }
0x4d: {  	_ =	shalt  }
0x4e: {  	_ =	shalt  }
0x4f: {  	_ =	shalt  }
0x50: {  	_ =	shalt  }
0x51: {  	_ =	shalt  }
0x52: {  	_ =	shalt  }
0x53: {  	_ =	shalt  }
0x54: {  	_ =	shalt  }
0x55: {  	_ =	shalt  }
0x56: {  	_ =	shalt  }
0x57: {  	_ =	shalt  }
0x58: {  	_ =	shalt  }
0x59: {  	_ =	shalt  }
0x5a: {  	_ =	shalt  }
0x5b: {  	_ =	shalt  }
0x5c: {  	_ =	shalt  }
0x5d: {  	_ =	shalt  }
0x5e: {  	_ =	shalt  }
0x5f: {  	_ =	shalt  }
0x60: {  	_ =	shalt  }
0x61: {  	_ =	shalt  }
0x62: {  	_ =	shalt  }
0x63: {  	_ =	shalt  }
0x64: {  	_ =	shalt  }
0x65: {  	_ =	shalt  }
0x66: {  	_ =	shalt  }
0x67: {  	_ =	shalt  }
0x68: {  	_ =	shalt  }
0x69: {  	_ =	shalt  }
0x6a: {  	_ =	shalt  }
0x6b: {  	_ =	shalt  }
0x6c: {  	_ =	shalt  }
0x6d: {  	_ =	shalt  }
0x6e: {  	_ =	shalt  }
0x6f: {  	_ =	shalt  }
0x70: {  	_ =	shalt  }
0x71: {  	_ =	shalt  }
0x72: {  	_ =	shalt  }
0x73: {  	_ =	shalt  }
0x74: {  	_ =	shalt  }
0x75: {  	_ =	shalt  }
0x76: {  	_ =	shalt  }
0x77: {  	_ =	shalt  }
0x78: {  	_ =	shalt  }
0x79: {  	_ =	shalt  }
0x7a: {  	_ =	shalt  }
0x7b: {  	_ =	shalt  }
0x7c: {  	_ =	shalt  }
0x7d: {  	_ =	shalt  }
0x7e: {  	_ =	shalt  }
0x7f: {  	_ =	shalt  }
0x80: {  	_ =	shalt  }
0x81: {  	_ =	shalt  }
0x82: {  	_ =	shalt  }
0x83: {  	_ =	shalt  }
0x84: {  	_ =	shalt  }
0x85: {  	_ =	shalt  }
0x86: {  	_ =	shalt  }
0x87: {  	_ =	shalt  }
.Lfunc_end0:
.L_simem_size_0:
called_computation.1_lowered:
.L_overlay_start_0:
0x88: {  	s2 =	sld [smem:$0x3FD9]  }
0x89: {  	s3 =	sld [smem:$0x3FFE];
	_ =	sdelay $0x1  }
0x8a: {  	s1 =	srdreg.scid  }
0x8b: {  	s0 =	sand.u32 $0x1, s1  }
0x8c: {  	s16 =	sshll.u32 s0, $0xA;
	s2 =	sadd.s32 s3, s2  }
0x8d: {  	s2 =	sadd.s32 s2, s16  }
0x8e: {  	[smem:$0x3FB7] =	sst s2  }
0x8f: {  	_ = 	snop  }
0x90: {  	(tm) =	ssettm $0x1  }
0x91: {  	s17 =	sld [smem:$0x3FFB];
	_ =	sdelay $0x3  }
0x92: {  	_ =	strace s17  }
0x93: {  	s2 =	sld [smem:$0x3FFC];
	_ =	sdelay $0x3  }
0x94: {  	_ =	strace s2  }
0x95: {  	s2 =	sld [smem:$0x3FFD];
	_ =	sdelay $0x3  }
0x96: {  	_ =	strace s2  }
0x97: {  	_ =	strace $0x8FFFFFFF  }
0x98: {  	s18 =	sld [smem:$0x3FDB];
	_ =	sdelay $0x1  }
0x99: {  	s19 =	simm.s32 $_scs_section_size  }
0x9a: {  	s4 =	simm.s32 $_size__tile_overlayer_lowered;
	s5 =	simm.s32 $_tile_overlayer_lowered  }
0x9b: {  	s22 =	simm.s32 $0x1BFF;
	s21 =	sshll.u32 s5, $0x1;
	s2 =	sadd.s32 s19, s18  }
0x9c: {  	s6 =	simm.s32 $0x0;
	s20 =	sshll.u32 s4, $0x1;
	s4 =	sadd.s32 s21, s2  }
0x9d: {  	[timem:s6], [sflag:s22] =	dma.local [hbm:s4], s20  }
0x9e: {  	_ =	swait.ge [sflag:s22], s20  }
0x9f: {  	s3 =	ssub.s32 $0x0, s20;
	[sflag:s22] =	ssyncset.done $0x0  }
0xa0: {  	[sflag:s22] =	ssyncadd.s32 s3;
	_ =	sdelay $0x1  }
0xa1: {  	s23 =	simm.s32 $0x1B8B  }
0xa2: {  	_ =	swait.ge [sflag:s23], $0x1  }
0xa3: {  	[sflag:s23] =	ssyncset.done $0x0  }
0xa4: {  	s25 =	simm.s32 $0x1B8E;
	s24 =	sld [smem:$0x3FFE];
	[sflag:s23] =	ssyncadd.s32 $0xFFFFFFFF  }
0xa5: {  	s26 =	simm.s32 $execute0_lowered;
	[smem:$0x3FD2] =	sst s25  }
0xa6: {  	s4 =	sshll.u32 s26, $0x1;
	_ =	strace $0x80000049;
	[dreg:$0x1] =	wrdreg $0xFFFFFFFF  }
0xa7: {  	s28 =	simm.s32 $_size_execute0_lowered;
	s2 =	sadd.s32 s2, s4;
	[dreg:$0x0] =	wrdreg $0x0  }
0xa8: {  	s4 =	sshll.u32 s28, $0x1;
	[dreg:$0x2] =	wrdreg s2  }
0xa9: {  	[dreg:$0x3] =	wrdreg s4  }
0xaa: {  	[dreg:$0x4] =	wrdreg $0xC0  }
0xab: {  	_ =	task [dreg:s6], $0x5FFFF  }
0xac: {  	[dreg:$0x1] =	wrdreg $0xFFFFFFFF  }
0xad: {  	[dreg:$0x0] =	wrdreg $0x60  }
0xae: {  	[dreg:$0x2] =	wrdreg s24  }
0xaf: {  	[dreg:$0x3] =	wrdreg $0x100400  }
0xb0: {  	[dreg:$0x4] =	wrdreg $0x9  }
0xb1: {  	_ =	task.clear_ibuf [dreg:s6], $0x5FFFF;
	_ =	strace $0x90000049  }
0xb2: {  	s29 =	simm.s32 $0x9;
	_ =	strace $0x8000004B  }
0xb3: {  	_ =	swait.ge [sflag:s29], $0x1  }
0xb4: {  	[sflag:s29] =	ssyncadd.s32 $0xFFFFFFFF  }
0xb5: {  	_ =	strace $0x9000004B  }
0xb6: {  	_ =	sfence  }
0xb7: {  	s30 =	sld [smem:$0x0];
	_ =	sdelay $0x2  }
0xb8: {  	s31 =	sshll.u32 s1, $0xD;
	s1 =	sshrl.u32 s1, $0x2  }
0xb9: {  	s3 =	sand.u32 $0x4000, s31;
	s1 =	sadd.s32 s1, s30  }
0xba: {  	s0 =	sor.u32 s3, s0;
	s1 =	sshll.u32 s1, $0x11  }
0xbb: {  	s0 =	sor.u32 s1, s0  }
0xbc: {  	s0 =	sadd.s32 $0x8F2B, s0  }
0xbd: {  	[sflag:s0] =	ssyncadd.remote.s32 $0x1  }
0xbe: {  	_ =	sfence.sel $0xFFFF  }
0xbf: {  	[dreg:$0x0] =	wrdreg $0xFFFFFFFF;
	(pc) =	sbr.abs _section_cstart, $3  }
0xc0: {  	[dreg:$0x1] =	wrdreg $0xFFFFFFFF  }
0xc1: {  	_ =	task.clear_ibuf [dreg:s6], $0x2FFFF;
	_ =	strace $0x9FFFFFFF  }
0xc2: {  	(tm) =	ssettm $0x7FFFFFFF  }
0xc3: {  	_ =	shalt  }
tec
execute0_lowered:
.L_overlay_start_1:
0x0: {  	(tag) =	ssettag $0x1  }
0x1: {  	s6 =	rddreg [dreg:$0x0]  }
0x2: {  	s2 =	rddreg [dreg:$0x1]  }
0x3: {  	s0 =	rddreg [dreg:$0x2];
	s1 =	stileid.u32  }
0x4: {  	s4 =	srdreg.scid;
	s3 =	simm.s32 $0x0;
	s13 =	simm.s32 $0x17800  }
0x5: {  	s14 =	simm.s32 $0xC8;
	s15 =	simm.s32 $0x9C40;
	s16 =	simm.s32 $0xCE40  }
0x6: {  	s17 =	simm.s32 $0x1;
	s18 =	simm.s32 $0x2;
	s19 =	simm.s32 $0x4D58  }
0x7: {  	s20 =	simm.s32 $0x9AB0;
	s21 =	simm.s32 $0x9B78;
	s5 =	smul.u32 $0x9C4, s1  }
0x8: {  	s22 =	simm.s32 $0x0;
	s7 =	sand.u32 $0x1, s4;
	s8 =	smul.u32 $0xA000, s1  }
0x9: {  	[smem:$0x7FF] =	sst s3;
	s4 =	sadd.s32 $0x22A00, s6;
	s31 =	sshll.u32 s1, $0x6  }
0xa: {  	s9 =	smul.u32 $0xA0000, s7;
	_ =	strace $0x8000004A;
	s11 =	ssub.s32 $0x2, s7  }
0xb: {  	p0 =	seq.s32 s7, $0x1;
	s10 =	sadd.s32 s5, s6;
	s5 =	sadd.s32 $0x21600, s6  }
0xc: {  	s12 =	sshrl.u32 s11, $0x1;
	s30 =	sadd.s32 s8, s2;
	s13 =	simm.s32 @!p0 $0xDA00  }
0xd: {  	s9 =	sadd.s32 s8, s9;
	s11 =	ssub.s32 s11, s12;
	s7 =	sadd.s32 $0x3C00, s10  }
0xe: {  	s10 =	sadd.s32 s13, s10;
	s12 =	simm.s32 $0x3;
	s9 =	sshrl.u32 s9, $0x3  }
0xf: {  	s13 =	simm.s32 $0x4E20;
	s9 =	sadd.s32 s9, s6;
	s6 =	sor.u32 $0x1C03, s31  }
0x10: {  	s8 =	sadd.s32 $0x49C00, s9;
	s9 =	smax.u32 s11, $0x1;
	s11 =	sshrl.u32 s30, $0x3  }
.LBB2_1:
0x11: {  	[spmem:s11], [sflag:s6] =	dma.local [hbm:s5], $0x1400  }
0x12: {  	_ =	swait.ge [sflag:s12], $0x1400  }
0x13: {  	[sflag:s12] =	ssyncset.done $0x0  }
0x14: {  	[sflag:s12] =	ssyncadd.s32 $0xFFFFEC00  }
0x15: {  	[tilespmem:s3], [sflag:$0x3] =	stream.linear.gather [hbm4b:s10+s3], $0x4E20, $0x38;
	[tilespmem:$0x1A040] =	vst v63  }
0x16: {  	_ =	swait.ge [sflag:s12], $0x4E20  }
0x17: {  	[sflag:s12] =	ssyncset.done $0x0  }
0x18: {  	[sflag:s12] =	ssyncadd.s32 $0xFFFFB1E0  }
0x19: {  	[tilespmem:s13], [sflag:$0x3] =	stream.linear.gather [hbm4b:s7+s3], $0x4E20, $0x38;
	[tilespmem:$0x1A040] =	vst v63  }
0x1a: {  	_ =	swait.ge [sflag:s12], $0x4E20  }
0x1b: {  	[sflag:s12] =	ssyncset.done $0x0  }
0x1c: {  	[sflag:s12] =	ssyncadd.s32 $0xFFFFB1E0  }
0x1d: {  	[bflag:$0x0] =	sbarrier.arrive $0xFFFF  }
0x1e: {  	[tilespmem:s15], [sflag:$0x1] =	stream.indirect.gather [hbm4b:s4+s14], $0x40, s3, s14, $0xb8;
	[tilespmem:$0x1A040] =	vst v63  }
0x1f: {  	s23 =	simm.s32 $0xC8  }
0x20: {  	[tilespmem:s16], [sflag:$0x2] =	stream.indirect.gather [hbm4b:s4+s14], $0x40, s23, s14, $0xb8;
	[tilespmem:$0x1A040] =	vst v63  }
0x21: {  	_ =	swait.ge [sflag:s17], $0x3200  }
0x22: {  	[sflag:s17] =	ssyncset.done $0x0  }
0x23: {  	s29 =	simm.s32 $0x4E20;
	[sflag:s17] =	ssyncadd.s32 $0xFFFFCE00  }
0x24: {  	[spmem:s2] =	stream.indirect.scatter.add.f32 [tilespmem:s15], [sflag:$0x3], $0x40, s29, s14, $0xb8;
	[tilespmem:$0x1A040] =	vst v63  }
0x25: {  	_ =	swait.ge [sflag:s12], $0x3200  }
0x26: {  	[sflag:s12] =	ssyncset.done $0x0  }
0x27: {  	s30 =	simm.s32 $0x190;
	[sflag:s12] =	ssyncadd.s32 $0xFFFFCE00  }
0x28: {  	[tilespmem:s15], [sflag:$0x1] =	stream.indirect.gather [hbm4b:s4+s14], $0x40, s30, s14, $0xb8;
	[tilespmem:$0x1A040] =	vst v63  }
0x29: {  	_ =	swait.ge [sflag:s18], $0x3200  }
0x2a: {  	[sflag:s18] =	ssyncset.done $0x0  }
0x2b: {  	s31 =	simm.s32 $0x4EE8;
	[sflag:s18] =	ssyncadd.s32 $0xFFFFCE00  }
0x2c: {  	[spmem:s2] =	stream.indirect.scatter.add.f32 [tilespmem:s16], [sflag:$0x3], $0x40, s31, s14, $0xb8;
	[tilespmem:$0x1A040] =	vst v63  }
0x2d: {  	_ =	swait.ge [sflag:s12], $0x3200  }
0x2e: {  	s24 =	simm.s32 $0xC80;
	s23 =	simm.s32 $0x190;
	[sflag:s12] =	ssyncset.done $0x0  }
.LBB2_2:
0x2f: {  	s25 =	sadd.s32 $0xC8, s23  }
0x30: {  	[sflag:s12] =	ssyncadd.s32 $0xFFFFCE00;
	s26 =	smov.u32 s24;
	s28 =	sadd.s32 $0x640, s24  }
0x31: {  	[tilespmem:s16], [sflag:$0x2] =	stream.indirect.gather [hbm4b:s4+s14], $0x40, s25, s14, $0xb8;
	[tilespmem:$0x1A040] =	vst v63  }
0x32: {  	p0 =	sne.s32 s24, $0x12C00;
	_ =	swait.ge [sflag:s17], $0x3200  }
0x33: {  	[sflag:s17] =	ssyncset.done $0x0  }
0x34: {  	s24 =	sadd.s32 $0x4E20, s23;
	[sflag:s17] =	ssyncadd.s32 $0xFFFFCE00  }
0x35: {  	[spmem:s2] =	stream.indirect.scatter.add.f32 [tilespmem:s15], [sflag:$0x3], $0x40, s24, s14, $0xb8;
	[tilespmem:$0x1A040] =	vst v63  }
0x36: {  	_ =	swait.ge [sflag:s12], $0x3200  }
0x37: {  	[sflag:s12] =	ssyncset.done $0x0  }
0x38: {  	s24 =	sadd.s32 $0x190, s23;
	[sflag:s12] =	ssyncadd.s32 $0xFFFFCE00  }
0x39: {  	[tilespmem:s15], [sflag:$0x1] =	stream.indirect.gather [hbm4b:s4+s14], $0x40, s24, s14, $0xb8;
	[tilespmem:$0x1A040] =	vst v63  }
0x3a: {  	_ =	swait.ge [sflag:s18], $0x3200  }
.Ltmp0:
0x3b: {  	[sflag:s18] =	ssyncset.done $0x0;
	(pc) =	sbr.rel @p0 .LBB2_2-.Ltmp0, $4  }
0x3c: {  	s23 =	sadd.s32 $0x4EE8, s23;
	[sflag:s18] =	ssyncadd.s32 $0xFFFFCE00  }
0x3d: {  	[spmem:s2] =	stream.indirect.scatter.add.f32 [tilespmem:s16], [sflag:$0x3], $0x40, s23, s14, $0xb8;
	[tilespmem:$0x1A040] =	vst v63  }
0x3e: {  	_ =	swait.ge [sflag:s12], $0x3200  }
0x3f: {  	s24 =	smov.u32 s28;
	s23 =	sshra.s32 s26, $0x2;
	[sflag:s12] =	ssyncset.done $0x0  }
0x40: {  	s24 =	sadd.s32 $0xC8, s23;
	[sflag:s12] =	ssyncadd.s32 $0xFFFFCE00  }
0x41: {  	[tilespmem:s16], [sflag:$0x2] =	stream.indirect.gather [hbm4b:s4+s14], $0x40, s24, s14, $0xb8;
	[tilespmem:$0x1A040] =	vst v63  }
0x42: {  	_ =	swait.ge [sflag:s17], $0x3200  }
0x43: {  	[sflag:s17] =	ssyncset.done $0x0  }
0x44: {  	s29 =	sadd.s32 $0x4E20, s23;
	[sflag:s17] =	ssyncadd.s32 $0xFFFFCE00  }
0x45: {  	[spmem:s2] =	stream.indirect.scatter.add.f32 [tilespmem:s15], [sflag:$0x3], $0x40, s29, s14, $0xb8;
	[tilespmem:$0x1A040] =	vst v63  }
0x46: {  	_ =	swait.ge [sflag:s12], $0x3200  }
0x47: {  	[sflag:s12] =	ssyncset.done $0x0  }
0x48: {  	s30 =	sadd.s32 $0x190, s23;
	[sflag:s12] =	ssyncadd.s32 $0xFFFFCE00  }
0x49: {  	[tilespmem:s15], [sflag:$0x1] =	stream.indirect.gather [hbm4b:s4+s14], $0x40, s30, s14, $0xb8;
	[tilespmem:$0x1A040] =	vst v63  }
0x4a: {  	_ =	swait.ge [sflag:s18], $0x3200  }
0x4b: {  	[sflag:s18] =	ssyncset.done $0x0  }
0x4c: {  	s31 =	sadd.s32 $0x4EE8, s23;
	[sflag:s18] =	ssyncadd.s32 $0xFFFFCE00  }
0x4d: {  	[spmem:s2] =	stream.indirect.scatter.add.f32 [tilespmem:s16], [sflag:$0x3], $0x40, s31, s14, $0xb8;
	[tilespmem:$0x1A040] =	vst v63  }
0x4e: {  	_ =	swait.ge [sflag:s12], $0x3200  }
0x4f: {  	[sflag:s12] =	ssyncset.done $0x0  }
0x50: {  	[sflag:s12] =	ssyncadd.s32 $0xFFFFCE00  }
0x51: {  	[tilespmem:s16], [sflag:$0x2] =	stream.indirect.gather [hbm4b:s4+s14], $0x40, s19, s14, $0xb8;
	[tilespmem:$0x1A040] =	vst v63  }
0x52: {  	_ =	swait.ge [sflag:s17], $0x3200  }
0x53: {  	[sflag:s17] =	ssyncset.done $0x0  }
0x54: {  	[sflag:s17] =	ssyncadd.s32 $0xFFFFCE00  }
0x55: {  	[spmem:s2] =	stream.indirect.scatter.add.f32 [tilespmem:s15], [sflag:$0x3], $0x40, s20, s14, $0xb8;
	[tilespmem:$0x1A040] =	vst v63  }
0x56: {  	_ =	swait.ge [sflag:s12], $0x3200  }
0x57: {  	[sflag:s12] =	ssyncset.done $0x0  }
0x58: {  	[sflag:s12] =	ssyncadd.s32 $0xFFFFCE00  }
0x59: {  	_ =	swait.ge [sflag:s18], $0x3200  }
0x5a: {  	[sflag:s18] =	ssyncset.done $0x0  }
0x5b: {  	[sflag:s18] =	ssyncadd.s32 $0xFFFFCE00  }
0x5c: {  	[spmem:s2] =	stream.indirect.scatter.add.f32 [tilespmem:s16], [sflag:$0x3], $0x40, s21, s14, $0xb8;
	[tilespmem:$0x1A040] =	vst v63  }
0x5d: {  	_ =	swait.ge [sflag:s12], $0x3200  }
0x5e: {  	s22 =	sadd.s32 $0x1, s22;
	[sflag:s12] =	ssyncset.done $0x0  }
0x5f: {  	p0 =	sne.s32 s22, s9;
	[sflag:s12] =	ssyncadd.s32 $0xFFFFCE00  }
.Ltmp1:
0x60: {  	[bflag:$0x0] =	sbarrier.arrive $0xFFFF;
	(pc) =	sbr.rel @p0 .LBB2_1-.Ltmp1, $4  }
0x61: {  	[hbm:s8], [sflag:s6] =	dma.local [spmem:s11], $0x1400  }
0x62: {  	_ =	swait.ge [sflag:s12], $0x1400  }
0x63: {  	[sflag:s12] =	ssyncset.done $0x0  }
0x64: {  	[sflag:s12] =	ssyncadd.s32 $0xFFFFEC00  }
0x65: {  	_ =	sfence.sel $0x180000  }
0x66: {  	[bflag:$0x0] =	sbarrier.arrive $0xFFFF  }
0x67: {  	p0 =	sne.s32 s1, $0x0;
	_ =	strace $0x9000004A  }
0x68: {  	s0 =	sadd.s32 @!p0 $0x100000, s0;
	[bflag:$0x2] =	sbarrier.arrive $0xFFFF  }
0x69: {  	[sflag:s0] =	ssyncadd.tile.s32 @!p0 $0x1;
	_ =	shalt  }
.Lfunc_end2:
_tile_overlayer_lowered:
.L_overlay_start_2:
0x6a: {  	(tag) =	ssettag $0x2  }
0x6b: {  	s0 =	rddreg [dreg:$0x0];
	s2 =	stileid.u32  }
0x6c: {  	s1 =	rddreg [dreg:$0x1];
	p0 =	sne.s32 s2, $0x0  }
0x6d: {  	s3 =	rddreg [dreg:$0x2];
	[bflag:$0x3] =	sbarrier.arrive $0xFFFF;
	s2 =	simm.s32 @!p0 $0x1C03  }
0x6e: {  	[timem:s3], [sflag:s2] =	dma.local @!p0 [hbm:s0], s1  }
0x6f: {  	s0 =	simm.s32 @!p0 $0x3  }
0x70: {  	_ =	swait.ge @!p0 [sflag:s0], s1  }
0x71: {  	s1 =	ssub.s32 @!p0 $0x0, s1;
	[sflag:s0] =	ssyncset.done @!p0 $0x0  }
0x72: {  	[sflag:s0] =	ssyncadd.s32 @!p0 s1  }
0x73: {  	[bflag:$0x3] =	sbarrier.arrive $0xFFFF  }
0x74: {  	_ =	shalt  }

// kernel: kernel.17.cloned.1.call-start
scs
__scs_entry_jumppad:
0x0: {  	(pc) =	sbr.rel $0x88, $3  }
0x1: {  	(tag) =	ssettag $0x0;
	lr =	simm.s32 $0x1  }
0x2: {  	[smem:$0x3F90] =	sst lr;
	_ =	strace $0xD0000000  }
0x3: {  	_ = 	snop  }
0x4: {  	_ = 	snop  }
0x5: {  	_ = 	snop  }
0x6: {  	_ = 	snop  }
0x7: {  	_ = 	snop  }
__scs_overlays_trampoline_lowered:
0x8: {  	[smem:$0x3F9F] =	sst s0  }
0x9: {  	[smem:$0x3FA0] =	sst s1  }
0xa: {  	[smem:$0x3FA1] =	sst s2  }
0xb: {  	[smem:$0x3FA2] =	sst s3  }
0xc: {  	[smem:$0x3FA3] =	sst s4  }
0xd: {  	[smem:$0x3FA4] =	sst s5  }
0xe: {  	[smem:$0x3FA5] =	sst s6  }
0xf: {  	[smem:$0x3FA6] =	sst s7  }
0x10: {  	[smem:$0x3FA7] =	sst s8  }
0x11: {  	[smem:$0x3FA8] =	sst s9;
	s0 =	simm.s32 @!p0 $0x0  }
0x12: {  	s1 =	sld [smem:$0x3F8E];
	s0 =	simm.s32 @p0 $0x1  }
0x13: {  	[smem:$0x3FA9] =	sst s0;
	s0 =	simm.s32 @!p1 $0x0  }
0x14: {  	s2 =	sld [smem:$0x3F8D];
	s0 =	simm.s32 @p1 $0x1  }
0x15: {  	[smem:$0x3FAA] =	sst s0;
	s0 =	simm.s32 @!p2 $0x0  }
0x16: {  	s3 =	sld [smem:$0x3FDB];
	s0 =	simm.s32 @p2 $0x1  }
0x17: {  	s4 =	simm.s32 $0x1BF5;
	[smem:$0x3FAC] =	sst s0  }
0x18: {  	s0 =	sld [smem:$0x3F8F];
	_ =	swait.ge [sflag:s4], $0x0  }
0x19: {  	s7 =	sld [smem:$0x3F90]  }
0x1a: {  	s8 =	sadd.s32 $0xFFFFE003, lr  }
0x1b: {  	s9 =	sadd.s32 $0xFFFFFEF7, lr;
	s5 =	simm.s32 $0xFFFFFFFF;
	p2 =	slt.u32 s8, $0xFFFFF086  }
0x1c: {  	p1 =	slt.u32 s9, $0xF7A;
	s5 =	simm.s32 @!p2 $0x0  }
0x1d: {  	s5 =	simm.s32 @p1 $0x1;
	p0 =	seq.s32 s7, s2  }
0x1e: {  	s7 =	smul.u32 @!p0 $0xF7A, s2;
	p2 =	seq.s32 @!p0 s5, $0x0  }
0x1f: {  	s9 =	smul.u32 $0xF7A, s1;
	s8 =	simm.s32 @!p0 $0x1BF5;
	p2 =	por !p2, p0  }
0x20: {  	[sflag:s8] =	ssyncset.s32 @!p0 $0xFFFFF086;
	s6 =	sadd.s32 @!p0 s3, s7;
	s7 =	simm.s32 @!p0 $0x108  }
0x21: {  	s3 =	sadd.s32 s3, s9;
	s6 =	sadd.s32 @!p0 $0x88, s6;
	s7 =	simm.s32 @p2 $0x1082  }
0x22: {  	[simem:s7], [sflag:s8] =	dma.local @!p0 [hbm:s6], $0xF7A  }
0x23: {  	s9 =	sor.u32 $0xD0000000, s2;
	s6 =	simm.s32 $0x108;
	_ =	swait.ge @!p0 [sflag:s8], $0x0  }
0x24: {  	s3 =	sadd.s32 $0x88, s3;
	s6 =	simm.s32 @!p1 $0x1082;
	[sflag:s4] =	ssyncset.s32 $0xFFFFF086  }
0x25: {  	[simem:s6], [sflag:s4] =	dma.local [hbm:s3], $0xF7A  }
0x26: {  	[smem:$0x3F90] =	sst s1;
	(tag) =	ssettag s2;
	_ =	strace s9  }
0x27: {  	s1 =	sld [smem:$0x3FA0]  }
0x28: {  	s2 =	sld [smem:$0x3FA1]  }
0x29: {  	s4 =	sld [smem:$0x3FA3]  }
0x2a: {  	p0 =	seq.s32 s5, $0x0;
	s5 =	sld [smem:$0x3FA4]  }
0x2b: {  	s6 =	sld [smem:$0x3FA5]  }
0x2c: {  	s7 =	sld [smem:$0x3FA6]  }
0x2d: {  	s3 =	simm.s32 $0x108;
	s8 =	sld [smem:$0x3FA7]  }
0x2e: {  	s3 =	simm.s32 @!p0 $0x1082;
	s9 =	sld [smem:$0x3FA8]  }
0x2f: {  	lr =	sadd.s32 s0, s3;
	s0 =	sld [smem:$0x3F9F]  }
0x30: {  	s3 =	sld [smem:$0x3FA2]  }
0x31: {  	[smem:$0x3FAB] =	sst s10  }
0x32: {  	s10 =	sld [smem:$0x3FA9];
	_ =	sdelay $0x3  }
0x33: {  	p0 =	seq.s32 s10, $0x1;
	s10 =	sld [smem:$0x3FAB];
	_ =	sdelay $0x3  }
0x34: {  	[smem:$0x3FAB] =	sst s10  }
0x35: {  	s10 =	sld [smem:$0x3FAA];
	_ =	sdelay $0x3  }
0x36: {  	p1 =	seq.s32 s10, $0x1;
	s10 =	sld [smem:$0x3FAB];
	_ =	sdelay $0x3  }
0x37: {  	[smem:$0x3FAB] =	sst s10  }
0x38: {  	s10 =	sld [smem:$0x3FAC]  }
0x39: {  	_ = 	snop;
	(pc) =	sbr.ind lr, $3  }
0x3a: {  	_ = 	snop  }
0x3b: {  	_ = 	snop  }
0x3c: {  	p2 =	seq.s32 s10, $0x1;
	s10 =	sld [smem:$0x3FAB]  }
0x3d: {  	_ =	shalt  }
0x3e: {  	_ =	shalt  }
0x3f: {  	_ =	shalt  }
0x40: {  	_ =	shalt  }
0x41: {  	_ =	shalt  }
0x42: {  	_ =	shalt  }
0x43: {  	_ =	shalt  }
0x44: {  	_ =	shalt  }
0x45: {  	_ =	shalt  }
0x46: {  	_ =	shalt  }
0x47: {  	_ =	shalt  }
0x48: {  	_ =	shalt  }
0x49: {  	_ =	shalt  }
0x4a: {  	_ =	shalt  }
0x4b: {  	_ =	shalt  }
0x4c: {  	_ =	shalt  }
0x4d: {  	_ =	shalt  }
0x4e: {  	_ =	shalt  }
0x4f: {  	_ =	shalt  }
0x50: {  	_ =	shalt  }
0x51: {  	_ =	shalt  }
0x52: {  	_ =	shalt  }
0x53: {  	_ =	shalt  }
0x54: {  	_ =	shalt  }
0x55: {  	_ =	shalt  }
0x56: {  	_ =	shalt  }
0x57: {  	_ =	shalt  }
0x58: {  	_ =	shalt  }
0x59: {  	_ =	shalt  }
0x5a: {  	_ =	shalt  }
0x5b: {  	_ =	shalt  }
0x5c: {  	_ =	shalt  }
0x5d: {  	_ =	shalt  }
0x5e: {  	_ =	shalt  }
0x5f: {  	_ =	shalt  }
0x60: {  	_ =	shalt  }
0x61: {  	_ =	shalt  }
0x62: {  	_ =	shalt  }
0x63: {  	_ =	shalt  }
0x64: {  	_ =	shalt  }
0x65: {  	_ =	shalt  }
0x66: {  	_ =	shalt  }
0x67: {  	_ =	shalt  }
0x68: {  	_ =	shalt  }
0x69: {  	_ =	shalt  }
0x6a: {  	_ =	shalt  }
0x6b: {  	_ =	shalt  }
0x6c: {  	_ =	shalt  }
0x6d: {  	_ =	shalt  }
0x6e: {  	_ =	shalt  }
0x6f: {  	_ =	shalt  }
0x70: {  	_ =	shalt  }
0x71: {  	_ =	shalt  }
0x72: {  	_ =	shalt  }
0x73: {  	_ =	shalt  }
0x74: {  	_ =	shalt  }
0x75: {  	_ =	shalt  }
0x76: {  	_ =	shalt  }
0x77: {  	_ =	shalt  }
0x78: {  	_ =	shalt  }
0x79: {  	_ =	shalt  }
0x7a: {  	_ =	shalt  }
0x7b: {  	_ =	shalt  }
0x7c: {  	_ =	shalt  }
0x7d: {  	_ =	shalt  }
0x7e: {  	_ =	shalt  }
0x7f: {  	_ =	shalt  }
0x80: {  	_ =	shalt  }
0x81: {  	_ =	shalt  }
0x82: {  	_ =	shalt  }
0x83: {  	_ =	shalt  }
0x84: {  	_ =	shalt  }
0x85: {  	_ =	shalt  }
0x86: {  	_ =	shalt  }
0x87: {  	_ =	shalt  }
.Lfunc_end0:
.L_simem_size_0:
called_computation.2_lowered:
.L_overlay_start_0:
0x88: {  	s2 =	sld [smem:$0x3FD9]  }
0x89: {  	s3 =	sld [smem:$0x3FFE];
	_ =	sdelay $0x1  }
0x8a: {  	s1 =	srdreg.scid  }
0x8b: {  	s0 =	sand.u32 $0x1, s1  }
0x8c: {  	s16 =	sshll.u32 s0, $0xA;
	s2 =	sadd.s32 s3, s2  }
0x8d: {  	s2 =	sadd.s32 s2, s16  }
0x8e: {  	[smem:$0x3FB7] =	sst s2  }
0x8f: {  	_ = 	snop  }
0x90: {  	(tm) =	ssettm $0x1  }
0x91: {  	s17 =	sld [smem:$0x3FFB];
	_ =	sdelay $0x3  }
0x92: {  	_ =	strace s17  }
0x93: {  	s2 =	sld [smem:$0x3FFC];
	_ =	sdelay $0x3  }
0x94: {  	_ =	strace s2  }
0x95: {  	s2 =	sld [smem:$0x3FFD];
	_ =	sdelay $0x3  }
0x96: {  	_ =	strace s2  }
0x97: {  	_ =	strace $0x8FFFFFFF  }
0x98: {  	s18 =	sld [smem:$0x3FDB];
	_ =	sdelay $0x1  }
0x99: {  	s19 =	simm.s32 $_scs_section_size  }
0x9a: {  	s4 =	simm.s32 $_size__tile_overlayer_lowered;
	s5 =	simm.s32 $_tile_overlayer_lowered  }
0x9b: {  	s22 =	simm.s32 $0x1BFF;
	s21 =	sshll.u32 s5, $0x1;
	s2 =	sadd.s32 s19, s18  }
0x9c: {  	s6 =	simm.s32 $0x0;
	s20 =	sshll.u32 s4, $0x1;
	s4 =	sadd.s32 s21, s2  }
0x9d: {  	[timem:s6], [sflag:s22] =	dma.local [hbm:s4], s20  }
0x9e: {  	_ =	swait.ge [sflag:s22], s20  }
0x9f: {  	s3 =	ssub.s32 $0x0, s20;
	[sflag:s22] =	ssyncset.done $0x0  }
0xa0: {  	[sflag:s22] =	ssyncadd.s32 s3;
	_ =	sdelay $0x1  }
0xa1: {  	s23 =	simm.s32 $0x1B8B  }
0xa2: {  	_ =	swait.ge [sflag:s23], $0x1  }
0xa3: {  	[sflag:s23] =	ssyncset.done $0x0  }
0xa4: {  	s25 =	simm.s32 $0x1B8E;
	s24 =	sld [smem:$0x3FFE];
	[sflag:s23] =	ssyncadd.s32 $0xFFFFFFFF  }
0xa5: {  	s26 =	simm.s32 $execute0_lowered;
	[smem:$0x3FD2] =	sst s25  }
0xa6: {  	s4 =	sshll.u32 s26, $0x1;
	_ =	strace $0x8000004C;
	[dreg:$0x1] =	wrdreg $0xFFFFFFFF  }
0xa7: {  	s28 =	simm.s32 $_size_execute0_lowered;
	s2 =	sadd.s32 s2, s4;
	[dreg:$0x0] =	wrdreg $0x0  }
0xa8: {  	s4 =	sshll.u32 s28, $0x1;
	[dreg:$0x2] =	wrdreg s2  }
0xa9: {  	[dreg:$0x3] =	wrdreg s4  }
0xaa: {  	[dreg:$0x4] =	wrdreg $0xC0  }
0xab: {  	_ =	task [dreg:s6], $0x5FFFF  }
0xac: {  	[dreg:$0x1] =	wrdreg $0xFFFFFFFF  }
0xad: {  	[dreg:$0x0] =	wrdreg $0x60  }
0xae: {  	[dreg:$0x2] =	wrdreg s24  }
0xaf: {  	[dreg:$0x3] =	wrdreg $0x100400  }
0xb0: {  	[dreg:$0x4] =	wrdreg $0x9  }
0xb1: {  	_ =	task.clear_ibuf [dreg:s6], $0x5FFFF;
	_ =	strace $0x9000004C  }
0xb2: {  	s29 =	simm.s32 $0x9;
	_ =	strace $0x8000004E  }
0xb3: {  	_ =	swait.ge [sflag:s29], $0x1  }
0xb4: {  	[sflag:s29] =	ssyncadd.s32 $0xFFFFFFFF  }
0xb5: {  	_ =	strace $0x9000004E  }
0xb6: {  	_ =	sfence  }
0xb7: {  	s30 =	sld [smem:$0x0];
	_ =	sdelay $0x2  }
0xb8: {  	s31 =	sshll.u32 s1, $0xD;
	s1 =	sshrl.u32 s1, $0x2  }
0xb9: {  	s3 =	sand.u32 $0x4000, s31;
	s1 =	sadd.s32 s1, s30  }
0xba: {  	s0 =	sor.u32 s3, s0;
	s1 =	sshll.u32 s1, $0x11  }
0xbb: {  	s0 =	sor.u32 s1, s0  }
0xbc: {  	s0 =	sadd.s32 $0x8F2B, s0  }
0xbd: {  	[sflag:s0] =	ssyncadd.remote.s32 $0x1  }
0xbe: {  	_ =	sfence.sel $0xFFFF  }
0xbf: {  	[dreg:$0x0] =	wrdreg $0xFFFFFFFF;
	(pc) =	sbr.abs _section_cstart, $3  }
0xc0: {  	[dreg:$0x1] =	wrdreg $0xFFFFFFFF  }
0xc1: {  	_ =	task.clear_ibuf [dreg:s6], $0x2FFFF;
	_ =	strace $0x9FFFFFFF  }
0xc2: {  	(tm) =	ssettm $0x7FFFFFFF  }
0xc3: {  	_ =	shalt  }
tec
execute0_lowered:
.L_overlay_start_1:
0x0: {  	(tag) =	ssettag $0x1  }
0x1: {  	s6 =	rddreg [dreg:$0x0]  }
0x2: {  	s2 =	rddreg [dreg:$0x1]  }
0x3: {  	s0 =	rddreg [dreg:$0x2];
	s1 =	stileid.u32  }
0x4: {  	s4 =	srdreg.scid;
	s3 =	simm.s32 $0x0;
	s13 =	simm.s32 $0x17800  }
0x5: {  	s14 =	simm.s32 $0xC8;
	s15 =	simm.s32 $0x9C40;
	s16 =	simm.s32 $0xCE40  }
0x6: {  	s17 =	simm.s32 $0x1;
	s18 =	simm.s32 $0x2;
	s19 =	simm.s32 $0x4D58  }
0x7: {  	s20 =	simm.s32 $0x9AB0;
	s21 =	simm.s32 $0x9B78;
	s5 =	smul.u32 $0x9C4, s1  }
0x8: {  	s22 =	simm.s32 $0x0;
	s7 =	sand.u32 $0x1, s4;
	s8 =	smul.u32 $0xA000, s1  }
0x9: {  	[smem:$0x7FF] =	sst s3;
	s4 =	sadd.s32 $0x22A00, s6;
	s31 =	sshll.u32 s1, $0x6  }
0xa: {  	s9 =	smul.u32 $0xA0000, s7;
	_ =	strace $0x8000004D;
	s11 =	ssub.s32 $0x2, s7  }
0xb: {  	p0 =	seq.s32 s7, $0x1;
	s10 =	sadd.s32 s5, s6;
	s5 =	sadd.s32 $0x21600, s6  }
0xc: {  	s12 =	sshrl.u32 s11, $0x1;
	s30 =	sadd.s32 s8, s2;
	s13 =	simm.s32 @!p0 $0xDA00  }
0xd: {  	s9 =	sadd.s32 s8, s9;
	s11 =	ssub.s32 s11, s12;
	s7 =	sadd.s32 $0x3C00, s10  }
0xe: {  	s10 =	sadd.s32 s13, s10;
	s12 =	simm.s32 $0x3;
	s9 =	sshrl.u32 s9, $0x3  }
0xf: {  	s13 =	simm.s32 $0x4E20;
	s9 =	sadd.s32 s9, s6;
	s6 =	sor.u32 $0x1C03, s31  }
0x10: {  	s8 =	sadd.s32 $0x49C00, s9;
	s9 =	smax.u32 s11, $0x1;
	s11 =	sshrl.u32 s30, $0x3  }
.LBB2_1:
0x11: {  	[spmem:s11], [sflag:s6] =	dma.local [hbm:s5], $0x1400  }
0x12: {  	_ =	swait.ge [sflag:s12], $0x1400  }
0x13: {  	[sflag:s12] =	ssyncset.done $0x0  }
0x14: {  	[sflag:s12] =	ssyncadd.s32 $0xFFFFEC00  }
0x15: {  	[tilespmem:s3], [sflag:$0x3] =	stream.linear.gather [hbm4b:s10+s3], $0x4E20, $0x38;
	[tilespmem:$0x1A040] =	vst v63  }
0x16: {  	_ =	swait.ge [sflag:s12], $0x4E20  }
0x17: {  	[sflag:s12] =	ssyncset.done $0x0  }
0x18: {  	[sflag:s12] =	ssyncadd.s32 $0xFFFFB1E0  }
0x19: {  	[tilespmem:s13], [sflag:$0x3] =	stream.linear.gather [hbm4b:s7+s3], $0x4E20, $0x38;
	[tilespmem:$0x1A040] =	vst v63  }
0x1a: {  	_ =	swait.ge [sflag:s12], $0x4E20  }
0x1b: {  	[sflag:s12] =	ssyncset.done $0x0  }
0x1c: {  	[sflag:s12] =	ssyncadd.s32 $0xFFFFB1E0  }
0x1d: {  	[bflag:$0x0] =	sbarrier.arrive $0xFFFF  }
0x1e: {  	[tilespmem:s15], [sflag:$0x1] =	stream.indirect.gather [hbm4b:s4+s14], $0x40, s3, s14, $0xb8;
	[tilespmem:$0x1A040] =	vst v63  }
0x1f: {  	s23 =	simm.s32 $0xC8  }
0x20: {  	[tilespmem:s16], [sflag:$0x2] =	stream.indirect.gather [hbm4b:s4+s14], $0x40, s23, s14, $0xb8;
	[tilespmem:$0x1A040] =	vst v63  }
0x21: {  	_ =	swait.ge [sflag:s17], $0x3200  }
0x22: {  	[sflag:s17] =	ssyncset.done $0x0  }
0x23: {  	s29 =	simm.s32 $0x4E20;
	[sflag:s17] =	ssyncadd.s32 $0xFFFFCE00  }
0x24: {  	[spmem:s2] =	stream.indirect.scatter.add.f32 [tilespmem:s15], [sflag:$0x3], $0x40, s29, s14, $0xb8;
	[tilespmem:$0x1A040] =	vst v63  }
0x25: {  	_ =	swait.ge [sflag:s12], $0x3200  }
0x26: {  	[sflag:s12] =	ssyncset.done $0x0  }
0x27: {  	s30 =	simm.s32 $0x190;
	[sflag:s12] =	ssyncadd.s32 $0xFFFFCE00  }
0x28: {  	[tilespmem:s15], [sflag:$0x1] =	stream.indirect.gather [hbm4b:s4+s14], $0x40, s30, s14, $0xb8;
	[tilespmem:$0x1A040] =	vst v63  }
0x29: {  	_ =	swait.ge [sflag:s18], $0x3200  }
0x2a: {  	[sflag:s18] =	ssyncset.done $0x0  }
0x2b: {  	s31 =	simm.s32 $0x4EE8;
	[sflag:s18] =	ssyncadd.s32 $0xFFFFCE00  }
0x2c: {  	[spmem:s2] =	stream.indirect.scatter.add.f32 [tilespmem:s16], [sflag:$0x3], $0x40, s31, s14, $0xb8;
	[tilespmem:$0x1A040] =	vst v63  }
0x2d: {  	_ =	swait.ge [sflag:s12], $0x3200  }
0x2e: {  	s24 =	simm.s32 $0xC80;
	s23 =	simm.s32 $0x190;
	[sflag:s12] =	ssyncset.done $0x0  }
.LBB2_2:
0x2f: {  	s25 =	sadd.s32 $0xC8, s23  }
0x30: {  	[sflag:s12] =	ssyncadd.s32 $0xFFFFCE00;
	s26 =	smov.u32 s24;
	s28 =	sadd.s32 $0x640, s24  }
0x31: {  	[tilespmem:s16], [sflag:$0x2] =	stream.indirect.gather [hbm4b:s4+s14], $0x40, s25, s14, $0xb8;
	[tilespmem:$0x1A040] =	vst v63  }
0x32: {  	p0 =	sne.s32 s24, $0x12C00;
	_ =	swait.ge [sflag:s17], $0x3200  }
0x33: {  	[sflag:s17] =	ssyncset.done $0x0  }
0x34: {  	s24 =	sadd.s32 $0x4E20, s23;
	[sflag:s17] =	ssyncadd.s32 $0xFFFFCE00  }
0x35: {  	[spmem:s2] =	stream.indirect.scatter.add.f32 [tilespmem:s15], [sflag:$0x3], $0x40, s24, s14, $0xb8;
	[tilespmem:$0x1A040] =	vst v63  }
0x36: {  	_ =	swait.ge [sflag:s12], $0x3200  }
0x37: {  	[sflag:s12] =	ssyncset.done $0x0  }
0x38: {  	s24 =	sadd.s32 $0x190, s23;
	[sflag:s12] =	ssyncadd.s32 $0xFFFFCE00  }
0x39: {  	[tilespmem:s15], [sflag:$0x1] =	stream.indirect.gather [hbm4b:s4+s14], $0x40, s24, s14, $0xb8;
	[tilespmem:$0x1A040] =	vst v63  }
0x3a: {  	_ =	swait.ge [sflag:s18], $0x3200  }
.Ltmp0:
0x3b: {  	[sflag:s18] =	ssyncset.done $0x0;
	(pc) =	sbr.rel @p0 .LBB2_2-.Ltmp0, $4  }
0x3c: {  	s23 =	sadd.s32 $0x4EE8, s23;
	[sflag:s18] =	ssyncadd.s32 $0xFFFFCE00  }
0x3d: {  	[spmem:s2] =	stream.indirect.scatter.add.f32 [tilespmem:s16], [sflag:$0x3], $0x40, s23, s14, $0xb8;
	[tilespmem:$0x1A040] =	vst v63  }
0x3e: {  	_ =	swait.ge [sflag:s12], $0x3200  }
0x3f: {  	s24 =	smov.u32 s28;
	s23 =	sshra.s32 s26, $0x2;
	[sflag:s12] =	ssyncset.done $0x0  }
0x40: {  	s24 =	sadd.s32 $0xC8, s23;
	[sflag:s12] =	ssyncadd.s32 $0xFFFFCE00  }
0x41: {  	[tilespmem:s16], [sflag:$0x2] =	stream.indirect.gather [hbm4b:s4+s14], $0x40, s24, s14, $0xb8;
	[tilespmem:$0x1A040] =	vst v63  }
0x42: {  	_ =	swait.ge [sflag:s17], $0x3200  }
0x43: {  	[sflag:s17] =	ssyncset.done $0x0  }
0x44: {  	s29 =	sadd.s32 $0x4E20, s23;
	[sflag:s17] =	ssyncadd.s32 $0xFFFFCE00  }
0x45: {  	[spmem:s2] =	stream.indirect.scatter.add.f32 [tilespmem:s15], [sflag:$0x3], $0x40, s29, s14, $0xb8;
	[tilespmem:$0x1A040] =	vst v63  }
0x46: {  	_ =	swait.ge [sflag:s12], $0x3200  }
0x47: {  	[sflag:s12] =	ssyncset.done $0x0  }
0x48: {  	s30 =	sadd.s32 $0x190, s23;
	[sflag:s12] =	ssyncadd.s32 $0xFFFFCE00  }
0x49: {  	[tilespmem:s15], [sflag:$0x1] =	stream.indirect.gather [hbm4b:s4+s14], $0x40, s30, s14, $0xb8;
	[tilespmem:$0x1A040] =	vst v63  }
0x4a: {  	_ =	swait.ge [sflag:s18], $0x3200  }
0x4b: {  	[sflag:s18] =	ssyncset.done $0x0  }
0x4c: {  	s31 =	sadd.s32 $0x4EE8, s23;
	[sflag:s18] =	ssyncadd.s32 $0xFFFFCE00  }
0x4d: {  	[spmem:s2] =	stream.indirect.scatter.add.f32 [tilespmem:s16], [sflag:$0x3], $0x40, s31, s14, $0xb8;
	[tilespmem:$0x1A040] =	vst v63  }
0x4e: {  	_ =	swait.ge [sflag:s12], $0x3200  }
0x4f: {  	[sflag:s12] =	ssyncset.done $0x0  }
0x50: {  	[sflag:s12] =	ssyncadd.s32 $0xFFFFCE00  }
0x51: {  	[tilespmem:s16], [sflag:$0x2] =	stream.indirect.gather [hbm4b:s4+s14], $0x40, s19, s14, $0xb8;
	[tilespmem:$0x1A040] =	vst v63  }
0x52: {  	_ =	swait.ge [sflag:s17], $0x3200  }
0x53: {  	[sflag:s17] =	ssyncset.done $0x0  }
0x54: {  	[sflag:s17] =	ssyncadd.s32 $0xFFFFCE00  }
0x55: {  	[spmem:s2] =	stream.indirect.scatter.add.f32 [tilespmem:s15], [sflag:$0x3], $0x40, s20, s14, $0xb8;
	[tilespmem:$0x1A040] =	vst v63  }
0x56: {  	_ =	swait.ge [sflag:s12], $0x3200  }
0x57: {  	[sflag:s12] =	ssyncset.done $0x0  }
0x58: {  	[sflag:s12] =	ssyncadd.s32 $0xFFFFCE00  }
0x59: {  	_ =	swait.ge [sflag:s18], $0x3200  }
0x5a: {  	[sflag:s18] =	ssyncset.done $0x0  }
0x5b: {  	[sflag:s18] =	ssyncadd.s32 $0xFFFFCE00  }
0x5c: {  	[spmem:s2] =	stream.indirect.scatter.add.f32 [tilespmem:s16], [sflag:$0x3], $0x40, s21, s14, $0xb8;
	[tilespmem:$0x1A040] =	vst v63  }
0x5d: {  	_ =	swait.ge [sflag:s12], $0x3200  }
0x5e: {  	s22 =	sadd.s32 $0x1, s22;
	[sflag:s12] =	ssyncset.done $0x0  }
0x5f: {  	p0 =	sne.s32 s22, s9;
	[sflag:s12] =	ssyncadd.s32 $0xFFFFCE00  }
.Ltmp1:
0x60: {  	[bflag:$0x0] =	sbarrier.arrive $0xFFFF;
	(pc) =	sbr.rel @p0 .LBB2_1-.Ltmp1, $4  }
0x61: {  	[hbm:s8], [sflag:s6] =	dma.local [spmem:s11], $0x1400  }
0x62: {  	_ =	swait.ge [sflag:s12], $0x1400  }
0x63: {  	[sflag:s12] =	ssyncset.done $0x0  }
0x64: {  	[sflag:s12] =	ssyncadd.s32 $0xFFFFEC00  }
0x65: {  	_ =	sfence.sel $0x180000  }
0x66: {  	[bflag:$0x0] =	sbarrier.arrive $0xFFFF  }
0x67: {  	p0 =	sne.s32 s1, $0x0;
	_ =	strace $0x9000004D  }
0x68: {  	s0 =	sadd.s32 @!p0 $0x100000, s0;
	[bflag:$0x2] =	sbarrier.arrive $0xFFFF  }
0x69: {  	[sflag:s0] =	ssyncadd.tile.s32 @!p0 $0x1;
	_ =	shalt  }
.Lfunc_end2:
_tile_overlayer_lowered:
.L_overlay_start_2:
0x6a: {  	(tag) =	ssettag $0x2  }
0x6b: {  	s0 =	rddreg [dreg:$0x0];
	s2 =	stileid.u32  }
0x6c: {  	s1 =	rddreg [dreg:$0x1];
	p0 =	sne.s32 s2, $0x0  }
0x6d: {  	s3 =	rddreg [dreg:$0x2];
	[bflag:$0x3] =	sbarrier.arrive $0xFFFF;
	s2 =	simm.s32 @!p0 $0x1C03  }
0x6e: {  	[timem:s3], [sflag:s2] =	dma.local @!p0 [hbm:s0], s1  }
0x6f: {  	s0 =	simm.s32 @!p0 $0x3  }
0x70: {  	_ =	swait.ge @!p0 [sflag:s0], s1  }
0x71: {  	s1 =	ssub.s32 @!p0 $0x0, s1;
	[sflag:s0] =	ssyncset.done @!p0 $0x0  }
0x72: {  	[sflag:s0] =	ssyncadd.s32 @!p0 s1  }
0x73: {  	[bflag:$0x3] =	sbarrier.arrive $0xFFFF  }
0x74: {  	_ =	shalt  }

// kernel: kernel.20.cloned.1.call-start
scs
__scs_entry_jumppad:
0x0: {  	(pc) =	sbr.rel $0x88, $3  }
0x1: {  	(tag) =	ssettag $0x0;
	lr =	simm.s32 $0x1  }
0x2: {  	[smem:$0x3F90] =	sst lr;
	_ =	strace $0xD0000000  }
0x3: {  	_ = 	snop  }
0x4: {  	_ = 	snop  }
0x5: {  	_ = 	snop  }
0x6: {  	_ = 	snop  }
0x7: {  	_ = 	snop  }
__scs_overlays_trampoline_lowered:
0x8: {  	[smem:$0x3F9F] =	sst s0  }
0x9: {  	[smem:$0x3FA0] =	sst s1  }
0xa: {  	[smem:$0x3FA1] =	sst s2  }
0xb: {  	[smem:$0x3FA2] =	sst s3  }
0xc: {  	[smem:$0x3FA3] =	sst s4  }
0xd: {  	[smem:$0x3FA4] =	sst s5  }
0xe: {  	[smem:$0x3FA5] =	sst s6  }
0xf: {  	[smem:$0x3FA6] =	sst s7  }
0x10: {  	[smem:$0x3FA7] =	sst s8  }
0x11: {  	[smem:$0x3FA8] =	sst s9;
	s0 =	simm.s32 @!p0 $0x0  }
0x12: {  	s1 =	sld [smem:$0x3F8E];
	s0 =	simm.s32 @p0 $0x1  }
0x13: {  	[smem:$0x3FA9] =	sst s0;
	s0 =	simm.s32 @!p1 $0x0  }
0x14: {  	s2 =	sld [smem:$0x3F8D];
	s0 =	simm.s32 @p1 $0x1  }
0x15: {  	[smem:$0x3FAA] =	sst s0;
	s0 =	simm.s32 @!p2 $0x0  }
0x16: {  	s3 =	sld [smem:$0x3FDB];
	s0 =	simm.s32 @p2 $0x1  }
0x17: {  	s4 =	simm.s32 $0x1BF5;
	[smem:$0x3FAC] =	sst s0  }
0x18: {  	s0 =	sld [smem:$0x3F8F];
	_ =	swait.ge [sflag:s4], $0x0  }
0x19: {  	s7 =	sld [smem:$0x3F90]  }
0x1a: {  	s8 =	sadd.s32 $0xFFFFE003, lr  }
0x1b: {  	s9 =	sadd.s32 $0xFFFFFEF7, lr;
	s5 =	simm.s32 $0xFFFFFFFF;
	p2 =	slt.u32 s8, $0xFFFFF086  }
0x1c: {  	p1 =	slt.u32 s9, $0xF7A;
	s5 =	simm.s32 @!p2 $0x0  }
0x1d: {  	s5 =	simm.s32 @p1 $0x1;
	p0 =	seq.s32 s7, s2  }
0x1e: {  	s7 =	smul.u32 @!p0 $0xF7A, s2;
	p2 =	seq.s32 @!p0 s5, $0x0  }
0x1f: {  	s9 =	smul.u32 $0xF7A, s1;
	s8 =	simm.s32 @!p0 $0x1BF5;
	p2 =	por !p2, p0  }
0x20: {  	[sflag:s8] =	ssyncset.s32 @!p0 $0xFFFFF086;
	s6 =	sadd.s32 @!p0 s3, s7;
	s7 =	simm.s32 @!p0 $0x108  }
0x21: {  	s3 =	sadd.s32 s3, s9;
	s6 =	sadd.s32 @!p0 $0x88, s6;
	s7 =	simm.s32 @p2 $0x1082  }
0x22: {  	[simem:s7], [sflag:s8] =	dma.local @!p0 [hbm:s6], $0xF7A  }
0x23: {  	s9 =	sor.u32 $0xD0000000, s2;
	s6 =	simm.s32 $0x108;
	_ =	swait.ge @!p0 [sflag:s8], $0x0  }
0x24: {  	s3 =	sadd.s32 $0x88, s3;
	s6 =	simm.s32 @!p1 $0x1082;
	[sflag:s4] =	ssyncset.s32 $0xFFFFF086  }
0x25: {  	[simem:s6], [sflag:s4] =	dma.local [hbm:s3], $0xF7A  }
0x26: {  	[smem:$0x3F90] =	sst s1;
	(tag) =	ssettag s2;
	_ =	strace s9  }
0x27: {  	s1 =	sld [smem:$0x3FA0]  }
0x28: {  	s2 =	sld [smem:$0x3FA1]  }
0x29: {  	s4 =	sld [smem:$0x3FA3]  }
0x2a: {  	p0 =	seq.s32 s5, $0x0;
	s5 =	sld [smem:$0x3FA4]  }
0x2b: {  	s6 =	sld [smem:$0x3FA5]  }
0x2c: {  	s7 =	sld [smem:$0x3FA6]  }
0x2d: {  	s3 =	simm.s32 $0x108;
	s8 =	sld [smem:$0x3FA7]  }
0x2e: {  	s3 =	simm.s32 @!p0 $0x1082;
	s9 =	sld [smem:$0x3FA8]  }
0x2f: {  	lr =	sadd.s32 s0, s3;
	s0 =	sld [smem:$0x3F9F]  }
0x30: {  	s3 =	sld [smem:$0x3FA2]  }
0x31: {  	[smem:$0x3FAB] =	sst s10  }
0x32: {  	s10 =	sld [smem:$0x3FA9];
	_ =	sdelay $0x3  }
0x33: {  	p0 =	seq.s32 s10, $0x1;
	s10 =	sld [smem:$0x3FAB];
	_ =	sdelay $0x3  }
0x34: {  	[smem:$0x3FAB] =	sst s10  }
0x35: {  	s10 =	sld [smem:$0x3FAA];
	_ =	sdelay $0x3  }
0x36: {  	p1 =	seq.s32 s10, $0x1;
	s10 =	sld [smem:$0x3FAB];
	_ =	sdelay $0x3  }
0x37: {  	[smem:$0x3FAB] =	sst s10  }
0x38: {  	s10 =	sld [smem:$0x3FAC]  }
0x39: {  	_ = 	snop;
	(pc) =	sbr.ind lr, $3  }
0x3a: {  	_ = 	snop  }
0x3b: {  	_ = 	snop  }
0x3c: {  	p2 =	seq.s32 s10, $0x1;
	s10 =	sld [smem:$0x3FAB]  }
0x3d: {  	_ =	shalt  }
0x3e: {  	_ =	shalt  }
0x3f: {  	_ =	shalt  }
0x40: {  	_ =	shalt  }
0x41: {  	_ =	shalt  }
0x42: {  	_ =	shalt  }
0x43: {  	_ =	shalt  }
0x44: {  	_ =	shalt  }
0x45: {  	_ =	shalt  }
0x46: {  	_ =	shalt  }
0x47: {  	_ =	shalt  }
0x48: {  	_ =	shalt  }
0x49: {  	_ =	shalt  }
0x4a: {  	_ =	shalt  }
0x4b: {  	_ =	shalt  }
0x4c: {  	_ =	shalt  }
0x4d: {  	_ =	shalt  }
0x4e: {  	_ =	shalt  }
0x4f: {  	_ =	shalt  }
0x50: {  	_ =	shalt  }
0x51: {  	_ =	shalt  }
0x52: {  	_ =	shalt  }
0x53: {  	_ =	shalt  }
0x54: {  	_ =	shalt  }
0x55: {  	_ =	shalt  }
0x56: {  	_ =	shalt  }
0x57: {  	_ =	shalt  }
0x58: {  	_ =	shalt  }
0x59: {  	_ =	shalt  }
0x5a: {  	_ =	shalt  }
0x5b: {  	_ =	shalt  }
0x5c: {  	_ =	shalt  }
0x5d: {  	_ =	shalt  }
0x5e: {  	_ =	shalt  }
0x5f: {  	_ =	shalt  }
0x60: {  	_ =	shalt  }
0x61: {  	_ =	shalt  }
0x62: {  	_ =	shalt  }
0x63: {  	_ =	shalt  }
0x64: {  	_ =	shalt  }
0x65: {  	_ =	shalt  }
0x66: {  	_ =	shalt  }
0x67: {  	_ =	shalt  }
0x68: {  	_ =	shalt  }
0x69: {  	_ =	shalt  }
0x6a: {  	_ =	shalt  }
0x6b: {  	_ =	shalt  }
0x6c: {  	_ =	shalt  }
0x6d: {  	_ =	shalt  }
0x6e: {  	_ =	shalt  }
0x6f: {  	_ =	shalt  }
0x70: {  	_ =	shalt  }
0x71: {  	_ =	shalt  }
0x72: {  	_ =	shalt  }
0x73: {  	_ =	shalt  }
0x74: {  	_ =	shalt  }
0x75: {  	_ =	shalt  }
0x76: {  	_ =	shalt  }
0x77: {  	_ =	shalt  }
0x78: {  	_ =	shalt  }
0x79: {  	_ =	shalt  }
0x7a: {  	_ =	shalt  }
0x7b: {  	_ =	shalt  }
0x7c: {  	_ =	shalt  }
0x7d: {  	_ =	shalt  }
0x7e: {  	_ =	shalt  }
0x7f: {  	_ =	shalt  }
0x80: {  	_ =	shalt  }
0x81: {  	_ =	shalt  }
0x82: {  	_ =	shalt  }
0x83: {  	_ =	shalt  }
0x84: {  	_ =	shalt  }
0x85: {  	_ =	shalt  }
0x86: {  	_ =	shalt  }
0x87: {  	_ =	shalt  }
.Lfunc_end0:
.L_simem_size_0:
called_computation.3_lowered:
.L_overlay_start_0:
0x88: {  	s2 =	sld [smem:$0x3FD9]  }
0x89: {  	s3 =	sld [smem:$0x3FFE];
	_ =	sdelay $0x1  }
0x8a: {  	s1 =	srdreg.scid  }
0x8b: {  	s0 =	sand.u32 $0x1, s1  }
0x8c: {  	s16 =	sshll.u32 s0, $0xA;
	s2 =	sadd.s32 s3, s2  }
0x8d: {  	s2 =	sadd.s32 s2, s16  }
0x8e: {  	[smem:$0x3FB7] =	sst s2  }
0x8f: {  	_ = 	snop  }
0x90: {  	(tm) =	ssettm $0x1  }
0x91: {  	s17 =	sld [smem:$0x3FFB];
	_ =	sdelay $0x3  }
0x92: {  	_ =	strace s17  }
0x93: {  	s2 =	sld [smem:$0x3FFC];
	_ =	sdelay $0x3  }
0x94: {  	_ =	strace s2  }
0x95: {  	s2 =	sld [smem:$0x3FFD];
	_ =	sdelay $0x3  }
0x96: {  	_ =	strace s2  }
0x97: {  	_ =	strace $0x8FFFFFFF  }
0x98: {  	s18 =	sld [smem:$0x3FDB];
	_ =	sdelay $0x1  }
0x99: {  	s19 =	simm.s32 $_scs_section_size  }
0x9a: {  	s4 =	simm.s32 $_size__tile_overlayer_lowered;
	s5 =	simm.s32 $_tile_overlayer_lowered  }
0x9b: {  	s22 =	simm.s32 $0x1BFF;
	s21 =	sshll.u32 s5, $0x1;
	s2 =	sadd.s32 s19, s18  }
0x9c: {  	s6 =	simm.s32 $0x0;
	s20 =	sshll.u32 s4, $0x1;
	s4 =	sadd.s32 s21, s2  }
0x9d: {  	[timem:s6], [sflag:s22] =	dma.local [hbm:s4], s20  }
0x9e: {  	_ =	swait.ge [sflag:s22], s20  }
0x9f: {  	s3 =	ssub.s32 $0x0, s20;
	[sflag:s22] =	ssyncset.done $0x0  }
0xa0: {  	[sflag:s22] =	ssyncadd.s32 s3;
	_ =	sdelay $0x1  }
0xa1: {  	s23 =	simm.s32 $0x1B8B  }
0xa2: {  	_ =	swait.ge [sflag:s23], $0x1  }
0xa3: {  	[sflag:s23] =	ssyncset.done $0x0  }
0xa4: {  	s25 =	simm.s32 $0x1B8E;
	s24 =	sld [smem:$0x3FFE];
	[sflag:s23] =	ssyncadd.s32 $0xFFFFFFFF  }
0xa5: {  	s26 =	simm.s32 $execute0_lowered;
	[smem:$0x3FD2] =	sst s25  }
0xa6: {  	s4 =	sshll.u32 s26, $0x1;
	_ =	strace $0x8000004F;
	[dreg:$0x1] =	wrdreg $0xFFFFFFFF  }
0xa7: {  	s28 =	simm.s32 $_size_execute0_lowered;
	s2 =	sadd.s32 s2, s4;
	[dreg:$0x0] =	wrdreg $0x0  }
0xa8: {  	s4 =	sshll.u32 s28, $0x1;
	[dreg:$0x2] =	wrdreg s2  }
0xa9: {  	[dreg:$0x3] =	wrdreg s4  }
0xaa: {  	[dreg:$0x4] =	wrdreg $0xC0  }
0xab: {  	_ =	task [dreg:s6], $0x5FFFF  }
0xac: {  	[dreg:$0x1] =	wrdreg $0xFFFFFFFF  }
0xad: {  	[dreg:$0x0] =	wrdreg $0x60  }
0xae: {  	[dreg:$0x2] =	wrdreg s24  }
0xaf: {  	[dreg:$0x3] =	wrdreg $0x100400  }
0xb0: {  	[dreg:$0x4] =	wrdreg $0x9  }
0xb1: {  	_ =	task.clear_ibuf [dreg:s6], $0x5FFFF;
	_ =	strace $0x9000004F  }
0xb2: {  	s29 =	simm.s32 $0x9;
	_ =	strace $0x80000051  }
0xb3: {  	_ =	swait.ge [sflag:s29], $0x1  }
0xb4: {  	[sflag:s29] =	ssyncadd.s32 $0xFFFFFFFF  }
0xb5: {  	_ =	strace $0x90000051  }
0xb6: {  	_ =	sfence  }
0xb7: {  	s30 =	sld [smem:$0x0];
	_ =	sdelay $0x2  }
0xb8: {  	s31 =	sshll.u32 s1, $0xD;
	s1 =	sshrl.u32 s1, $0x2  }
0xb9: {  	s3 =	sand.u32 $0x4000, s31;
	s1 =	sadd.s32 s1, s30  }
0xba: {  	s0 =	sor.u32 s3, s0;
	s1 =	sshll.u32 s1, $0x11  }
0xbb: {  	s0 =	sor.u32 s1, s0  }
0xbc: {  	s0 =	sadd.s32 $0x8F2B, s0  }
0xbd: {  	[sflag:s0] =	ssyncadd.remote.s32 $0x1  }
0xbe: {  	_ =	sfence.sel $0xFFFF  }
0xbf: {  	[dreg:$0x0] =	wrdreg $0xFFFFFFFF;
	(pc) =	sbr.abs _section_cstart, $3  }
0xc0: {  	[dreg:$0x1] =	wrdreg $0xFFFFFFFF  }
0xc1: {  	_ =	task.clear_ibuf [dreg:s6], $0x2FFFF;
	_ =	strace $0x9FFFFFFF  }
0xc2: {  	(tm) =	ssettm $0x7FFFFFFF  }
0xc3: {  	_ =	shalt  }
tec
execute0_lowered:
.L_overlay_start_1:
0x0: {  	(tag) =	ssettag $0x1  }
0x1: {  	s6 =	rddreg [dreg:$0x0]  }
0x2: {  	s2 =	rddreg [dreg:$0x1]  }
0x3: {  	s0 =	rddreg [dreg:$0x2];
	s1 =	stileid.u32  }
0x4: {  	s4 =	srdreg.scid;
	s3 =	simm.s32 $0x0;
	s13 =	simm.s32 $0x17800  }
0x5: {  	s14 =	simm.s32 $0xC8;
	s15 =	simm.s32 $0x9C40;
	s16 =	simm.s32 $0xCE40  }
0x6: {  	s17 =	simm.s32 $0x1;
	s18 =	simm.s32 $0x2;
	s19 =	simm.s32 $0x4D58  }
0x7: {  	s20 =	simm.s32 $0x9AB0;
	s21 =	simm.s32 $0x9B78;
	s5 =	smul.u32 $0x9C4, s1  }
0x8: {  	s22 =	simm.s32 $0x0;
	s7 =	sand.u32 $0x1, s4;
	s8 =	smul.u32 $0xA000, s1  }
0x9: {  	[smem:$0x7FF] =	sst s3;
	s4 =	sadd.s32 $0x22A00, s6;
	s31 =	sshll.u32 s1, $0x6  }
0xa: {  	s9 =	smul.u32 $0xA0000, s7;
	_ =	strace $0x80000050;
	s11 =	ssub.s32 $0x2, s7  }
0xb: {  	p0 =	seq.s32 s7, $0x1;
	s10 =	sadd.s32 s5, s6;
	s5 =	sadd.s32 $0x21600, s6  }
0xc: {  	s12 =	sshrl.u32 s11, $0x1;
	s30 =	sadd.s32 s8, s2;
	s13 =	simm.s32 @!p0 $0xDA00  }
0xd: {  	s9 =	sadd.s32 s8, s9;
	s11 =	ssub.s32 s11, s12;
	s7 =	sadd.s32 $0x3C00, s10  }
0xe: {  	s10 =	sadd.s32 s13, s10;
	s12 =	simm.s32 $0x3;
	s9 =	sshrl.u32 s9, $0x3  }
0xf: {  	s13 =	simm.s32 $0x4E20;
	s9 =	sadd.s32 s9, s6;
	s6 =	sor.u32 $0x1C03, s31  }
0x10: {  	s8 =	sadd.s32 $0x49C00, s9;
	s9 =	smax.u32 s11, $0x1;
	s11 =	sshrl.u32 s30, $0x3  }
.LBB2_1:
0x11: {  	[spmem:s11], [sflag:s6] =	dma.local [hbm:s5], $0x1400  }
0x12: {  	_ =	swait.ge [sflag:s12], $0x1400  }
0x13: {  	[sflag:s12] =	ssyncset.done $0x0  }
0x14: {  	[sflag:s12] =	ssyncadd.s32 $0xFFFFEC00  }
0x15: {  	[tilespmem:s3], [sflag:$0x3] =	stream.linear.gather [hbm4b:s10+s3], $0x4E20, $0x38;
	[tilespmem:$0x1A040] =	vst v63  }
0x16: {  	_ =	swait.ge [sflag:s12], $0x4E20  }
0x17: {  	[sflag:s12] =	ssyncset.done $0x0  }
0x18: {  	[sflag:s12] =	ssyncadd.s32 $0xFFFFB1E0  }
0x19: {  	[tilespmem:s13], [sflag:$0x3] =	stream.linear.gather [hbm4b:s7+s3], $0x4E20, $0x38;
	[tilespmem:$0x1A040] =	vst v63  }
0x1a: {  	_ =	swait.ge [sflag:s12], $0x4E20  }
0x1b: {  	[sflag:s12] =	ssyncset.done $0x0  }
0x1c: {  	[sflag:s12] =	ssyncadd.s32 $0xFFFFB1E0  }
0x1d: {  	[bflag:$0x0] =	sbarrier.arrive $0xFFFF  }
0x1e: {  	[tilespmem:s15], [sflag:$0x1] =	stream.indirect.gather [hbm4b:s4+s14], $0x40, s3, s14, $0xb8;
	[tilespmem:$0x1A040] =	vst v63  }
0x1f: {  	s23 =	simm.s32 $0xC8  }
0x20: {  	[tilespmem:s16], [sflag:$0x2] =	stream.indirect.gather [hbm4b:s4+s14], $0x40, s23, s14, $0xb8;
	[tilespmem:$0x1A040] =	vst v63  }
0x21: {  	_ =	swait.ge [sflag:s17], $0x3200  }
0x22: {  	[sflag:s17] =	ssyncset.done $0x0  }
0x23: {  	s29 =	simm.s32 $0x4E20;
	[sflag:s17] =	ssyncadd.s32 $0xFFFFCE00  }
0x24: {  	[spmem:s2] =	stream.indirect.scatter.add.f32 [tilespmem:s15], [sflag:$0x3], $0x40, s29, s14, $0xb8;
	[tilespmem:$0x1A040] =	vst v63  }
0x25: {  	_ =	swait.ge [sflag:s12], $0x3200  }
0x26: {  	[sflag:s12] =	ssyncset.done $0x0  }
0x27: {  	s30 =	simm.s32 $0x190;
	[sflag:s12] =	ssyncadd.s32 $0xFFFFCE00  }
0x28: {  	[tilespmem:s15], [sflag:$0x1] =	stream.indirect.gather [hbm4b:s4+s14], $0x40, s30, s14, $0xb8;
	[tilespmem:$0x1A040] =	vst v63  }
0x29: {  	_ =	swait.ge [sflag:s18], $0x3200  }
0x2a: {  	[sflag:s18] =	ssyncset.done $0x0  }
0x2b: {  	s31 =	simm.s32 $0x4EE8;
	[sflag:s18] =	ssyncadd.s32 $0xFFFFCE00  }
0x2c: {  	[spmem:s2] =	stream.indirect.scatter.add.f32 [tilespmem:s16], [sflag:$0x3], $0x40, s31, s14, $0xb8;
	[tilespmem:$0x1A040] =	vst v63  }
0x2d: {  	_ =	swait.ge [sflag:s12], $0x3200  }
0x2e: {  	s24 =	simm.s32 $0xC80;
	s23 =	simm.s32 $0x190;
	[sflag:s12] =	ssyncset.done $0x0  }
.LBB2_2:
0x2f: {  	s25 =	sadd.s32 $0xC8, s23  }
0x30: {  	[sflag:s12] =	ssyncadd.s32 $0xFFFFCE00;
	s26 =	smov.u32 s24;
	s28 =	sadd.s32 $0x640, s24  }
0x31: {  	[tilespmem:s16], [sflag:$0x2] =	stream.indirect.gather [hbm4b:s4+s14], $0x40, s25, s14, $0xb8;
	[tilespmem:$0x1A040] =	vst v63  }
0x32: {  	p0 =	sne.s32 s24, $0x12C00;
	_ =	swait.ge [sflag:s17], $0x3200  }
0x33: {  	[sflag:s17] =	ssyncset.done $0x0  }
0x34: {  	s24 =	sadd.s32 $0x4E20, s23;
	[sflag:s17] =	ssyncadd.s32 $0xFFFFCE00  }
0x35: {  	[spmem:s2] =	stream.indirect.scatter.add.f32 [tilespmem:s15], [sflag:$0x3], $0x40, s24, s14, $0xb8;
	[tilespmem:$0x1A040] =	vst v63  }
0x36: {  	_ =	swait.ge [sflag:s12], $0x3200  }
0x37: {  	[sflag:s12] =	ssyncset.done $0x0  }
0x38: {  	s24 =	sadd.s32 $0x190, s23;
	[sflag:s12] =	ssyncadd.s32 $0xFFFFCE00  }
0x39: {  	[tilespmem:s15], [sflag:$0x1] =	stream.indirect.gather [hbm4b:s4+s14], $0x40, s24, s14, $0xb8;
	[tilespmem:$0x1A040] =	vst v63  }
0x3a: {  	_ =	swait.ge [sflag:s18], $0x3200  }
.Ltmp0:
0x3b: {  	[sflag:s18] =	ssyncset.done $0x0;
	(pc) =	sbr.rel @p0 .LBB2_2-.Ltmp0, $4  }
0x3c: {  	s23 =	sadd.s32 $0x4EE8, s23;
	[sflag:s18] =	ssyncadd.s32 $0xFFFFCE00  }
0x3d: {  	[spmem:s2] =	stream.indirect.scatter.add.f32 [tilespmem:s16], [sflag:$0x3], $0x40, s23, s14, $0xb8;
	[tilespmem:$0x1A040] =	vst v63  }
0x3e: {  	_ =	swait.ge [sflag:s12], $0x3200  }
0x3f: {  	s24 =	smov.u32 s28;
	s23 =	sshra.s32 s26, $0x2;
	[sflag:s12] =	ssyncset.done $0x0  }
0x40: {  	s24 =	sadd.s32 $0xC8, s23;
	[sflag:s12] =	ssyncadd.s32 $0xFFFFCE00  }
0x41: {  	[tilespmem:s16], [sflag:$0x2] =	stream.indirect.gather [hbm4b:s4+s14], $0x40, s24, s14, $0xb8;
	[tilespmem:$0x1A040] =	vst v63  }
0x42: {  	_ =	swait.ge [sflag:s17], $0x3200  }
0x43: {  	[sflag:s17] =	ssyncset.done $0x0  }
0x44: {  	s29 =	sadd.s32 $0x4E20, s23;
	[sflag:s17] =	ssyncadd.s32 $0xFFFFCE00  }
0x45: {  	[spmem:s2] =	stream.indirect.scatter.add.f32 [tilespmem:s15], [sflag:$0x3], $0x40, s29, s14, $0xb8;
	[tilespmem:$0x1A040] =	vst v63  }
0x46: {  	_ =	swait.ge [sflag:s12], $0x3200  }
0x47: {  	[sflag:s12] =	ssyncset.done $0x0  }
0x48: {  	s30 =	sadd.s32 $0x190, s23;
	[sflag:s12] =	ssyncadd.s32 $0xFFFFCE00  }
0x49: {  	[tilespmem:s15], [sflag:$0x1] =	stream.indirect.gather [hbm4b:s4+s14], $0x40, s30, s14, $0xb8;
	[tilespmem:$0x1A040] =	vst v63  }
0x4a: {  	_ =	swait.ge [sflag:s18], $0x3200  }
0x4b: {  	[sflag:s18] =	ssyncset.done $0x0  }
0x4c: {  	s31 =	sadd.s32 $0x4EE8, s23;
	[sflag:s18] =	ssyncadd.s32 $0xFFFFCE00  }
0x4d: {  	[spmem:s2] =	stream.indirect.scatter.add.f32 [tilespmem:s16], [sflag:$0x3], $0x40, s31, s14, $0xb8;
	[tilespmem:$0x1A040] =	vst v63  }
0x4e: {  	_ =	swait.ge [sflag:s12], $0x3200  }
0x4f: {  	[sflag:s12] =	ssyncset.done $0x0  }
0x50: {  	[sflag:s12] =	ssyncadd.s32 $0xFFFFCE00  }
0x51: {  	[tilespmem:s16], [sflag:$0x2] =	stream.indirect.gather [hbm4b:s4+s14], $0x40, s19, s14, $0xb8;
	[tilespmem:$0x1A040] =	vst v63  }
0x52: {  	_ =	swait.ge [sflag:s17], $0x3200  }
0x53: {  	[sflag:s17] =	ssyncset.done $0x0  }
0x54: {  	[sflag:s17] =	ssyncadd.s32 $0xFFFFCE00  }
0x55: {  	[spmem:s2] =	stream.indirect.scatter.add.f32 [tilespmem:s15], [sflag:$0x3], $0x40, s20, s14, $0xb8;
	[tilespmem:$0x1A040] =	vst v63  }
0x56: {  	_ =	swait.ge [sflag:s12], $0x3200  }
0x57: {  	[sflag:s12] =	ssyncset.done $0x0  }
0x58: {  	[sflag:s12] =	ssyncadd.s32 $0xFFFFCE00  }
0x59: {  	_ =	swait.ge [sflag:s18], $0x3200  }
0x5a: {  	[sflag:s18] =	ssyncset.done $0x0  }
0x5b: {  	[sflag:s18] =	ssyncadd.s32 $0xFFFFCE00  }
0x5c: {  	[spmem:s2] =	stream.indirect.scatter.add.f32 [tilespmem:s16], [sflag:$0x3], $0x40, s21, s14, $0xb8;
	[tilespmem:$0x1A040] =	vst v63  }
0x5d: {  	_ =	swait.ge [sflag:s12], $0x3200  }
0x5e: {  	s22 =	sadd.s32 $0x1, s22;
	[sflag:s12] =	ssyncset.done $0x0  }
0x5f: {  	p0 =	sne.s32 s22, s9;
	[sflag:s12] =	ssyncadd.s32 $0xFFFFCE00  }
.Ltmp1:
0x60: {  	[bflag:$0x0] =	sbarrier.arrive $0xFFFF;
	(pc) =	sbr.rel @p0 .LBB2_1-.Ltmp1, $4  }
0x61: {  	[hbm:s8], [sflag:s6] =	dma.local [spmem:s11], $0x1400  }
0x62: {  	_ =	swait.ge [sflag:s12], $0x1400  }
0x63: {  	[sflag:s12] =	ssyncset.done $0x0  }
0x64: {  	[sflag:s12] =	ssyncadd.s32 $0xFFFFEC00  }
0x65: {  	_ =	sfence.sel $0x180000  }
0x66: {  	[bflag:$0x0] =	sbarrier.arrive $0xFFFF  }
0x67: {  	p0 =	sne.s32 s1, $0x0;
	_ =	strace $0x90000050  }
0x68: {  	s0 =	sadd.s32 @!p0 $0x100000, s0;
	[bflag:$0x2] =	sbarrier.arrive $0xFFFF  }
0x69: {  	[sflag:s0] =	ssyncadd.tile.s32 @!p0 $0x1;
	_ =	shalt  }
.Lfunc_end2:
_tile_overlayer_lowered:
.L_overlay_start_2:
0x6a: {  	(tag) =	ssettag $0x2  }
0x6b: {  	s0 =	rddreg [dreg:$0x0];
	s2 =	stileid.u32  }
0x6c: {  	s1 =	rddreg [dreg:$0x1];
	p0 =	sne.s32 s2, $0x0  }
0x6d: {  	s3 =	rddreg [dreg:$0x2];
	[bflag:$0x3] =	sbarrier.arrive $0xFFFF;
	s2 =	simm.s32 @!p0 $0x1C03  }
0x6e: {  	[timem:s3], [sflag:s2] =	dma.local @!p0 [hbm:s0], s1  }
0x6f: {  	s0 =	simm.s32 @!p0 $0x3  }
0x70: {  	_ =	swait.ge @!p0 [sflag:s0], s1  }
0x71: {  	s1 =	ssub.s32 @!p0 $0x0, s1;
	[sflag:s0] =	ssyncset.done @!p0 $0x0  }
0x72: {  	[sflag:s0] =	ssyncadd.s32 @!p0 s1  }
0x73: {  	[bflag:$0x3] =	sbarrier.arrive $0xFFFF  }
0x74: {  	_ =	shalt  }

</sc_bundles>
